<compile_context>
chip_gen: v7x
topology: tpu7x:2x2x1
jax: 0.10.2.dev20260603
libtpu: 0.0.44.dev20260713+nightly
codegen_flags: <defaults>
</compile_context>

<pallas_src>
import functools

import jax
import jax.numpy as jnp
from jax import lax
from jax.experimental import pallas as pl
from jax.experimental.pallas import tpu as pltpu
from jax.experimental.pallas import tpu_sc as plsc

VOCAB = 1000000
EMBED = 64
B = 4096

_info = plsc.get_sparse_core_info()
_NC, _NS = _info.num_cores, _info.num_subcores
_NW = _NC * _NS
_BPW = B // _NW
_CHUNK = 16

_mesh = plsc.VectorSubcoreMesh(core_axis_name="c", subcore_axis_name="s")


def _make_gather():
    @functools.partial(
        pl.kernel,
        mesh=_mesh,
        out_type=[
            jax.ShapeDtypeStruct((B, EMBED, 128), jnp.float32),
            jax.ShapeDtypeStruct((B, EMBED, 128), jnp.float32),
        ],
        scratch_types=[
            pltpu.VMEM((_BPW,), jnp.int32),
            pltpu.VMEM((_BPW,), jnp.int32),
            *[pltpu.VMEM((EMBED, 128), jnp.float32) for _ in range(8)],
            *[pltpu.SemaphoreType.DMA for _ in range(16)],
        ],
    )
    def gather_k(tgt_hbm, ctx_hbm, in_tab, out_tab, ga_hbm, gb_hbm,
                 idx_va, idx_vb,
                 ta0, ta1, ta2, ta3, tb0, tb1, tb2, tb3,
                 ia0, ia1, ia2, ia3, ib0, ib1, ib2, ib3,
                 oa0, oa1, oa2, oa3, ob0, ob1, ob2, ob3):
        ta = [ta0, ta1, ta2, ta3]
        tb = [tb0, tb1, tb2, tb3]
        sin_a = [ia0, ia1, ia2, ia3]
        sin_b = [ib0, ib1, ib2, ib3]
        sout_a = [oa0, oa1, oa2, oa3]
        sout_b = [ob0, ob1, ob2, ob3]
        wid = lax.axis_index("s") * _NC + lax.axis_index("c")
        base = wid * _BPW
        pltpu.sync_copy(tgt_hbm.at[pl.ds(base, _BPW)], idx_va)
        pltpu.sync_copy(ctx_hbm.at[pl.ds(base, _BPW)], idx_vb)

        def chunk_body(c, carry):
            j0 = c * _CHUNK
            veca = idx_va[pl.ds(j0, _CHUNK)]
            vecb = idx_vb[pl.ds(j0, _CHUNK)]
            for u in range(_CHUNK + 2):
                slot = u % 4
                if 2 <= u:
                    w = u - 2
                    ws = w % 4
                    jw = base + j0 + w
                    pltpu.make_async_copy(in_tab.at[:, pl.ds(0, 128)],
                                          ta[ws], sin_a[ws]).wait()
                    pltpu.make_async_copy(out_tab.at[:, pl.ds(0, 128)],
                                          tb[ws], sin_b[ws]).wait()
                    pltpu.async_copy(ta[ws], ga_hbm.at[jw], sout_a[ws])
                    pltpu.async_copy(tb[ws], gb_hbm.at[jw], sout_b[ws])
                if u < _CHUNK:
                    if u >= 4:
                        jp = base + j0 + u - 4
                        pltpu.make_async_copy(ta[slot], ga_hbm.at[jp],
                                              sout_a[slot]).wait()
                        pltpu.make_async_copy(tb[slot], gb_hbm.at[jp],
                                              sout_b[slot]).wait()
                    offa = pl.multiple_of(veca[u] // 128 * 128, 128)
                    offb = pl.multiple_of(vecb[u] // 128 * 128, 128)
                    pltpu.async_copy(in_tab.at[:, pl.ds(offa, 128)],
                                     ta[slot], sin_a[slot])
                    pltpu.async_copy(out_tab.at[:, pl.ds(offb, 128)],
                                     tb[slot], sin_b[slot])
            for w in range(_CHUNK - 4, _CHUNK):
                slot = w % 4
                jt = base + j0 + w
                pltpu.make_async_copy(ta[slot], ga_hbm.at[jt],
                                      sout_a[slot]).wait()
                pltpu.make_async_copy(tb[slot], gb_hbm.at[jt],
                                      sout_b[slot]).wait()
            return carry

        lax.fori_loop(0, _BPW // _CHUNK, chunk_body, 0)

    return gather_k


_gather = _make_gather()

_BE = 256
_BM = 512


def _ex_body(c_ref, t_ref, o_ref):
    c = c_ref[...]
    lanes = lax.broadcasted_iota(jnp.int32, (_BE, 1, 128), 2)
    oh = (lanes == c[:, :, None]).astype(jnp.float32)
    o_ref[...] = jnp.sum(t_ref[...] * oh, axis=2)


def _extract(tiles, cols):
    return pl.pallas_call(
        _ex_body,
        grid=(B // _BE,),
        in_specs=[
            pl.BlockSpec((_BE, 1), lambda i: (i, 0)),
            pl.BlockSpec((_BE, EMBED, 128), lambda i: (i, 0, 0)),
        ],
        out_specs=pl.BlockSpec((_BE, EMBED), lambda i: (i, 0)),
        out_shape=jax.ShapeDtypeStruct((B, EMBED), jnp.float32),
    )(cols, tiles)


def _mm_body(a_ref, b_ref, o_ref):
    a = a_ref[...].astype(jnp.bfloat16)
    b = b_ref[...].astype(jnp.bfloat16)
    o_ref[...] = lax.dot_general(
        a, b, (((1,), (1,)), ((), ())),
        preferred_element_type=jnp.float32)


def kernel(target, context, in_embed, out_embed):
    tgt = target.astype(jnp.int32)
    ctx = context.astype(jnp.int32)
    ga, gb = _gather(tgt, ctx, in_embed.T, out_embed.T)
    in_embeds = _extract(ga, (tgt % 128).reshape(B, 1))
    out_embeds = _extract(gb, (ctx % 128).reshape(B, 1))
    scores = pl.pallas_call(
        _mm_body,
        grid=(B // _BM,),
        in_specs=[
            pl.BlockSpec((_BM, EMBED), lambda i: (i, 0)),
            pl.BlockSpec((B, EMBED), lambda i: (0, 0)),
        ],
        out_specs=pl.BlockSpec((_BM, B), lambda i: (i, 0)),
        out_shape=jax.ShapeDtypeStruct((B, B), jnp.float32),
    )(in_embeds, out_embeds)
    return scores

# --- scband reference (transcript-rebuilt; emitter-appended) ---
"""Pipeline reference for scband-skip-gram-model-59820304499450 (READ-ONLY COPY).

The authoritative reference and input builder live on the scoring server;
editing this copy changes nothing except your own understanding.
"""

import jax, jax.numpy as jnp
import numpy as np

VOCAB = 1000000
EMBED = 64
B = 4096

def setup_inputs(seed: int = 0) -> dict:
    key = jax.random.key(seed)
    k1, k2, k3, k4 = jax.random.split(key, 4)
    target = jax.random.randint(k1, (B,), 0, VOCAB, dtype=jnp.int64 if jax.config.jax_enable_x64 else jnp.int32)
    context = jax.random.randint(k2, (B,), 0, VOCAB, dtype=jnp.int64 if jax.config.jax_enable_x64 else jnp.int32)
    in_embed = jax.random.normal(k3, (VOCAB, EMBED), dtype=jnp.float32)
    out_embed = jax.random.normal(k4, (VOCAB, EMBED), dtype=jnp.float32)
    return {"target": target, "context": context, "in_embed": in_embed, "out_embed": out_embed}

def reference(target, context, in_embed, out_embed):
    # in_embeds = self.in_embed(target)  -> gather rows
    in_embeds = jnp.take(in_embed, target, axis=0)        # [B, EMBED]
    # out_embeds = self.out_embed(context)
    out_embeds = jnp.take(out_embed, context, axis=0)      # [B, EMBED]
    # scores = in_embeds @ out_embeds.T
    scores = jnp.matmul(in_embeds, out_embeds.T)           # [B, B]
    return scores

if __name__ == "__main__":
    import jax
    _d = setup_inputs()
    print(jax.jit(kernel)(*tuple(_d.values())))

</pallas_src>

<mosaic_0001>
#map = affine_map<(d0, d1) -> (0)>
#map1 = affine_map<(d0, d1) -> (0, 0)>
#map2 = affine_map<(d0, d1) -> (0, 0, 0)>
module attributes {stable_mosaic.version = 14 : i64} {
  func.func @gather_k(%arg0: i32, %arg1: i32, %arg2: memref<4096xi32, #tpu.memory_space<hbm>>, %arg3: memref<4096xi32, #tpu.memory_space<hbm>>, %arg4: memref<64x1000000xf32, #tpu.memory_space<hbm>>, %arg5: memref<64x1000000xf32, #tpu.memory_space<hbm>>, %arg6: memref<4096x64x128xf32, #tpu.memory_space<hbm>>, %arg7: memref<4096x64x128xf32, #tpu.memory_space<hbm>>, %arg8: memref<128xi32, #tpu.memory_space<vmem>>, %arg9: memref<128xi32, #tpu.memory_space<vmem>>, %arg10: memref<64x128xf32, #tpu.memory_space<vmem>>, %arg11: memref<64x128xf32, #tpu.memory_space<vmem>>, %arg12: memref<64x128xf32, #tpu.memory_space<vmem>>, %arg13: memref<64x128xf32, #tpu.memory_space<vmem>>, %arg14: memref<64x128xf32, #tpu.memory_space<vmem>>, %arg15: memref<64x128xf32, #tpu.memory_space<vmem>>, %arg16: memref<64x128xf32, #tpu.memory_space<vmem>>, %arg17: memref<64x128xf32, #tpu.memory_space<vmem>>, %arg18: memref<!tpu.dma_semaphore, #tpu.memory_space<semaphore_mem>>, %arg19: memref<!tpu.dma_semaphore, #tpu.memory_space<semaphore_mem>>, %arg20: memref<!tpu.dma_semaphore, #tpu.memory_space<semaphore_mem>>, %arg21: memref<!tpu.dma_semaphore, #tpu.memory_space<semaphore_mem>>, %arg22: memref<!tpu.dma_semaphore, #tpu.memory_space<semaphore_mem>>, %arg23: memref<!tpu.dma_semaphore, #tpu.memory_space<semaphore_mem>>, %arg24: memref<!tpu.dma_semaphore, #tpu.memory_space<semaphore_mem>>, %arg25: memref<!tpu.dma_semaphore, #tpu.memory_space<semaphore_mem>>, %arg26: memref<!tpu.dma_semaphore, #tpu.memory_space<semaphore_mem>>, %arg27: memref<!tpu.dma_semaphore, #tpu.memory_space<semaphore_mem>>, %arg28: memref<!tpu.dma_semaphore, #tpu.memory_space<semaphore_mem>>, %arg29: memref<!tpu.dma_semaphore, #tpu.memory_space<semaphore_mem>>, %arg30: memref<!tpu.dma_semaphore, #tpu.memory_space<semaphore_mem>>, %arg31: memref<!tpu.dma_semaphore, #tpu.memory_space<semaphore_mem>>, %arg32: memref<!tpu.dma_semaphore, #tpu.memory_space<semaphore_mem>>, %arg33: memref<!tpu.dma_semaphore, #tpu.memory_space<semaphore_mem>>) attributes {dimension_semantics = [#tpu.dimension_semantics<core_parallel>, #tpu.dimension_semantics<subcore_parallel>], iteration_bounds = array<i64: 2, 16>, scalar_prefetch = 0 : i64, scratch_operands = 26 : i64, tpu.core_type = #tpu.core_type<sc_vector_subcore>, window_params = [{transform_indices = #map}, {transform_indices = #map}, {transform_indices = #map1}, {transform_indices = #map1}, {transform_indices = #map2}, {transform_indices = #map2}]} {
    %mul3A = arith.constant 2 : i32
    %mul3A_0 = arith.muli %arg1, %mul3A : i32
    %add3A = arith.addi %mul3A_0, %arg0 : i32
    %mul3A_1 = arith.constant 128 : i32
    %mul3A_2 = arith.muli %add3A, %mul3A_1 : i32
    "tpu.region"() ({
      %run_scoped3A = tpu.sem_alloc : memref<!tpu.dma_semaphore, #tpu.memory_space<semaphore_mem>>
      %dma_start3A = tpu.memref_slice %arg2[%mul3A_2] : memref<4096xi32, #tpu.memory_space<hbm>> -> memref<128xi32, #tpu.memory_space<hbm>>
      %dma_start3A_8 = tpu.memref_slice %arg2[%mul3A_2] : memref<4096xi32, #tpu.memory_space<hbm>> -> memref<128xi32, #tpu.memory_space<hbm>>
      tpu.enqueue_dma source(%dma_start3A_8 : memref<128xi32, #tpu.memory_space<hbm>>) target(%arg8 : memref<128xi32, #tpu.memory_space<vmem>>) target_semaphore(%run_scoped3A : memref<!tpu.dma_semaphore, #tpu.memory_space<semaphore_mem>>)
      %dma_wait3A = tpu.memref_slice %arg2[%mul3A_2] : memref<4096xi32, #tpu.memory_space<hbm>> -> memref<128xi32, #tpu.memory_space<hbm>>
      %dma_wait3A_9 = tpu.memref_slice %arg2[%mul3A_2] : memref<4096xi32, #tpu.memory_space<hbm>> -> memref<128xi32, #tpu.memory_space<hbm>>
      tpu.wait_dma2 semaphore(%run_scoped3A : memref<!tpu.dma_semaphore, #tpu.memory_space<semaphore_mem>>) src(%dma_wait3A_9 : memref<128xi32, #tpu.memory_space<hbm>>) dst(%arg8 : memref<128xi32, #tpu.memory_space<vmem>>)
      tpu.yield
    }) : () -> ()
    "tpu.region"() ({
      %run_scoped3A = tpu.sem_alloc : memref<!tpu.dma_semaphore, #tpu.memory_space<semaphore_mem>>
      %dma_start3A = tpu.memref_slice %arg3[%mul3A_2] : memref<4096xi32, #tpu.memory_space<hbm>> -> memref<128xi32, #tpu.memory_space<hbm>>
      %dma_start3A_8 = tpu.memref_slice %arg3[%mul3A_2] : memref<4096xi32, #tpu.memory_space<hbm>> -> memref<128xi32, #tpu.memory_space<hbm>>
      tpu.enqueue_dma source(%dma_start3A_8 : memref<128xi32, #tpu.memory_space<hbm>>) target(%arg9 : memref<128xi32, #tpu.memory_space<vmem>>) target_semaphore(%run_scoped3A : memref<!tpu.dma_semaphore, #tpu.memory_space<semaphore_mem>>)
      %dma_wait3A = tpu.memref_slice %arg3[%mul3A_2] : memref<4096xi32, #tpu.memory_space<hbm>> -> memref<128xi32, #tpu.memory_space<hbm>>
      %dma_wait3A_9 = tpu.memref_slice %arg3[%mul3A_2] : memref<4096xi32, #tpu.memory_space<hbm>> -> memref<128xi32, #tpu.memory_space<hbm>>
      tpu.wait_dma2 semaphore(%run_scoped3A : memref<!tpu.dma_semaphore, #tpu.memory_space<semaphore_mem>>) src(%dma_wait3A_9 : memref<128xi32, #tpu.memory_space<hbm>>) dst(%arg9 : memref<128xi32, #tpu.memory_space<vmem>>)
      tpu.yield
    }) : () -> ()
    %scan3A = arith.constant 0 : i32
    %scan3A_3 = arith.constant 0 : i32
    %scan3A_4 = arith.constant 8 : i32
    %scan3A_5 = arith.addi %scan3A_3, %scan3A_4 : i32
    %scan3A_6 = arith.constant 1 : i32
    scf.for %scan3A_8 = %scan3A_3 to %scan3A_5 step %scan3A_6  : i32 {
      %mul3A_9 = arith.constant 16 : i32
      %mul3A_10 = arith.muli %scan3A_8, %mul3A_9 : i32
      %get3A = arith.index_cast %mul3A_10 : i32 to index
      %get3A_11 = tpu.vector_load %arg8[%get3A] {strides = array<i32>} : memref<128xi32, #tpu.memory_space<vmem>>, vector<16xi32>,
      %get3A_12 = vector.shape_cast %get3A_11 : vector<16xi32> to vector<16xi32>
      %get3A_13 = arith.index_cast %mul3A_10 : i32 to index
      %get3A_14 = tpu.vector_load %arg9[%get3A_13] {strides = array<i32>} : memref<128xi32, #tpu.memory_space<vmem>>, vector<16xi32>,
      %get3A_15 = vector.shape_cast %get3A_14 : vector<16xi32> to vector<16xi32>
      %slice3A = vector.extract_strided_slice %get3A_12 {offsets = [0], sizes = [1], strides = [1]} : vector<16xi32> to vector<1xi32>
      %squeeze3A = vector.extract %slice3A[0] : i32 from vector<1xi32>
      %jit3A = arith.constant 128 : i32
      %div3A = arith.divsi %squeeze3A, %jit3A : i32
      %sign3A = arith.constant 0 : i32
      %sign3A_16 = arith.cmpi sgt, %squeeze3A, %sign3A : i32
      %sign3A_17 = arith.extui %sign3A_16 : i1 to i32
      %sign3A_18 = arith.constant 0 : i32
      %sign3A_19 = arith.cmpi slt, %squeeze3A, %sign3A_18 : i32
      %sign3A_20 = arith.extui %sign3A_19 : i1 to i32
      %sign3A_21 = arith.subi %sign3A_17, %sign3A_20 : i32
      %sign3A_22 = arith.constant 0 : i32
      %sign3A_23 = arith.cmpi sgt, %jit3A, %sign3A_22 : i32
      %sign3A_24 = arith.extui %sign3A_23 : i1 to i32
      %sign3A_25 = arith.constant 0 : i32
      %sign3A_26 = arith.cmpi slt, %jit3A, %sign3A_25 : i32
      %sign3A_27 = arith.extui %sign3A_26 : i1 to i32
      %sign3A_28 = arith.subi %sign3A_24, %sign3A_27 : i32
      %ne3A = arith.cmpi ne, %sign3A_21, %sign3A_28 : i32
      %rem3A = arith.remsi %squeeze3A, %jit3A : i32
      %ne3A_29 = arith.constant 0 : i32
      %ne3A_30 = arith.cmpi ne, %rem3A, %ne3A_29 : i32
      %and3A = arith.andi %ne3A, %ne3A_30 : i1
      %sub3A = arith.constant 1 : i32
      %sub3A_31 = arith.subi %div3A, %sub3A : i32
      %select_n3A = arith.select %and3A, %sub3A_31, %div3A : i32
      %mul3A_32 = arith.constant 128 : i32
      %mul3A_33 = arith.muli %select_n3A, %mul3A_32 : i32
      %multiple_of3A = tpu.assume_multiple %mul3A_33, 128 : i32
      %slice3A_34 = vector.extract_strided_slice %get3A_15 {offsets = [0], sizes = [1], strides = [1]} : vector<16xi32> to vector<1xi32>
      %squeeze3A_35 = vector.extract %slice3A_34[0] : i32 from vector<1xi32>
      %jit3A_36 = arith.constant 128 : i32
      %div3A_37 = arith.divsi %squeeze3A_35, %jit3A_36 : i32
      %sign3A_38 = arith.constant 0 : i32
      %sign3A_39 = arith.cmpi sgt, %squeeze3A_35, %sign3A_38 : i32
      %sign3A_40 = arith.extui %sign3A_39 : i1 to i32
      %sign3A_41 = arith.constant 0 : i32
      %sign3A_42 = arith.cmpi slt, %squeeze3A_35, %sign3A_41 : i32
      %sign3A_43 = arith.extui %sign3A_42 : i1 to i32
      %sign3A_44 = arith.subi %sign3A_40, %sign3A_43 : i32
      %sign3A_45 = arith.constant 0 : i32
      %sign3A_46 = arith.cmpi sgt, %jit3A_36, %sign3A_45 : i32
      %sign3A_47 = arith.extui %sign3A_46 : i1 to i32
      %sign3A_48 = arith.constant 0 : i32
      %sign3A_49 = arith.cmpi slt, %jit3A_36, %sign3A_48 : i32
      %sign3A_50 = arith.extui %sign3A_49 : i1 to i32
      %sign3A_51 = arith.subi %sign3A_47, %sign3A_50 : i32
      %ne3A_52 = arith.cmpi ne, %sign3A_44, %sign3A_51 : i32
      %rem3A_53 = arith.remsi %squeeze3A_35, %jit3A_36 : i32
      %ne3A_54 = arith.constant 0 : i32
      %ne3A_55 = arith.cmpi ne, %rem3A_53, %ne3A_54 : i32
      %and3A_56 = arith.andi %ne3A_52, %ne3A_55 : i1
      %sub3A_57 = arith.constant 1 : i32
      %sub3A_58 = arith.subi %div3A_37, %sub3A_57 : i32
      %select_n3A_59 = arith.select %and3A_56, %sub3A_58, %div3A_37 : i32
      %mul3A_60 = arith.constant 128 : i32
      %mul3A_61 = arith.muli %select_n3A_59, %mul3A_60 : i32
      %multiple_of3A_62 = tpu.assume_multiple %mul3A_61, 128 : i32
      %dma_start3A = arith.constant 0 : i32
      %dma_start3A_63 = tpu.memref_slice %arg4[%dma_start3A, %multiple_of3A] : memref<64x1000000xf32, #tpu.memory_space<hbm>> -> memref<64x128xf32, #tpu.memory_space<hbm>>
      %dma_start3A_64 = arith.constant 0 : i32
      %dma_start3A_65 = tpu.memref_slice %arg4[%dma_start3A_64, %multiple_of3A] : memref<64x1000000xf32, #tpu.memory_space<hbm>> -> memref<64x128xf32, #tpu.memory_space<hbm>>
      tpu.enqueue_dma source(%dma_start3A_65 : memref<64x128xf32, #tpu.memory_space<hbm>>) target(%arg10 : memref<64x128xf32, #tpu.memory_space<vmem>>) target_semaphore(%arg18 : memref<!tpu.dma_semaphore, #tpu.memory_space<semaphore_mem>>)
      %dma_start3A_66 = arith.constant 0 : i32
      %dma_start3A_67 = tpu.memref_slice %arg5[%dma_start3A_66, %multiple_of3A_62] : memref<64x1000000xf32, #tpu.memory_space<hbm>> -> memref<64x128xf32, #tpu.memory_space<hbm>>
      %dma_start3A_68 = arith.constant 0 : i32
      %dma_start3A_69 = tpu.memref_slice %arg5[%dma_start3A_68, %multiple_of3A_62] : memref<64x1000000xf32, #tpu.memory_space<hbm>> -> memref<64x128xf32, #tpu.memory_space<hbm>>
      tpu.enqueue_dma source(%dma_start3A_69 : memref<64x128xf32, #tpu.memory_space<hbm>>) target(%arg14 : memref<64x128xf32, #tpu.memory_space<vmem>>) target_semaphore(%arg22 : memref<!tpu.dma_semaphore, #tpu.memory_space<semaphore_mem>>)
      %slice3A_70 = vector.extract_strided_slice %get3A_12 {offsets = [1], sizes = [1], strides = [1]} : vector<16xi32> to vector<1xi32>
      %squeeze3A_71 = vector.extract %slice3A_70[0] : i32 from vector<1xi32>
      %jit3A_72 = arith.constant 128 : i32
      %div3A_73 = arith.divsi %squeeze3A_71, %jit3A_72 : i32
      %sign3A_74 = arith.constant 0 : i32
      %sign3A_75 = arith.cmpi sgt, %squeeze3A_71, %sign3A_74 : i32
      %sign3A_76 = arith.extui %sign3A_75 : i1 to i32
      %sign3A_77 = arith.constant 0 : i32
      %sign3A_78 = arith.cmpi slt, %squeeze3A_71, %sign3A_77 : i32
      %sign3A_79 = arith.extui %sign3A_78 : i1 to i32
      %sign3A_80 = arith.subi %sign3A_76, %sign3A_79 : i32
      %sign3A_81 = arith.constant 0 : i32
      %sign3A_82 = arith.cmpi sgt, %jit3A_72, %sign3A_81 : i32
      %sign3A_83 = arith.extui %sign3A_82 : i1 to i32
      %sign3A_84 = arith.constant 0 : i32
      %sign3A_85 = arith.cmpi slt, %jit3A_72, %sign3A_84 : i32
      %sign3A_86 = arith.extui %sign3A_85 : i1 to i32
      %sign3A_87 = arith.subi %sign3A_83, %sign3A_86 : i32
      %ne3A_88 = arith.cmpi ne, %sign3A_80, %sign3A_87 : i32
      %rem3A_89 = arith.remsi %squeeze3A_71, %jit3A_72 : i32
      %ne3A_90 = arith.constant 0 : i32
      %ne3A_91 = arith.cmpi ne, %rem3A_89, %ne3A_90 : i32
      %and3A_92 = arith.andi %ne3A_88, %ne3A_91 : i1
      %sub3A_93 = arith.constant 1 : i32
      %sub3A_94 = arith.subi %div3A_73, %sub3A_93 : i32
      %select_n3A_95 = arith.select %and3A_92, %sub3A_94, %div3A_73 : i32
      %mul3A_96 = arith.constant 128 : i32
      %mul3A_97 = arith.muli %select_n3A_95, %mul3A_96 : i32
      %multiple_of3A_98 = tpu.assume_multiple %mul3A_97, 128 : i32
      %slice3A_99 = vector.extract_strided_slice %get3A_15 {offsets = [1], sizes = [1], strides = [1]} : vector<16xi32> to vector<1xi32>
      %squeeze3A_100 = vector.extract %slice3A_99[0] : i32 from vector<1xi32>
      %jit3A_101 = arith.constant 128 : i32
      %div3A_102 = arith.divsi %squeeze3A_100, %jit3A_101 : i32
      %sign3A_103 = arith.constant 0 : i32
      %sign3A_104 = arith.cmpi sgt, %squeeze3A_100, %sign3A_103 : i32
      %sign3A_105 = arith.extui %sign3A_104 : i1 to i32
      %sign3A_106 = arith.constant 0 : i32
      %sign3A_107 = arith.cmpi slt, %squeeze3A_100, %sign3A_106 : i32
      %sign3A_108 = arith.extui %sign3A_107 : i1 to i32
      %sign3A_109 = arith.subi %sign3A_105, %sign3A_108 : i32
      %sign3A_110 = arith.constant 0 : i32
      %sign3A_111 = arith.cmpi sgt, %jit3A_101, %sign3A_110 : i32
      %sign3A_112 = arith.extui %sign3A_111 : i1 to i32
      %sign3A_113 = arith.constant 0 : i32
      %sign3A_114 = arith.cmpi slt, %jit3A_101, %sign3A_113 : i32
      %sign3A_115 = arith.extui %sign3A_114 : i1 to i32
      %sign3A_116 = arith.subi %sign3A_112, %sign3A_115 : i32
      %ne3A_117 = arith.cmpi ne, %sign3A_109, %sign3A_116 : i32
      %rem3A_118 = arith.remsi %squeeze3A_100, %jit3A_101 : i32
      %ne3A_119 = arith.constant 0 : i32
      %ne3A_120 = arith.cmpi ne, %rem3A_118, %ne3A_119 : i32
      %and3A_121 = arith.andi %ne3A_117, %ne3A_120 : i1
      %sub3A_122 = arith.constant 1 : i32
      %sub3A_123 = arith.subi %div3A_102, %sub3A_122 : i32
      %select_n3A_124 = arith.select %and3A_121, %sub3A_123, %div3A_102 : i32
      %mul3A_125 = arith.constant 128 : i32
      %mul3A_126 = arith.muli %select_n3A_124, %mul3A_125 : i32
      %multiple_of3A_127 = tpu.assume_multiple %mul3A_126, 128 : i32
      %dma_start3A_128 = arith.constant 0 : i32
      %dma_start3A_129 = tpu.memref_slice %arg4[%dma_start3A_128, %multiple_of3A_98] : memref<64x1000000xf32, #tpu.memory_space<hbm>> -> memref<64x128xf32, #tpu.memory_space<hbm>>
      %dma_start3A_130 = arith.constant 0 : i32
      %dma_start3A_131 = tpu.memref_slice %arg4[%dma_start3A_130, %multiple_of3A_98] : memref<64x1000000xf32, #tpu.memory_space<hbm>> -> memref<64x128xf32, #tpu.memory_space<hbm>>
      tpu.enqueue_dma source(%dma_start3A_131 : memref<64x128xf32, #tpu.memory_space<hbm>>) target(%arg11 : memref<64x128xf32, #tpu.memory_space<vmem>>) target_semaphore(%arg19 : memref<!tpu.dma_semaphore, #tpu.memory_space<semaphore_mem>>)
      %dma_start3A_132 = arith.constant 0 : i32
      %dma_start3A_133 = tpu.memref_slice %arg5[%dma_start3A_132, %multiple_of3A_127] : memref<64x1000000xf32, #tpu.memory_space<hbm>> -> memref<64x128xf32, #tpu.memory_space<hbm>>
      %dma_start3A_134 = arith.constant 0 : i32
      %dma_start3A_135 = tpu.memref_slice %arg5[%dma_start3A_134, %multiple_of3A_127] : memref<64x1000000xf32, #tpu.memory_space<hbm>> -> memref<64x128xf32, #tpu.memory_space<hbm>>
      tpu.enqueue_dma source(%dma_start3A_135 : memref<64x128xf32, #tpu.memory_space<hbm>>) target(%arg15 : memref<64x128xf32, #tpu.memory_space<vmem>>) target_semaphore(%arg23 : memref<!tpu.dma_semaphore, #tpu.memory_space<semaphore_mem>>)
      %add3A_136 = arith.addi %mul3A_2, %mul3A_10 : i32
      %add3A_137 = arith.constant 0 : i32
      %add3A_138 = arith.addi %add3A_136, %add3A_137 : i32
      %dma_wait3A = arith.constant 0 : i32
      %dma_wait3A_139 = arith.constant 0 : i32
      %dma_wait3A_140 = tpu.memref_slice %arg4[%dma_wait3A, %dma_wait3A_139] : memref<64x1000000xf32, #tpu.memory_space<hbm>> -> memref<64x128xf32, #tpu.memory_space<hbm>>
      %dma_wait3A_141 = arith.constant 0 : i32
      %dma_wait3A_142 = arith.constant 0 : i32
      %dma_wait3A_143 = tpu.memref_slice %arg4[%dma_wait3A_141, %dma_wait3A_142] : memref<64x1000000xf32, #tpu.memory_space<hbm>> -> memref<64x128xf32, #tpu.memory_space<hbm>>
      tpu.wait_dma2 semaphore(%arg18 : memref<!tpu.dma_semaphore, #tpu.memory_space<semaphore_mem>>) src(%dma_wait3A_143 : memref<64x128xf32, #tpu.memory_space<hbm>>) dst(%arg10 : memref<64x128xf32, #tpu.memory_space<vmem>>)
      %dma_wait3A_144 = arith.constant 0 : i32
      %dma_wait3A_145 = arith.constant 0 : i32
      %dma_wait3A_146 = tpu.memref_slice %arg5[%dma_wait3A_144, %dma_wait3A_145] : memref<64x1000000xf32, #tpu.memory_space<hbm>> -> memref<64x128xf32, #tpu.memory_space<hbm>>
      %dma_wait3A_147 = arith.constant 0 : i32
      %dma_wait3A_148 = arith.constant 0 : i32
      %dma_wait3A_149 = tpu.memref_slice %arg5[%dma_wait3A_147, %dma_wait3A_148] : memref<64x1000000xf32, #tpu.memory_space<hbm>> -> memref<64x128xf32, #tpu.memory_space<hbm>>
      tpu.wait_dma2 semaphore(%arg22 : memref<!tpu.dma_semaphore, #tpu.memory_space<semaphore_mem>>) src(%dma_wait3A_149 : memref<64x128xf32, #tpu.memory_space<hbm>>) dst(%arg14 : memref<64x128xf32, #tpu.memory_space<vmem>>)
      %dma_start3A_150 = arith.constant 0 : i32
      %dma_start3A_151 = arith.constant 0 : i32
      %dma_start3A_152 = tpu.memref_slice %arg6[%add3A_138, %dma_start3A_150, %dma_start3A_151] : memref<4096x64x128xf32, #tpu.memory_space<hbm>> -> memref<1x64x128xf32, #tpu.memory_space<hbm>>
      %dma_start3A_153 = tpu.memref_squeeze %dma_start3A_152 : memref<1x64x128xf32, #tpu.memory_space<hbm>> -> memref<64x128xf32, #tpu.memory_space<hbm>>
      %dma_start3A_154 = arith.constant 0 : i32
      %dma_start3A_155 = arith.constant 0 : i32
      %dma_start3A_156 = tpu.memref_slice %arg6[%add3A_138, %dma_start3A_154, %dma_start3A_155] : memref<4096x64x128xf32, #tpu.memory_space<hbm>> -> memref<1x64x128xf32, #tpu.memory_space<hbm>>
      %dma_start3A_157 = tpu.memref_squeeze %dma_start3A_156 : memref<1x64x128xf32, #tpu.memory_space<hbm>> -> memref<64x128xf32, #tpu.memory_space<hbm>>
      tpu.enqueue_dma source(%arg10 : memref<64x128xf32, #tpu.memory_space<vmem>>) target(%dma_start3A_157 : memref<64x128xf32, #tpu.memory_space<hbm>>) target_semaphore(%arg26 : memref<!tpu.dma_semaphore, #tpu.memory_space<semaphore_mem>>)
      %dma_start3A_158 = arith.constant 0 : i32
      %dma_start3A_159 = arith.constant 0 : i32
      %dma_start3A_160 = tpu.memref_slice %arg7[%add3A_138, %dma_start3A_158, %dma_start3A_159] : memref<4096x64x128xf32, #tpu.memory_space<hbm>> -> memref<1x64x128xf32, #tpu.memory_space<hbm>>
      %dma_start3A_161 = tpu.memref_squeeze %dma_start3A_160 : memref<1x64x128xf32, #tpu.memory_space<hbm>> -> memref<64x128xf32, #tpu.memory_space<hbm>>
      %dma_start3A_162 = arith.constant 0 : i32
      %dma_start3A_163 = arith.constant 0 : i32
      %dma_start3A_164 = tpu.memref_slice %arg7[%add3A_138, %dma_start3A_162, %dma_start3A_163] : memref<4096x64x128xf32, #tpu.memory_space<hbm>> -> memref<1x64x128xf32, #tpu.memory_space<hbm>>
      %dma_start3A_165 = tpu.memref_squeeze %dma_start3A_164 : memref<1x64x128xf32, #tpu.memory_space<hbm>> -> memref<64x128xf32, #tpu.memory_space<hbm>>
      tpu.enqueue_dma source(%arg14 : memref<64x128xf32, #tpu.memory_space<vmem>>) target(%dma_start3A_165 : memref<64x128xf32, #tpu.memory_space<hbm>>) target_semaphore(%arg30 : memref<!tpu.dma_semaphore, #tpu.memory_space<semaphore_mem>>)
      %slice3A_166 = vector.extract_strided_slice %get3A_12 {offsets = [2], sizes = [1], strides = [1]} : vector<16xi32> to vector<1xi32>
      %squeeze3A_167 = vector.extract %slice3A_166[0] : i32 from vector<1xi32>
      %jit3A_168 = arith.constant 128 : i32
      %div3A_169 = arith.divsi %squeeze3A_167, %jit3A_168 : i32
      %sign3A_170 = arith.constant 0 : i32
      %sign3A_171 = arith.cmpi sgt, %squeeze3A_167, %sign3A_170 : i32
      %sign3A_172 = arith.extui %sign3A_171 : i1 to i32
      %sign3A_173 = arith.constant 0 : i32
      %sign3A_174 = arith.cmpi slt, %squeeze3A_167, %sign3A_173 : i32
      %sign3A_175 = arith.extui %sign3A_174 : i1 to i32
      %sign3A_176 = arith.subi %sign3A_172, %sign3A_175 : i32
      %sign3A_177 = arith.constant 0 : i32
      %sign3A_178 = arith.cmpi sgt, %jit3A_168, %sign3A_177 : i32
      %sign3A_179 = arith.extui %sign3A_178 : i1 to i32
      %sign3A_180 = arith.constant 0 : i32
      %sign3A_181 = arith.cmpi slt, %jit3A_168, %sign3A_180 : i32
      %sign3A_182 = arith.extui %sign3A_181 : i1 to i32
      %sign3A_183 = arith.subi %sign3A_179, %sign3A_182 : i32
      %ne3A_184 = arith.cmpi ne, %sign3A_176, %sign3A_183 : i32
      %rem3A_185 = arith.remsi %squeeze3A_167, %jit3A_168 : i32
      %ne3A_186 = arith.constant 0 : i32
      %ne3A_187 = arith.cmpi ne, %rem3A_185, %ne3A_186 : i32
      %and3A_188 = arith.andi %ne3A_184, %ne3A_187 : i1
      %sub3A_189 = arith.constant 1 : i32
      %sub3A_190 = arith.subi %div3A_169, %sub3A_189 : i32
      %select_n3A_191 = arith.select %and3A_188, %sub3A_190, %div3A_169 : i32
      %mul3A_192 = arith.constant 128 : i32
      %mul3A_193 = arith.muli %select_n3A_191, %mul3A_192 : i32
      %multiple_of3A_194 = tpu.assume_multiple %mul3A_193, 128 : i32
      %slice3A_195 = vector.extract_strided_slice %get3A_15 {offsets = [2], sizes = [1], strides = [1]} : vector<16xi32> to vector<1xi32>
      %squeeze3A_196 = vector.extract %slice3A_195[0] : i32 from vector<1xi32>
      %jit3A_197 = arith.constant 128 : i32
      %div3A_198 = arith.divsi %squeeze3A_196, %jit3A_197 : i32
      %sign3A_199 = arith.constant 0 : i32
      %sign3A_200 = arith.cmpi sgt, %squeeze3A_196, %sign3A_199 : i32
      %sign3A_201 = arith.extui %sign3A_200 : i1 to i32
      %sign3A_202 = arith.constant 0 : i32
      %sign3A_203 = arith.cmpi slt, %squeeze3A_196, %sign3A_202 : i32
      %sign3A_204 = arith.extui %sign3A_203 : i1 to i32
      %sign3A_205 = arith.subi %sign3A_201, %sign3A_204 : i32
      %sign3A_206 = arith.constant 0 : i32
      %sign3A_207 = arith.cmpi sgt, %jit3A_197, %sign3A_206 : i32
      %sign3A_208 = arith.extui %sign3A_207 : i1 to i32
      %sign3A_209 = arith.constant 0 : i32
      %sign3A_210 = arith.cmpi slt, %jit3A_197, %sign3A_209 : i32
      %sign3A_211 = arith.extui %sign3A_210 : i1 to i32
      %sign3A_212 = arith.subi %sign3A_208, %sign3A_211 : i32
      %ne3A_213 = arith.cmpi ne, %sign3A_205, %sign3A_212 : i32
      %rem3A_214 = arith.remsi %squeeze3A_196, %jit3A_197 : i32
      %ne3A_215 = arith.constant 0 : i32
      %ne3A_216 = arith.cmpi ne, %rem3A_214, %ne3A_215 : i32
      %and3A_217 = arith.andi %ne3A_213, %ne3A_216 : i1
      %sub3A_218 = arith.constant 1 : i32
      %sub3A_219 = arith.subi %div3A_198, %sub3A_218 : i32
      %select_n3A_220 = arith.select %and3A_217, %sub3A_219, %div3A_198 : i32
      %mul3A_221 = arith.constant 128 : i32
      %mul3A_222 = arith.muli %select_n3A_220, %mul3A_221 : i32
      %multiple_of3A_223 = tpu.assume_multiple %mul3A_222, 128 : i32
      %dma_start3A_224 = arith.constant 0 : i32
      %dma_start3A_225 = tpu.memref_slice %arg4[%dma_start3A_224, %multiple_of3A_194] : memref<64x1000000xf32, #tpu.memory_space<hbm>> -> memref<64x128xf32, #tpu.memory_space<hbm>>
      %dma_start3A_226 = arith.constant 0 : i32
      %dma_start3A_227 = tpu.memref_slice %arg4[%dma_start3A_226, %multiple_of3A_194] : memref<64x1000000xf32, #tpu.memory_space<hbm>> -> memref<64x128xf32, #tpu.memory_space<hbm>>
      tpu.enqueue_dma source(%dma_start3A_227 : memref<64x128xf32, #tpu.memory_space<hbm>>) target(%arg12 : memref<64x128xf32, #tpu.memory_space<vmem>>) target_semaphore(%arg20 : memref<!tpu.dma_semaphore, #tpu.memory_space<semaphore_mem>>)
      %dma_start3A_228 = arith.constant 0 : i32
      %dma_start3A_229 = tpu.memref_slice %arg5[%dma_start3A_228, %multiple_of3A_223] : memref<64x1000000xf32, #tpu.memory_space<hbm>> -> memref<64x128xf32, #tpu.memory_space<hbm>>
      %dma_start3A_230 = arith.constant 0 : i32
      %dma_start3A_231 = tpu.memref_slice %arg5[%dma_start3A_230, %multiple_of3A_223] : memref<64x1000000xf32, #tpu.memory_space<hbm>> -> memref<64x128xf32, #tpu.memory_space<hbm>>
      tpu.enqueue_dma source(%dma_start3A_231 : memref<64x128xf32, #tpu.memory_space<hbm>>) target(%arg16 : memref<64x128xf32, #tpu.memory_space<vmem>>) target_semaphore(%arg24 : memref<!tpu.dma_semaphore, #tpu.memory_space<semaphore_mem>>)
      %add3A_232 = arith.addi %mul3A_2, %mul3A_10 : i32
      %add3A_233 = arith.constant 1 : i32
      %add3A_234 = arith.addi %add3A_232, %add3A_233 : i32
      %dma_wait3A_235 = arith.constant 0 : i32
      %dma_wait3A_236 = arith.constant 0 : i32
      %dma_wait3A_237 = tpu.memref_slice %arg4[%dma_wait3A_235, %dma_wait3A_236] : memref<64x1000000xf32, #tpu.memory_space<hbm>> -> memref<64x128xf32, #tpu.memory_space<hbm>>
      %dma_wait3A_238 = arith.constant 0 : i32
      %dma_wait3A_239 = arith.constant 0 : i32
      %dma_wait3A_240 = tpu.memref_slice %arg4[%dma_wait3A_238, %dma_wait3A_239] : memref<64x1000000xf32, #tpu.memory_space<hbm>> -> memref<64x128xf32, #tpu.memory_space<hbm>>
      tpu.wait_dma2 semaphore(%arg19 : memref<!tpu.dma_semaphore, #tpu.memory_space<semaphore_mem>>) src(%dma_wait3A_240 : memref<64x128xf32, #tpu.memory_space<hbm>>) dst(%arg11 : memref<64x128xf32, #tpu.memory_space<vmem>>)
      %dma_wait3A_241 = arith.constant 0 : i32
      %dma_wait3A_242 = arith.constant 0 : i32
      %dma_wait3A_243 = tpu.memref_slice %arg5[%dma_wait3A_241, %dma_wait3A_242] : memref<64x1000000xf32, #tpu.memory_space<hbm>> -> memref<64x128xf32, #tpu.memory_space<hbm>>
      %dma_wait3A_244 = arith.constant 0 : i32
      %dma_wait3A_245 = arith.constant 0 : i32
      %dma_wait3A_246 = tpu.memref_slice %arg5[%dma_wait3A_244, %dma_wait3A_245] : memref<64x1000000xf32, #tpu.memory_space<hbm>> -> memref<64x128xf32, #tpu.memory_space<hbm>>
      tpu.wait_dma2 semaphore(%arg23 : memref<!tpu.dma_semaphore, #tpu.memory_space<semaphore_mem>>) src(%dma_wait3A_246 : memref<64x128xf32, #tpu.memory_space<hbm>>) dst(%arg15 : memref<64x128xf32, #tpu.memory_space<vmem>>)
      %dma_start3A_247 = arith.constant 0 : i32
      %dma_start3A_248 = arith.constant 0 : i32
      %dma_start3A_249 = tpu.memref_slice %arg6[%add3A_234, %dma_start3A_247, %dma_start3A_248] : memref<4096x64x128xf32, #tpu.memory_space<hbm>> -> memref<1x64x128xf32, #tpu.memory_space<hbm>>
      %dma_start3A_250 = tpu.memref_squeeze %dma_start3A_249 : memref<1x64x128xf32, #tpu.memory_space<hbm>> -> memref<64x128xf32, #tpu.memory_space<hbm>>
      %dma_start3A_251 = arith.constant 0 : i32
      %dma_start3A_252 = arith.constant 0 : i32
      %dma_start3A_253 = tpu.memref_slice %arg6[%add3A_234, %dma_start3A_251, %dma_start3A_252] : memref<4096x64x128xf32, #tpu.memory_space<hbm>> -> memref<1x64x128xf32, #tpu.memory_space<hbm>>
      %dma_start3A_254 = tpu.memref_squeeze %dma_start3A_253 : memref<1x64x128xf32, #tpu.memory_space<hbm>> -> memref<64x128xf32, #tpu.memory_space<hbm>>
      tpu.enqueue_dma source(%arg11 : memref<64x128xf32, #tpu.memory_space<vmem>>) target(%dma_start3A_254 : memref<64x128xf32, #tpu.memory_space<hbm>>) target_semaphore(%arg27 : memref<!tpu.dma_semaphore, #tpu.memory_space<semaphore_mem>>)
      %dma_start3A_255 = arith.constant 0 : i32
      %dma_start3A_256 = arith.constant 0 : i32
      %dma_start3A_257 = tpu.memref_slice %arg7[%add3A_234, %dma_start3A_255, %dma_start3A_256] : memref<4096x64x128xf32, #tpu.memory_space<hbm>> -> memref<1x64x128xf32, #tpu.memory_space<hbm>>
      %dma_start3A_258 = tpu.memref_squeeze %dma_start3A_257 : memref<1x64x128xf32, #tpu.memory_space<hbm>> -> memref<64x128xf32, #tpu.memory_space<hbm>>
      %dma_start3A_259 = arith.constant 0 : i32
      %dma_start3A_260 = arith.constant 0 : i32
      %dma_start3A_261 = tpu.memref_slice %arg7[%add3A_234, %dma_start3A_259, %dma_start3A_260] : memref<4096x64x128xf32, #tpu.memory_space<hbm>> -> memref<1x64x128xf32, #tpu.memory_space<hbm>>
      %dma_start3A_262 = tpu.memref_squeeze %dma_start3A_261 : memref<1x64x128xf32, #tpu.memory_space<hbm>> -> memref<64x128xf32, #tpu.memory_space<hbm>>
      tpu.enqueue_dma source(%arg15 : memref<64x128xf32, #tpu.memory_space<vmem>>) target(%dma_start3A_262 : memref<64x128xf32, #tpu.memory_space<hbm>>) target_semaphore(%arg31 : memref<!tpu.dma_semaphore, #tpu.memory_space<semaphore_mem>>)
      %slice3A_263 = vector.extract_strided_slice %get3A_12 {offsets = [3], sizes = [1], strides = [1]} : vector<16xi32> to vector<1xi32>
      %squeeze3A_264 = vector.extract %slice3A_263[0] : i32 from vector<1xi32>
      %jit3A_265 = arith.constant 128 : i32
      %div3A_266 = arith.divsi %squeeze3A_264, %jit3A_265 : i32
      %sign3A_267 = arith.constant 0 : i32
      %sign3A_268 = arith.cmpi sgt, %squeeze3A_264, %sign3A_267 : i32
      %sign3A_269 = arith.extui %sign3A_268 : i1 to i32
      %sign3A_270 = arith.constant 0 : i32
      %sign3A_271 = arith.cmpi slt, %squeeze3A_264, %sign3A_270 : i32
      %sign3A_272 = arith.extui %sign3A_271 : i1 to i32
      %sign3A_273 = arith.subi %sign3A_269, %sign3A_272 : i32
      %sign3A_274 = arith.constant 0 : i32
      %sign3A_275 = arith.cmpi sgt, %jit3A_265, %sign3A_274 : i32
      %sign3A_276 = arith.extui %sign3A_275 : i1 to i32
      %sign3A_277 = arith.constant 0 : i32
      %sign3A_278 = arith.cmpi slt, %jit3A_265, %sign3A_277 : i32
      %sign3A_279 = arith.extui %sign3A_278 : i1 to i32
      %sign3A_280 = arith.subi %sign3A_276, %sign3A_279 : i32
      %ne3A_281 = arith.cmpi ne, %sign3A_273, %sign3A_280 : i32
      %rem3A_282 = arith.remsi %squeeze3A_264, %jit3A_265 : i32
      %ne3A_283 = arith.constant 0 : i32
      %ne3A_284 = arith.cmpi ne, %rem3A_282, %ne3A_283 : i32
      %and3A_285 = arith.andi %ne3A_281, %ne3A_284 : i1
      %sub3A_286 = arith.constant 1 : i32
      %sub3A_287 = arith.subi %div3A_266, %sub3A_286 : i32
      %select_n3A_288 = arith.select %and3A_285, %sub3A_287, %div3A_266 : i32
      %mul3A_289 = arith.constant 128 : i32
      %mul3A_290 = arith.muli %select_n3A_288, %mul3A_289 : i32
      %multiple_of3A_291 = tpu.assume_multiple %mul3A_290, 128 : i32
      %slice3A_292 = vector.extract_strided_slice %get3A_15 {offsets = [3], sizes = [1], strides = [1]} : vector<16xi32> to vector<1xi32>
      %squeeze3A_293 = vector.extract %slice3A_292[0] : i32 from vector<1xi32>
      %jit3A_294 = arith.constant 128 : i32
      %div3A_295 = arith.divsi %squeeze3A_293, %jit3A_294 : i32
      %sign3A_296 = arith.constant 0 : i32
      %sign3A_297 = arith.cmpi sgt, %squeeze3A_293, %sign3A_296 : i32
      %sign3A_298 = arith.extui %sign3A_297 : i1 to i32
      %sign3A_299 = arith.constant 0 : i32
      %sign3A_300 = arith.cmpi slt, %squeeze3A_293, %sign3A_299 : i32
      %sign3A_301 = arith.extui %sign3A_300 : i1 to i32
      %sign3A_302 = arith.subi %sign3A_298, %sign3A_301 : i32
      %sign3A_303 = arith.constant 0 : i32
      %sign3A_304 = arith.cmpi sgt, %jit3A_294, %sign3A_303 : i32
      %sign3A_305 = arith.extui %sign3A_304 : i1 to i32
      %sign3A_306 = arith.constant 0 : i32
      %sign3A_307 = arith.cmpi slt, %jit3A_294, %sign3A_306 : i32
      %sign3A_308 = arith.extui %sign3A_307 : i1 to i32
      %sign3A_309 = arith.subi %sign3A_305, %sign3A_308 : i32
      %ne3A_310 = arith.cmpi ne, %sign3A_302, %sign3A_309 : i32
      %rem3A_311 = arith.remsi %squeeze3A_293, %jit3A_294 : i32
      %ne3A_312 = arith.constant 0 : i32
      %ne3A_313 = arith.cmpi ne, %rem3A_311, %ne3A_312 : i32
      %and3A_314 = arith.andi %ne3A_310, %ne3A_313 : i1
      %sub3A_315 = arith.constant 1 : i32
      %sub3A_316 = arith.subi %div3A_295, %sub3A_315 : i32
      %select_n3A_317 = arith.select %and3A_314, %sub3A_316, %div3A_295 : i32
      %mul3A_318 = arith.constant 128 : i32
      %mul3A_319 = arith.muli %select_n3A_317, %mul3A_318 : i32
      %multiple_of3A_320 = tpu.assume_multiple %mul3A_319, 128 : i32
      %dma_start3A_321 = arith.constant 0 : i32
      %dma_start3A_322 = tpu.memref_slice %arg4[%dma_start3A_321, %multiple_of3A_291] : memref<64x1000000xf32, #tpu.memory_space<hbm>> -> memref<64x128xf32, #tpu.memory_space<hbm>>
      %dma_start3A_323 = arith.constant 0 : i32
      %dma_start3A_324 = tpu.memref_slice %arg4[%dma_start3A_323, %multiple_of3A_291] : memref<64x1000000xf32, #tpu.memory_space<hbm>> -> memref<64x128xf32, #tpu.memory_space<hbm>>
      tpu.enqueue_dma source(%dma_start3A_324 : memref<64x128xf32, #tpu.memory_space<hbm>>) target(%arg13 : memref<64x128xf32, #tpu.memory_space<vmem>>) target_semaphore(%arg21 : memref<!tpu.dma_semaphore, #tpu.memory_space<semaphore_mem>>)
      %dma_start3A_325 = arith.constant 0 : i32
      %dma_start3A_326 = tpu.memref_slice %arg5[%dma_start3A_325, %multiple_of3A_320] : memref<64x1000000xf32, #tpu.memory_space<hbm>> -> memref<64x128xf32, #tpu.memory_space<hbm>>
      %dma_start3A_327 = arith.constant 0 : i32
      %dma_start3A_328 = tpu.memref_slice %arg5[%dma_start3A_327, %multiple_of3A_320] : memref<64x1000000xf32, #tpu.memory_space<hbm>> -> memref<64x128xf32, #tpu.memory_space<hbm>>
      tpu.enqueue_dma source(%dma_start3A_328 : memref<64x128xf32, #tpu.memory_space<hbm>>) target(%arg17 : memref<64x128xf32, #tpu.memory_space<vmem>>) target_semaphore(%arg25 : memref<!tpu.dma_semaphore, #tpu.memory_space<semaphore_mem>>)
      %add3A_329 = arith.addi %mul3A_2, %mul3A_10 : i32
      %add3A_330 = arith.constant 2 : i32
      %add3A_331 = arith.addi %add3A_329, %add3A_330 : i32
      %dma_wait3A_332 = arith.constant 0 : i32
      %dma_wait3A_333 = arith.constant 0 : i32
      %dma_wait3A_334 = tpu.memref_slice %arg4[%dma_wait3A_332, %dma_wait3A_333] : memref<64x1000000xf32, #tpu.memory_space<hbm>> -> memref<64x128xf32, #tpu.memory_space<hbm>>
      %dma_wait3A_335 = arith.constant 0 : i32
      %dma_wait3A_336 = arith.constant 0 : i32
      %dma_wait3A_337 = tpu.memref_slice %arg4[%dma_wait3A_335, %dma_wait3A_336] : memref<64x1000000xf32, #tpu.memory_space<hbm>> -> memref<64x128xf32, #tpu.memory_space<hbm>>
      tpu.wait_dma2 semaphore(%arg20 : memref<!tpu.dma_semaphore, #tpu.memory_space<semaphore_mem>>) src(%dma_wait3A_337 : memref<64x128xf32, #tpu.memory_space<hbm>>) dst(%arg12 : memref<64x128xf32, #tpu.memory_space<vmem>>)
      %dma_wait3A_338 = arith.constant 0 : i32
      %dma_wait3A_339 = arith.constant 0 : i32
      %dma_wait3A_340 = tpu.memref_slice %arg5[%dma_wait3A_338, %dma_wait3A_339] : memref<64x1000000xf32, #tpu.memory_space<hbm>> -> memref<64x128xf32, #tpu.memory_space<hbm>>
      %dma_wait3A_341 = arith.constant 0 : i32
      %dma_wait3A_342 = arith.constant 0 : i32
      %dma_wait3A_343 = tpu.memref_slice %arg5[%dma_wait3A_341, %dma_wait3A_342] : memref<64x1000000xf32, #tpu.memory_space<hbm>> -> memref<64x128xf32, #tpu.memory_space<hbm>>
      tpu.wait_dma2 semaphore(%arg24 : memref<!tpu.dma_semaphore, #tpu.memory_space<semaphore_mem>>) src(%dma_wait3A_343 : memref<64x128xf32, #tpu.memory_space<hbm>>) dst(%arg16 : memref<64x128xf32, #tpu.memory_space<vmem>>)
      %dma_start3A_344 = arith.constant 0 : i32
      %dma_start3A_345 = arith.constant 0 : i32
      %dma_start3A_346 = tpu.memref_slice %arg6[%add3A_331, %dma_start3A_344, %dma_start3A_345] : memref<4096x64x128xf32, #tpu.memory_space<hbm>> -> memref<1x64x128xf32, #tpu.memory_space<hbm>>
      %dma_start3A_347 = tpu.memref_squeeze %dma_start3A_346 : memref<1x64x128xf32, #tpu.memory_space<hbm>> -> memref<64x128xf32, #tpu.memory_space<hbm>>
      %dma_start3A_348 = arith.constant 0 : i32
      %dma_start3A_349 = arith.constant 0 : i32
      %dma_start3A_350 = tpu.memref_slice %arg6[%add3A_331, %dma_start3A_348, %dma_start3A_349] : memref<4096x64x128xf32, #tpu.memory_space<hbm>> -> memref<1x64x128xf32, #tpu.memory_space<hbm>>
      %dma_start3A_351 = tpu.memref_squeeze %dma_start3A_350 : memref<1x64x128xf32, #tpu.memory_space<hbm>> -> memref<64x128xf32, #tpu.memory_space<hbm>>
      tpu.enqueue_dma source(%arg12 : memref<64x128xf32, #tpu.memory_space<vmem>>) target(%dma_start3A_351 : memref<64x128xf32, #tpu.memory_space<hbm>>) target_semaphore(%arg28 : memref<!tpu.dma_semaphore, #tpu.memory_space<semaphore_mem>>)
      %dma_start3A_352 = arith.constant 0 : i32
      %dma_start3A_353 = arith.constant 0 : i32
      %dma_start3A_354 = tpu.memref_slice %arg7[%add3A_331, %dma_start3A_352, %dma_start3A_353] : memref<4096x64x128xf32, #tpu.memory_space<hbm>> -> memref<1x64x128xf32, #tpu.memory_space<hbm>>
      %dma_start3A_355 = tpu.memref_squeeze %dma_start3A_354 : memref<1x64x128xf32, #tpu.memory_space<hbm>> -> memref<64x128xf32, #tpu.memory_space<hbm>>
      %dma_start3A_356 = arith.constant 0 : i32
      %dma_start3A_357 = arith.constant 0 : i32
      %dma_start3A_358 = tpu.memref_slice %arg7[%add3A_331, %dma_start3A_356, %dma_start3A_357] : memref<4096x64x128xf32, #tpu.memory_space<hbm>> -> memref<1x64x128xf32, #tpu.memory_space<hbm>>
      %dma_start3A_359 = tpu.memref_squeeze %dma_start3A_358 : memref<1x64x128xf32, #tpu.memory_space<hbm>> -> memref<64x128xf32, #tpu.memory_space<hbm>>
      tpu.enqueue_dma source(%arg16 : memref<64x128xf32, #tpu.memory_space<vmem>>) target(%dma_start3A_359 : memref<64x128xf32, #tpu.memory_space<hbm>>) target_semaphore(%arg32 : memref<!tpu.dma_semaphore, #tpu.memory_space<semaphore_mem>>)
      %add3A_360 = arith.addi %mul3A_2, %mul3A_10 : i32
      %add3A_361 = arith.constant 4 : i32
      %add3A_362 = arith.addi %add3A_360, %add3A_361 : i32
      %sub3A_363 = arith.constant 4 : i32
      %sub3A_364 = arith.subi %add3A_362, %sub3A_363 : i32
      %dma_wait3A_365 = arith.constant 0 : i32
      %dma_wait3A_366 = arith.constant 0 : i32
      %dma_wait3A_367 = tpu.memref_slice %arg6[%sub3A_364, %dma_wait3A_365, %dma_wait3A_366] : memref<4096x64x128xf32, #tpu.memory_space<hbm>> -> memref<1x64x128xf32, #tpu.memory_space<hbm>>
      %dma_wait3A_368 = tpu.memref_squeeze %dma_wait3A_367 : memref<1x64x128xf32, #tpu.memory_space<hbm>> -> memref<64x128xf32, #tpu.memory_space<hbm>>
      %dma_wait3A_369 = arith.constant 0 : i32
      %dma_wait3A_370 = arith.constant 0 : i32
      %dma_wait3A_371 = tpu.memref_slice %arg6[%sub3A_364, %dma_wait3A_369, %dma_wait3A_370] : memref<4096x64x128xf32, #tpu.memory_space<hbm>> -> memref<1x64x128xf32, #tpu.memory_space<hbm>>
      %dma_wait3A_372 = tpu.memref_squeeze %dma_wait3A_371 : memref<1x64x128xf32, #tpu.memory_space<hbm>> -> memref<64x128xf32, #tpu.memory_space<hbm>>
      tpu.wait_dma2 semaphore(%arg26 : memref<!tpu.dma_semaphore, #tpu.memory_space<semaphore_mem>>) src(%arg10 : memref<64x128xf32, #tpu.memory_space<vmem>>) dst(%dma_wait3A_372 : memref<64x128xf32, #tpu.memory_space<hbm>>)
      %dma_wait3A_373 = arith.constant 0 : i32
      %dma_wait3A_374 = arith.constant 0 : i32
      %dma_wait3A_375 = tpu.memref_slice %arg7[%sub3A_364, %dma_wait3A_373, %dma_wait3A_374] : memref<4096x64x128xf32, #tpu.memory_space<hbm>> -> memref<1x64x128xf32, #tpu.memory_space<hbm>>
      %dma_wait3A_376 = tpu.memref_squeeze %dma_wait3A_375 : memref<1x64x128xf32, #tpu.memory_space<hbm>> -> memref<64x128xf32, #tpu.memory_space<hbm>>
      %dma_wait3A_377 = arith.constant 0 : i32
      %dma_wait3A_378 = arith.constant 0 : i32
      %dma_wait3A_379 = tpu.memref_slice %arg7[%sub3A_364, %dma_wait3A_377, %dma_wait3A_378] : memref<4096x64x128xf32, #tpu.memory_space<hbm>> -> memref<1x64x128xf32, #tpu.memory_space<hbm>>
      %dma_wait3A_380 = tpu.memref_squeeze %dma_wait3A_379 : memref<1x64x128xf32, #tpu.memory_space<hbm>> -> memref<64x128xf32, #tpu.memory_space<hbm>>
      tpu.wait_dma2 semaphore(%arg30 : memref<!tpu.dma_semaphore, #tpu.memory_space<semaphore_mem>>) src(%arg14 : memref<64x128xf32, #tpu.memory_space<vmem>>) dst(%dma_wait3A_380 : memref<64x128xf32, #tpu.memory_space<hbm>>)
      %slice3A_381 = vector.extract_strided_slice %get3A_12 {offsets = [4], sizes = [1], strides = [1]} : vector<16xi32> to vector<1xi32>
      %squeeze3A_382 = vector.extract %slice3A_381[0] : i32 from vector<1xi32>
      %jit3A_383 = arith.constant 128 : i32
      %div3A_384 = arith.divsi %squeeze3A_382, %jit3A_383 : i32
      %sign3A_385 = arith.constant 0 : i32
      %sign3A_386 = arith.cmpi sgt, %squeeze3A_382, %sign3A_385 : i32
      %sign3A_387 = arith.extui %sign3A_386 : i1 to i32
      %sign3A_388 = arith.constant 0 : i32
      %sign3A_389 = arith.cmpi slt, %squeeze3A_382, %sign3A_388 : i32
      %sign3A_390 = arith.extui %sign3A_389 : i1 to i32
      %sign3A_391 = arith.subi %sign3A_387, %sign3A_390 : i32
      %sign3A_392 = arith.constant 0 : i32
      %sign3A_393 = arith.cmpi sgt, %jit3A_383, %sign3A_392 : i32
      %sign3A_394 = arith.extui %sign3A_393 : i1 to i32
      %sign3A_395 = arith.constant 0 : i32
      %sign3A_396 = arith.cmpi slt, %jit3A_383, %sign3A_395 : i32
      %sign3A_397 = arith.extui %sign3A_396 : i1 to i32
      %sign3A_398 = arith.subi %sign3A_394, %sign3A_397 : i32
      %ne3A_399 = arith.cmpi ne, %sign3A_391, %sign3A_398 : i32
      %rem3A_400 = arith.remsi %squeeze3A_382, %jit3A_383 : i32
      %ne3A_401 = arith.constant 0 : i32
      %ne3A_402 = arith.cmpi ne, %rem3A_400, %ne3A_401 : i32
      %and3A_403 = arith.andi %ne3A_399, %ne3A_402 : i1
      %sub3A_404 = arith.constant 1 : i32
      %sub3A_405 = arith.subi %div3A_384, %sub3A_404 : i32
      %select_n3A_406 = arith.select %and3A_403, %sub3A_405, %div3A_384 : i32
      %mul3A_407 = arith.constant 128 : i32
      %mul3A_408 = arith.muli %select_n3A_406, %mul3A_407 : i32
      %multiple_of3A_409 = tpu.assume_multiple %mul3A_408, 128 : i32
      %slice3A_410 = vector.extract_strided_slice %get3A_15 {offsets = [4], sizes = [1], strides = [1]} : vector<16xi32> to vector<1xi32>
      %squeeze3A_411 = vector.extract %slice3A_410[0] : i32 from vector<1xi32>
      %jit3A_412 = arith.constant 128 : i32
      %div3A_413 = arith.divsi %squeeze3A_411, %jit3A_412 : i32
      %sign3A_414 = arith.constant 0 : i32
      %sign3A_415 = arith.cmpi sgt, %squeeze3A_411, %sign3A_414 : i32
      %sign3A_416 = arith.extui %sign3A_415 : i1 to i32
      %sign3A_417 = arith.constant 0 : i32
      %sign3A_418 = arith.cmpi slt, %squeeze3A_411, %sign3A_417 : i32
      %sign3A_419 = arith.extui %sign3A_418 : i1 to i32
      %sign3A_420 = arith.subi %sign3A_416, %sign3A_419 : i32
      %sign3A_421 = arith.constant 0 : i32
      %sign3A_422 = arith.cmpi sgt, %jit3A_412, %sign3A_421 : i32
      %sign3A_423 = arith.extui %sign3A_422 : i1 to i32
      %sign3A_424 = arith.constant 0 : i32
      %sign3A_425 = arith.cmpi slt, %jit3A_412, %sign3A_424 : i32
      %sign3A_426 = arith.extui %sign3A_425 : i1 to i32
      %sign3A_427 = arith.subi %sign3A_423, %sign3A_426 : i32
      %ne3A_428 = arith.cmpi ne, %sign3A_420, %sign3A_427 : i32
      %rem3A_429 = arith.remsi %squeeze3A_411, %jit3A_412 : i32
      %ne3A_430 = arith.constant 0 : i32
      %ne3A_431 = arith.cmpi ne, %rem3A_429, %ne3A_430 : i32
      %and3A_432 = arith.andi %ne3A_428, %ne3A_431 : i1
      %sub3A_433 = arith.constant 1 : i32
      %sub3A_434 = arith.subi %div3A_413, %sub3A_433 : i32
      %select_n3A_435 = arith.select %and3A_432, %sub3A_434, %div3A_413 : i32
      %mul3A_436 = arith.constant 128 : i32
      %mul3A_437 = arith.muli %select_n3A_435, %mul3A_436 : i32
      %multiple_of3A_438 = tpu.assume_multiple %mul3A_437, 128 : i32
      %dma_start3A_439 = arith.constant 0 : i32
      %dma_start3A_440 = tpu.memref_slice %arg4[%dma_start3A_439, %multiple_of3A_409] : memref<64x1000000xf32, #tpu.memory_space<hbm>> -> memref<64x128xf32, #tpu.memory_space<hbm>>
      %dma_start3A_441 = arith.constant 0 : i32
      %dma_start3A_442 = tpu.memref_slice %arg4[%dma_start3A_441, %multiple_of3A_409] : memref<64x1000000xf32, #tpu.memory_space<hbm>> -> memref<64x128xf32, #tpu.memory_space<hbm>>
      tpu.enqueue_dma source(%dma_start3A_442 : memref<64x128xf32, #tpu.memory_space<hbm>>) target(%arg10 : memref<64x128xf32, #tpu.memory_space<vmem>>) target_semaphore(%arg18 : memref<!tpu.dma_semaphore, #tpu.memory_space<semaphore_mem>>)
      %dma_start3A_443 = arith.constant 0 : i32
      %dma_start3A_444 = tpu.memref_slice %arg5[%dma_start3A_443, %multiple_of3A_438] : memref<64x1000000xf32, #tpu.memory_space<hbm>> -> memref<64x128xf32, #tpu.memory_space<hbm>>
      %dma_start3A_445 = arith.constant 0 : i32
      %dma_start3A_446 = tpu.memref_slice %arg5[%dma_start3A_445, %multiple_of3A_438] : memref<64x1000000xf32, #tpu.memory_space<hbm>> -> memref<64x128xf32, #tpu.memory_space<hbm>>
      tpu.enqueue_dma source(%dma_start3A_446 : memref<64x128xf32, #tpu.memory_space<hbm>>) target(%arg14 : memref<64x128xf32, #tpu.memory_space<vmem>>) target_semaphore(%arg22 : memref<!tpu.dma_semaphore, #tpu.memory_space<semaphore_mem>>)
      %add3A_447 = arith.addi %mul3A_2, %mul3A_10 : i32
      %add3A_448 = arith.constant 3 : i32
      %add3A_449 = arith.addi %add3A_447, %add3A_448 : i32
      %dma_wait3A_450 = arith.constant 0 : i32
      %dma_wait3A_451 = arith.constant 0 : i32
      %dma_wait3A_452 = tpu.memref_slice %arg4[%dma_wait3A_450, %dma_wait3A_451] : memref<64x1000000xf32, #tpu.memory_space<hbm>> -> memref<64x128xf32, #tpu.memory_space<hbm>>
      %dma_wait3A_453 = arith.constant 0 : i32
      %dma_wait3A_454 = arith.constant 0 : i32
      %dma_wait3A_455 = tpu.memref_slice %arg4[%dma_wait3A_453, %dma_wait3A_454] : memref<64x1000000xf32, #tpu.memory_space<hbm>> -> memref<64x128xf32, #tpu.memory_space<hbm>>
      tpu.wait_dma2 semaphore(%arg21 : memref<!tpu.dma_semaphore, #tpu.memory_space<semaphore_mem>>) src(%dma_wait3A_455 : memref<64x128xf32, #tpu.memory_space<hbm>>) dst(%arg13 : memref<64x128xf32, #tpu.memory_space<vmem>>)
      %dma_wait3A_456 = arith.constant 0 : i32
      %dma_wait3A_457 = arith.constant 0 : i32
      %dma_wait3A_458 = tpu.memref_slice %arg5[%dma_wait3A_456, %dma_wait3A_457] : memref<64x1000000xf32, #tpu.memory_space<hbm>> -> memref<64x128xf32, #tpu.memory_space<hbm>>
      %dma_wait3A_459 = arith.constant 0 : i32
      %dma_wait3A_460 = arith.constant 0 : i32
      %dma_wait3A_461 = tpu.memref_slice %arg5[%dma_wait3A_459, %dma_wait3A_460] : memref<64x1000000xf32, #tpu.memory_space<hbm>> -> memref<64x128xf32, #tpu.memory_space<hbm>>
      tpu.wait_dma2 semaphore(%arg25 : memref<!tpu.dma_semaphore, #tpu.memory_space<semaphore_mem>>) src(%dma_wait3A_461 : memref<64x128xf32, #tpu.memory_space<hbm>>) dst(%arg17 : memref<64x128xf32, #tpu.memory_space<vmem>>)
      %dma_start3A_462 = arith.constant 0 : i32
      %dma_start3A_463 = arith.constant 0 : i32
      %dma_start3A_464 = tpu.memref_slice %arg6[%add3A_449, %dma_start3A_462, %dma_start3A_463] : memref<4096x64x128xf32, #tpu.memory_space<hbm>> -> memref<1x64x128xf32, #tpu.memory_space<hbm>>
      %dma_start3A_465 = tpu.memref_squeeze %dma_start3A_464 : memref<1x64x128xf32, #tpu.memory_space<hbm>> -> memref<64x128xf32, #tpu.memory_space<hbm>>
      %dma_start3A_466 = arith.constant 0 : i32
      %dma_start3A_467 = arith.constant 0 : i32
      %dma_start3A_468 = tpu.memref_slice %arg6[%add3A_449, %dma_start3A_466, %dma_start3A_467] : memref<4096x64x128xf32, #tpu.memory_space<hbm>> -> memref<1x64x128xf32, #tpu.memory_space<hbm>>
      %dma_start3A_469 = tpu.memref_squeeze %dma_start3A_468 : memref<1x64x128xf32, #tpu.memory_space<hbm>> -> memref<64x128xf32, #tpu.memory_space<hbm>>
      tpu.enqueue_dma source(%arg13 : memref<64x128xf32, #tpu.memory_space<vmem>>) target(%dma_start3A_469 : memref<64x128xf32, #tpu.memory_space<hbm>>) target_semaphore(%arg29 : memref<!tpu.dma_semaphore, #tpu.memory_space<semaphore_mem>>)
      %dma_start3A_470 = arith.constant 0 : i32
      %dma_start3A_471 = arith.constant 0 : i32
      %dma_start3A_472 = tpu.memref_slice %arg7[%add3A_449, %dma_start3A_470, %dma_start3A_471] : memref<4096x64x128xf32, #tpu.memory_space<hbm>> -> memref<1x64x128xf32, #tpu.memory_space<hbm>>
      %dma_start3A_473 = tpu.memref_squeeze %dma_start3A_472 : memref<1x64x128xf32, #tpu.memory_space<hbm>> -> memref<64x128xf32, #tpu.memory_space<hbm>>
      %dma_start3A_474 = arith.constant 0 : i32
      %dma_start3A_475 = arith.constant 0 : i32
      %dma_start3A_476 = tpu.memref_slice %arg7[%add3A_449, %dma_start3A_474, %dma_start3A_475] : memref<4096x64x128xf32, #tpu.memory_space<hbm>> -> memref<1x64x128xf32, #tpu.memory_space<hbm>>
      %dma_start3A_477 = tpu.memref_squeeze %dma_start3A_476 : memref<1x64x128xf32, #tpu.memory_space<hbm>> -> memref<64x128xf32, #tpu.memory_space<hbm>>
      tpu.enqueue_dma source(%arg17 : memref<64x128xf32, #tpu.memory_space<vmem>>) target(%dma_start3A_477 : memref<64x128xf32, #tpu.memory_space<hbm>>) target_semaphore(%arg33 : memref<!tpu.dma_semaphore, #tpu.memory_space<semaphore_mem>>)
      %add3A_478 = arith.addi %mul3A_2, %mul3A_10 : i32
      %add3A_479 = arith.constant 5 : i32
      %add3A_480 = arith.addi %add3A_478, %add3A_479 : i32
      %sub3A_481 = arith.constant 4 : i32
      %sub3A_482 = arith.subi %add3A_480, %sub3A_481 : i32
      %dma_wait3A_483 = arith.constant 0 : i32
      %dma_wait3A_484 = arith.constant 0 : i32
      %dma_wait3A_485 = tpu.memref_slice %arg6[%sub3A_482, %dma_wait3A_483, %dma_wait3A_484] : memref<4096x64x128xf32, #tpu.memory_space<hbm>> -> memref<1x64x128xf32, #tpu.memory_space<hbm>>
      %dma_wait3A_486 = tpu.memref_squeeze %dma_wait3A_485 : memref<1x64x128xf32, #tpu.memory_space<hbm>> -> memref<64x128xf32, #tpu.memory_space<hbm>>
      %dma_wait3A_487 = arith.constant 0 : i32
      %dma_wait3A_488 = arith.constant 0 : i32
      %dma_wait3A_489 = tpu.memref_slice %arg6[%sub3A_482, %dma_wait3A_487, %dma_wait3A_488] : memref<4096x64x128xf32, #tpu.memory_space<hbm>> -> memref<1x64x128xf32, #tpu.memory_space<hbm>>
      %dma_wait3A_490 = tpu.memref_squeeze %dma_wait3A_489 : memref<1x64x128xf32, #tpu.memory_space<hbm>> -> memref<64x128xf32, #tpu.memory_space<hbm>>
      tpu.wait_dma2 semaphore(%arg27 : memref<!tpu.dma_semaphore, #tpu.memory_space<semaphore_mem>>) src(%arg11 : memref<64x128xf32, #tpu.memory_space<vmem>>) dst(%dma_wait3A_490 : memref<64x128xf32, #tpu.memory_space<hbm>>)
      %dma_wait3A_491 = arith.constant 0 : i32
      %dma_wait3A_492 = arith.constant 0 : i32
      %dma_wait3A_493 = tpu.memref_slice %arg7[%sub3A_482, %dma_wait3A_491, %dma_wait3A_492] : memref<4096x64x128xf32, #tpu.memory_space<hbm>> -> memref<1x64x128xf32, #tpu.memory_space<hbm>>
      %dma_wait3A_494 = tpu.memref_squeeze %dma_wait3A_493 : memref<1x64x128xf32, #tpu.memory_space<hbm>> -> memref<64x128xf32, #tpu.memory_space<hbm>>
      %dma_wait3A_495 = arith.constant 0 : i32
      %dma_wait3A_496 = arith.constant 0 : i32
      %dma_wait3A_497 = tpu.memref_slice %arg7[%sub3A_482, %dma_wait3A_495, %dma_wait3A_496] : memref<4096x64x128xf32, #tpu.memory_space<hbm>> -> memref<1x64x128xf32, #tpu.memory_space<hbm>>
      %dma_wait3A_498 = tpu.memref_squeeze %dma_wait3A_497 : memref<1x64x128xf32, #tpu.memory_space<hbm>> -> memref<64x128xf32, #tpu.memory_space<hbm>>
      tpu.wait_dma2 semaphore(%arg31 : memref<!tpu.dma_semaphore, #tpu.memory_space<semaphore_mem>>) src(%arg15 : memref<64x128xf32, #tpu.memory_space<vmem>>) dst(%dma_wait3A_498 : memref<64x128xf32, #tpu.memory_space<hbm>>)
      %slice3A_499 = vector.extract_strided_slice %get3A_12 {offsets = [5], sizes = [1], strides = [1]} : vector<16xi32> to vector<1xi32>
      %squeeze3A_500 = vector.extract %slice3A_499[0] : i32 from vector<1xi32>
      %jit3A_501 = arith.constant 128 : i32
      %div3A_502 = arith.divsi %squeeze3A_500, %jit3A_501 : i32
      %sign3A_503 = arith.constant 0 : i32
      %sign3A_504 = arith.cmpi sgt, %squeeze3A_500, %sign3A_503 : i32
      %sign3A_505 = arith.extui %sign3A_504 : i1 to i32
      %sign3A_506 = arith.constant 0 : i32
      %sign3A_507 = arith.cmpi slt, %squeeze3A_500, %sign3A_506 : i32
      %sign3A_508 = arith.extui %sign3A_507 : i1 to i32
      %sign3A_509 = arith.subi %sign3A_505, %sign3A_508 : i32
      %sign3A_510 = arith.constant 0 : i32
      %sign3A_511 = arith.cmpi sgt, %jit3A_501, %sign3A_510 : i32
      %sign3A_512 = arith.extui %sign3A_511 : i1 to i32
      %sign3A_513 = arith.constant 0 : i32
      %sign3A_514 = arith.cmpi slt, %jit3A_501, %sign3A_513 : i32
      %sign3A_515 = arith.extui %sign3A_514 : i1 to i32
      %sign3A_516 = arith.subi %sign3A_512, %sign3A_515 : i32
      %ne3A_517 = arith.cmpi ne, %sign3A_509, %sign3A_516 : i32
      %rem3A_518 = arith.remsi %squeeze3A_500, %jit3A_501 : i32
      %ne3A_519 = arith.constant 0 : i32
      %ne3A_520 = arith.cmpi ne, %rem3A_518, %ne3A_519 : i32
      %and3A_521 = arith.andi %ne3A_517, %ne3A_520 : i1
      %sub3A_522 = arith.constant 1 : i32
      %sub3A_523 = arith.subi %div3A_502, %sub3A_522 : i32
      %select_n3A_524 = arith.select %and3A_521, %sub3A_523, %div3A_502 : i32
      %mul3A_525 = arith.constant 128 : i32
      %mul3A_526 = arith.muli %select_n3A_524, %mul3A_525 : i32
      %multiple_of3A_527 = tpu.assume_multiple %mul3A_526, 128 : i32
      %slice3A_528 = vector.extract_strided_slice %get3A_15 {offsets = [5], sizes = [1], strides = [1]} : vector<16xi32> to vector<1xi32>
      %squeeze3A_529 = vector.extract %slice3A_528[0] : i32 from vector<1xi32>
      %jit3A_530 = arith.constant 128 : i32
      %div3A_531 = arith.divsi %squeeze3A_529, %jit3A_530 : i32
      %sign3A_532 = arith.constant 0 : i32
      %sign3A_533 = arith.cmpi sgt, %squeeze3A_529, %sign3A_532 : i32
      %sign3A_534 = arith.extui %sign3A_533 : i1 to i32
      %sign3A_535 = arith.constant 0 : i32
      %sign3A_536 = arith.cmpi slt, %squeeze3A_529, %sign3A_535 : i32
      %sign3A_537 = arith.extui %sign3A_536 : i1 to i32
      %sign3A_538 = arith.subi %sign3A_534, %sign3A_537 : i32
      %sign3A_539 = arith.constant 0 : i32
      %sign3A_540 = arith.cmpi sgt, %jit3A_530, %sign3A_539 : i32
      %sign3A_541 = arith.extui %sign3A_540 : i1 to i32
      %sign3A_542 = arith.constant 0 : i32
      %sign3A_543 = arith.cmpi slt, %jit3A_530, %sign3A_542 : i32
      %sign3A_544 = arith.extui %sign3A_543 : i1 to i32
      %sign3A_545 = arith.subi %sign3A_541, %sign3A_544 : i32
      %ne3A_546 = arith.cmpi ne, %sign3A_538, %sign3A_545 : i32
      %rem3A_547 = arith.remsi %squeeze3A_529, %jit3A_530 : i32
      %ne3A_548 = arith.constant 0 : i32
      %ne3A_549 = arith.cmpi ne, %rem3A_547, %ne3A_548 : i32
      %and3A_550 = arith.andi %ne3A_546, %ne3A_549 : i1
      %sub3A_551 = arith.constant 1 : i32
      %sub3A_552 = arith.subi %div3A_531, %sub3A_551 : i32
      %select_n3A_553 = arith.select %and3A_550, %sub3A_552, %div3A_531 : i32
      %mul3A_554 = arith.constant 128 : i32
      %mul3A_555 = arith.muli %select_n3A_553, %mul3A_554 : i32
      %multiple_of3A_556 = tpu.assume_multiple %mul3A_555, 128 : i32
      %dma_start3A_557 = arith.constant 0 : i32
      %dma_start3A_558 = tpu.memref_slice %arg4[%dma_start3A_557, %multiple_of3A_527] : memref<64x1000000xf32, #tpu.memory_space<hbm>> -> memref<64x128xf32, #tpu.memory_space<hbm>>
      %dma_start3A_559 = arith.constant 0 : i32
      %dma_start3A_560 = tpu.memref_slice %arg4[%dma_start3A_559, %multiple_of3A_527] : memref<64x1000000xf32, #tpu.memory_space<hbm>> -> memref<64x128xf32, #tpu.memory_space<hbm>>
      tpu.enqueue_dma source(%dma_start3A_560 : memref<64x128xf32, #tpu.memory_space<hbm>>) target(%arg11 : memref<64x128xf32, #tpu.memory_space<vmem>>) target_semaphore(%arg19 : memref<!tpu.dma_semaphore, #tpu.memory_space<semaphore_mem>>)
      %dma_start3A_561 = arith.constant 0 : i32
      %dma_start3A_562 = tpu.memref_slice %arg5[%dma_start3A_561, %multiple_of3A_556] : memref<64x1000000xf32, #tpu.memory_space<hbm>> -> memref<64x128xf32, #tpu.memory_space<hbm>>
      %dma_start3A_563 = arith.constant 0 : i32
      %dma_start3A_564 = tpu.memref_slice %arg5[%dma_start3A_563, %multiple_of3A_556] : memref<64x1000000xf32, #tpu.memory_space<hbm>> -> memref<64x128xf32, #tpu.memory_space<hbm>>
      tpu.enqueue_dma source(%dma_start3A_564 : memref<64x128xf32, #tpu.memory_space<hbm>>) target(%arg15 : memref<64x128xf32, #tpu.memory_space<vmem>>) target_semaphore(%arg23 : memref<!tpu.dma_semaphore, #tpu.memory_space<semaphore_mem>>)
      %add3A_565 = arith.addi %mul3A_2, %mul3A_10 : i32
      %add3A_566 = arith.constant 4 : i32
      %add3A_567 = arith.addi %add3A_565, %add3A_566 : i32
      %dma_wait3A_568 = arith.constant 0 : i32
      %dma_wait3A_569 = arith.constant 0 : i32
      %dma_wait3A_570 = tpu.memref_slice %arg4[%dma_wait3A_568, %dma_wait3A_569] : memref<64x1000000xf32, #tpu.memory_space<hbm>> -> memref<64x128xf32, #tpu.memory_space<hbm>>
      %dma_wait3A_571 = arith.constant 0 : i32
      %dma_wait3A_572 = arith.constant 0 : i32
      %dma_wait3A_573 = tpu.memref_slice %arg4[%dma_wait3A_571, %dma_wait3A_572] : memref<64x1000000xf32, #tpu.memory_space<hbm>> -> memref<64x128xf32, #tpu.memory_space<hbm>>
      tpu.wait_dma2 semaphore(%arg18 : memref<!tpu.dma_semaphore, #tpu.memory_space<semaphore_mem>>) src(%dma_wait3A_573 : memref<64x128xf32, #tpu.memory_space<hbm>>) dst(%arg10 : memref<64x128xf32, #tpu.memory_space<vmem>>)
      %dma_wait3A_574 = arith.constant 0 : i32
      %dma_wait3A_575 = arith.constant 0 : i32
      %dma_wait3A_576 = tpu.memref_slice %arg5[%dma_wait3A_574, %dma_wait3A_575] : memref<64x1000000xf32, #tpu.memory_space<hbm>> -> memref<64x128xf32, #tpu.memory_space<hbm>>
      %dma_wait3A_577 = arith.constant 0 : i32
      %dma_wait3A_578 = arith.constant 0 : i32
      %dma_wait3A_579 = tpu.memref_slice %arg5[%dma_wait3A_577, %dma_wait3A_578] : memref<64x1000000xf32, #tpu.memory_space<hbm>> -> memref<64x128xf32, #tpu.memory_space<hbm>>
      tpu.wait_dma2 semaphore(%arg22 : memref<!tpu.dma_semaphore, #tpu.memory_space<semaphore_mem>>) src(%dma_wait3A_579 : memref<64x128xf32, #tpu.memory_space<hbm>>) dst(%arg14 : memref<64x128xf32, #tpu.memory_space<vmem>>)
      %dma_start3A_580 = arith.constant 0 : i32
      %dma_start3A_581 = arith.constant 0 : i32
      %dma_start3A_582 = tpu.memref_slice %arg6[%add3A_567, %dma_start3A_580, %dma_start3A_581] : memref<4096x64x128xf32, #tpu.memory_space<hbm>> -> memref<1x64x128xf32, #tpu.memory_space<hbm>>
      %dma_start3A_583 = tpu.memref_squeeze %dma_start3A_582 : memref<1x64x128xf32, #tpu.memory_space<hbm>> -> memref<64x128xf32, #tpu.memory_space<hbm>>
      %dma_start3A_584 = arith.constant 0 : i32
      %dma_start3A_585 = arith.constant 0 : i32
      %dma_start3A_586 = tpu.memref_slice %arg6[%add3A_567, %dma_start3A_584, %dma_start3A_585] : memref<4096x64x128xf32, #tpu.memory_space<hbm>> -> memref<1x64x128xf32, #tpu.memory_space<hbm>>
      %dma_start3A_587 = tpu.memref_squeeze %dma_start3A_586 : memref<1x64x128xf32, #tpu.memory_space<hbm>> -> memref<64x128xf32, #tpu.memory_space<hbm>>
      tpu.enqueue_dma source(%arg10 : memref<64x128xf32, #tpu.memory_space<vmem>>) target(%dma_start3A_587 : memref<64x128xf32, #tpu.memory_space<hbm>>) target_semaphore(%arg26 : memref<!tpu.dma_semaphore, #tpu.memory_space<semaphore_mem>>)
      %dma_start3A_588 = arith.constant 0 : i32
      %dma_start3A_589 = arith.constant 0 : i32
      %dma_start3A_590 = tpu.memref_slice %arg7[%add3A_567, %dma_start3A_588, %dma_start3A_589] : memref<4096x64x128xf32, #tpu.memory_space<hbm>> -> memref<1x64x128xf32, #tpu.memory_space<hbm>>
      %dma_start3A_591 = tpu.memref_squeeze %dma_start3A_590 : memref<1x64x128xf32, #tpu.memory_space<hbm>> -> memref<64x128xf32, #tpu.memory_space<hbm>>
      %dma_start3A_592 = arith.constant 0 : i32
      %dma_start3A_593 = arith.constant 0 : i32
      %dma_start3A_594 = tpu.memref_slice %arg7[%add3A_567, %dma_start3A_592, %dma_start3A_593] : memref<4096x64x128xf32, #tpu.memory_space<hbm>> -> memref<1x64x128xf32, #tpu.memory_space<hbm>>
      %dma_start3A_595 = tpu.memref_squeeze %dma_start3A_594 : memref<1x64x128xf32, #tpu.memory_space<hbm>> -> memref<64x128xf32, #tpu.memory_space<hbm>>
      tpu.enqueue_dma source(%arg14 : memref<64x128xf32, #tpu.memory_space<vmem>>) target(%dma_start3A_595 : memref<64x128xf32, #tpu.memory_space<hbm>>) target_semaphore(%arg30 : memref<!tpu.dma_semaphore, #tpu.memory_space<semaphore_mem>>)
      %add3A_596 = arith.addi %mul3A_2, %mul3A_10 : i32
      %add3A_597 = arith.constant 6 : i32
      %add3A_598 = arith.addi %add3A_596, %add3A_597 : i32
      %sub3A_599 = arith.constant 4 : i32
      %sub3A_600 = arith.subi %add3A_598, %sub3A_599 : i32
      %dma_wait3A_601 = arith.constant 0 : i32
      %dma_wait3A_602 = arith.constant 0 : i32
      %dma_wait3A_603 = tpu.memref_slice %arg6[%sub3A_600, %dma_wait3A_601, %dma_wait3A_602] : memref<4096x64x128xf32, #tpu.memory_space<hbm>> -> memref<1x64x128xf32, #tpu.memory_space<hbm>>
      %dma_wait3A_604 = tpu.memref_squeeze %dma_wait3A_603 : memref<1x64x128xf32, #tpu.memory_space<hbm>> -> memref<64x128xf32, #tpu.memory_space<hbm>>
      %dma_wait3A_605 = arith.constant 0 : i32
      %dma_wait3A_606 = arith.constant 0 : i32
      %dma_wait3A_607 = tpu.memref_slice %arg6[%sub3A_600, %dma_wait3A_605, %dma_wait3A_606] : memref<4096x64x128xf32, #tpu.memory_space<hbm>> -> memref<1x64x128xf32, #tpu.memory_space<hbm>>
      %dma_wait3A_608 = tpu.memref_squeeze %dma_wait3A_607 : memref<1x64x128xf32, #tpu.memory_space<hbm>> -> memref<64x128xf32, #tpu.memory_space<hbm>>
      tpu.wait_dma2 semaphore(%arg28 : memref<!tpu.dma_semaphore, #tpu.memory_space<semaphore_mem>>) src(%arg12 : memref<64x128xf32, #tpu.memory_space<vmem>>) dst(%dma_wait3A_608 : memref<64x128xf32, #tpu.memory_space<hbm>>)
      %dma_wait3A_609 = arith.constant 0 : i32
      %dma_wait3A_610 = arith.constant 0 : i32
      %dma_wait3A_611 = tpu.memref_slice %arg7[%sub3A_600, %dma_wait3A_609, %dma_wait3A_610] : memref<4096x64x128xf32, #tpu.memory_space<hbm>> -> memref<1x64x128xf32, #tpu.memory_space<hbm>>
      %dma_wait3A_612 = tpu.memref_squeeze %dma_wait3A_611 : memref<1x64x128xf32, #tpu.memory_space<hbm>> -> memref<64x128xf32, #tpu.memory_space<hbm>>
      %dma_wait3A_613 = arith.constant 0 : i32
      %dma_wait3A_614 = arith.constant 0 : i32
      %dma_wait3A_615 = tpu.memref_slice %arg7[%sub3A_600, %dma_wait3A_613, %dma_wait3A_614] : memref<4096x64x128xf32, #tpu.memory_space<hbm>> -> memref<1x64x128xf32, #tpu.memory_space<hbm>>
      %dma_wait3A_616 = tpu.memref_squeeze %dma_wait3A_615 : memref<1x64x128xf32, #tpu.memory_space<hbm>> -> memref<64x128xf32, #tpu.memory_space<hbm>>
      tpu.wait_dma2 semaphore(%arg32 : memref<!tpu.dma_semaphore, #tpu.memory_space<semaphore_mem>>) src(%arg16 : memref<64x128xf32, #tpu.memory_space<vmem>>) dst(%dma_wait3A_616 : memref<64x128xf32, #tpu.memory_space<hbm>>)
      %slice3A_617 = vector.extract_strided_slice %get3A_12 {offsets = [6], sizes = [1], strides = [1]} : vector<16xi32> to vector<1xi32>
      %squeeze3A_618 = vector.extract %slice3A_617[0] : i32 from vector<1xi32>
      %jit3A_619 = arith.constant 128 : i32
      %div3A_620 = arith.divsi %squeeze3A_618, %jit3A_619 : i32
      %sign3A_621 = arith.constant 0 : i32
      %sign3A_622 = arith.cmpi sgt, %squeeze3A_618, %sign3A_621 : i32
      %sign3A_623 = arith.extui %sign3A_622 : i1 to i32
      %sign3A_624 = arith.constant 0 : i32
      %sign3A_625 = arith.cmpi slt, %squeeze3A_618, %sign3A_624 : i32
      %sign3A_626 = arith.extui %sign3A_625 : i1 to i32
      %sign3A_627 = arith.subi %sign3A_623, %sign3A_626 : i32
      %sign3A_628 = arith.constant 0 : i32
      %sign3A_629 = arith.cmpi sgt, %jit3A_619, %sign3A_628 : i32
      %sign3A_630 = arith.extui %sign3A_629 : i1 to i32
      %sign3A_631 = arith.constant 0 : i32
      %sign3A_632 = arith.cmpi slt, %jit3A_619, %sign3A_631 : i32
      %sign3A_633 = arith.extui %sign3A_632 : i1 to i32
      %sign3A_634 = arith.subi %sign3A_630, %sign3A_633 : i32
      %ne3A_635 = arith.cmpi ne, %sign3A_627, %sign3A_634 : i32
      %rem3A_636 = arith.remsi %squeeze3A_618, %jit3A_619 : i32
      %ne3A_637 = arith.constant 0 : i32
      %ne3A_638 = arith.cmpi ne, %rem3A_636, %ne3A_637 : i32
      %and3A_639 = arith.andi %ne3A_635, %ne3A_638 : i1
      %sub3A_640 = arith.constant 1 : i32
      %sub3A_641 = arith.subi %div3A_620, %sub3A_640 : i32
      %select_n3A_642 = arith.select %and3A_639, %sub3A_641, %div3A_620 : i32
      %mul3A_643 = arith.constant 128 : i32
      %mul3A_644 = arith.muli %select_n3A_642, %mul3A_643 : i32
      %multiple_of3A_645 = tpu.assume_multiple %mul3A_644, 128 : i32
      %slice3A_646 = vector.extract_strided_slice %get3A_15 {offsets = [6], sizes = [1], strides = [1]} : vector<16xi32> to vector<1xi32>
      %squeeze3A_647 = vector.extract %slice3A_646[0] : i32 from vector<1xi32>
      %jit3A_648 = arith.constant 128 : i32
      %div3A_649 = arith.divsi %squeeze3A_647, %jit3A_648 : i32
      %sign3A_650 = arith.constant 0 : i32
      %sign3A_651 = arith.cmpi sgt, %squeeze3A_647, %sign3A_650 : i32
      %sign3A_652 = arith.extui %sign3A_651 : i1 to i32
      %sign3A_653 = arith.constant 0 : i32
      %sign3A_654 = arith.cmpi slt, %squeeze3A_647, %sign3A_653 : i32
      %sign3A_655 = arith.extui %sign3A_654 : i1 to i32
      %sign3A_656 = arith.subi %sign3A_652, %sign3A_655 : i32
      %sign3A_657 = arith.constant 0 : i32
      %sign3A_658 = arith.cmpi sgt, %jit3A_648, %sign3A_657 : i32
      %sign3A_659 = arith.extui %sign3A_658 : i1 to i32
      %sign3A_660 = arith.constant 0 : i32
      %sign3A_661 = arith.cmpi slt, %jit3A_648, %sign3A_660 : i32
      %sign3A_662 = arith.extui %sign3A_661 : i1 to i32
      %sign3A_663 = arith.subi %sign3A_659, %sign3A_662 : i32
      %ne3A_664 = arith.cmpi ne, %sign3A_656, %sign3A_663 : i32
      %rem3A_665 = arith.remsi %squeeze3A_647, %jit3A_648 : i32
      %ne3A_666 = arith.constant 0 : i32
      %ne3A_667 = arith.cmpi ne, %rem3A_665, %ne3A_666 : i32
      %and3A_668 = arith.andi %ne3A_664, %ne3A_667 : i1
      %sub3A_669 = arith.constant 1 : i32
      %sub3A_670 = arith.subi %div3A_649, %sub3A_669 : i32
      %select_n3A_671 = arith.select %and3A_668, %sub3A_670, %div3A_649 : i32
      %mul3A_672 = arith.constant 128 : i32
      %mul3A_673 = arith.muli %select_n3A_671, %mul3A_672 : i32
      %multiple_of3A_674 = tpu.assume_multiple %mul3A_673, 128 : i32
      %dma_start3A_675 = arith.constant 0 : i32
      %dma_start3A_676 = tpu.memref_slice %arg4[%dma_start3A_675, %multiple_of3A_645] : memref<64x1000000xf32, #tpu.memory_space<hbm>> -> memref<64x128xf32, #tpu.memory_space<hbm>>
      %dma_start3A_677 = arith.constant 0 : i32
      %dma_start3A_678 = tpu.memref_slice %arg4[%dma_start3A_677, %multiple_of3A_645] : memref<64x1000000xf32, #tpu.memory_space<hbm>> -> memref<64x128xf32, #tpu.memory_space<hbm>>
      tpu.enqueue_dma source(%dma_start3A_678 : memref<64x128xf32, #tpu.memory_space<hbm>>) target(%arg12 : memref<64x128xf32, #tpu.memory_space<vmem>>) target_semaphore(%arg20 : memref<!tpu.dma_semaphore, #tpu.memory_space<semaphore_mem>>)
      %dma_start3A_679 = arith.constant 0 : i32
      %dma_start3A_680 = tpu.memref_slice %arg5[%dma_start3A_679, %multiple_of3A_674] : memref<64x1000000xf32, #tpu.memory_space<hbm>> -> memref<64x128xf32, #tpu.memory_space<hbm>>
      %dma_start3A_681 = arith.constant 0 : i32
      %dma_start3A_682 = tpu.memref_slice %arg5[%dma_start3A_681, %multiple_of3A_674] : memref<64x1000000xf32, #tpu.memory_space<hbm>> -> memref<64x128xf32, #tpu.memory_space<hbm>>
      tpu.enqueue_dma source(%dma_start3A_682 : memref<64x128xf32, #tpu.memory_space<hbm>>) target(%arg16 : memref<64x128xf32, #tpu.memory_space<vmem>>) target_semaphore(%arg24 : memref<!tpu.dma_semaphore, #tpu.memory_space<semaphore_mem>>)
      %add3A_683 = arith.addi %mul3A_2, %mul3A_10 : i32
      %add3A_684 = arith.constant 5 : i32
      %add3A_685 = arith.addi %add3A_683, %add3A_684 : i32
      %dma_wait3A_686 = arith.constant 0 : i32
      %dma_wait3A_687 = arith.constant 0 : i32
      %dma_wait3A_688 = tpu.memref_slice %arg4[%dma_wait3A_686, %dma_wait3A_687] : memref<64x1000000xf32, #tpu.memory_space<hbm>> -> memref<64x128xf32, #tpu.memory_space<hbm>>
      %dma_wait3A_689 = arith.constant 0 : i32
      %dma_wait3A_690 = arith.constant 0 : i32
      %dma_wait3A_691 = tpu.memref_slice %arg4[%dma_wait3A_689, %dma_wait3A_690] : memref<64x1000000xf32, #tpu.memory_space<hbm>> -> memref<64x128xf32, #tpu.memory_space<hbm>>
      tpu.wait_dma2 semaphore(%arg19 : memref<!tpu.dma_semaphore, #tpu.memory_space<semaphore_mem>>) src(%dma_wait3A_691 : memref<64x128xf32, #tpu.memory_space<hbm>>) dst(%arg11 : memref<64x128xf32, #tpu.memory_space<vmem>>)
      %dma_wait3A_692 = arith.constant 0 : i32
      %dma_wait3A_693 = arith.constant 0 : i32
      %dma_wait3A_694 = tpu.memref_slice %arg5[%dma_wait3A_692, %dma_wait3A_693] : memref<64x1000000xf32, #tpu.memory_space<hbm>> -> memref<64x128xf32, #tpu.memory_space<hbm>>
      %dma_wait3A_695 = arith.constant 0 : i32
      %dma_wait3A_696 = arith.constant 0 : i32
      %dma_wait3A_697 = tpu.memref_slice %arg5[%dma_wait3A_695, %dma_wait3A_696] : memref<64x1000000xf32, #tpu.memory_space<hbm>> -> memref<64x128xf32, #tpu.memory_space<hbm>>
      tpu.wait_dma2 semaphore(%arg23 : memref<!tpu.dma_semaphore, #tpu.memory_space<semaphore_mem>>) src(%dma_wait3A_697 : memref<64x128xf32, #tpu.memory_space<hbm>>) dst(%arg15 : memref<64x128xf32, #tpu.memory_space<vmem>>)
      %dma_start3A_698 = arith.constant 0 : i32
      %dma_start3A_699 = arith.constant 0 : i32
      %dma_start3A_700 = tpu.memref_slice %arg6[%add3A_685, %dma_start3A_698, %dma_start3A_699] : memref<4096x64x128xf32, #tpu.memory_space<hbm>> -> memref<1x64x128xf32, #tpu.memory_space<hbm>>
      %dma_start3A_701 = tpu.memref_squeeze %dma_start3A_700 : memref<1x64x128xf32, #tpu.memory_space<hbm>> -> memref<64x128xf32, #tpu.memory_space<hbm>>
      %dma_start3A_702 = arith.constant 0 : i32
      %dma_start3A_703 = arith.constant 0 : i32
      %dma_start3A_704 = tpu.memref_slice %arg6[%add3A_685, %dma_start3A_702, %dma_start3A_703] : memref<4096x64x128xf32, #tpu.memory_space<hbm>> -> memref<1x64x128xf32, #tpu.memory_space<hbm>>
      %dma_start3A_705 = tpu.memref_squeeze %dma_start3A_704 : memref<1x64x128xf32, #tpu.memory_space<hbm>> -> memref<64x128xf32, #tpu.memory_space<hbm>>
      tpu.enqueue_dma source(%arg11 : memref<64x128xf32, #tpu.memory_space<vmem>>) target(%dma_start3A_705 : memref<64x128xf32, #tpu.memory_space<hbm>>) target_semaphore(%arg27 : memref<!tpu.dma_semaphore, #tpu.memory_space<semaphore_mem>>)
      %dma_start3A_706 = arith.constant 0 : i32
      %dma_start3A_707 = arith.constant 0 : i32
      %dma_start3A_708 = tpu.memref_slice %arg7[%add3A_685, %dma_start3A_706, %dma_start3A_707] : memref<4096x64x128xf32, #tpu.memory_space<hbm>> -> memref<1x64x128xf32, #tpu.memory_space<hbm>>
      %dma_start3A_709 = tpu.memref_squeeze %dma_start3A_708 : memref<1x64x128xf32, #tpu.memory_space<hbm>> -> memref<64x128xf32, #tpu.memory_space<hbm>>
      %dma_start3A_710 = arith.constant 0 : i32
      %dma_start3A_711 = arith.constant 0 : i32
      %dma_start3A_712 = tpu.memref_slice %arg7[%add3A_685, %dma_start3A_710, %dma_start3A_711] : memref<4096x64x128xf32, #tpu.memory_space<hbm>> -> memref<1x64x128xf32, #tpu.memory_space<hbm>>
      %dma_start3A_713 = tpu.memref_squeeze %dma_start3A_712 : memref<1x64x128xf32, #tpu.memory_space<hbm>> -> memref<64x128xf32, #tpu.memory_space<hbm>>
      tpu.enqueue_dma source(%arg15 : memref<64x128xf32, #tpu.memory_space<vmem>>) target(%dma_start3A_713 : memref<64x128xf32, #tpu.memory_space<hbm>>) target_semaphore(%arg31 : memref<!tpu.dma_semaphore, #tpu.memory_space<semaphore_mem>>)
      %add3A_714 = arith.addi %mul3A_2, %mul3A_10 : i32
      %add3A_715 = arith.constant 7 : i32
      %add3A_716 = arith.addi %add3A_714, %add3A_715 : i32
      %sub3A_717 = arith.constant 4 : i32
      %sub3A_718 = arith.subi %add3A_716, %sub3A_717 : i32
      %dma_wait3A_719 = arith.constant 0 : i32
      %dma_wait3A_720 = arith.constant 0 : i32
      %dma_wait3A_721 = tpu.memref_slice %arg6[%sub3A_718, %dma_wait3A_719, %dma_wait3A_720] : memref<4096x64x128xf32, #tpu.memory_space<hbm>> -> memref<1x64x128xf32, #tpu.memory_space<hbm>>
      %dma_wait3A_722 = tpu.memref_squeeze %dma_wait3A_721 : memref<1x64x128xf32, #tpu.memory_space<hbm>> -> memref<64x128xf32, #tpu.memory_space<hbm>>
      %dma_wait3A_723 = arith.constant 0 : i32
      %dma_wait3A_724 = arith.constant 0 : i32
      %dma_wait3A_725 = tpu.memref_slice %arg6[%sub3A_718, %dma_wait3A_723, %dma_wait3A_724] : memref<4096x64x128xf32, #tpu.memory_space<hbm>> -> memref<1x64x128xf32, #tpu.memory_space<hbm>>
      %dma_wait3A_726 = tpu.memref_squeeze %dma_wait3A_725 : memref<1x64x128xf32, #tpu.memory_space<hbm>> -> memref<64x128xf32, #tpu.memory_space<hbm>>
      tpu.wait_dma2 semaphore(%arg29 : memref<!tpu.dma_semaphore, #tpu.memory_space<semaphore_mem>>) src(%arg13 : memref<64x128xf32, #tpu.memory_space<vmem>>) dst(%dma_wait3A_726 : memref<64x128xf32, #tpu.memory_space<hbm>>)
      %dma_wait3A_727 = arith.constant 0 : i32
      %dma_wait3A_728 = arith.constant 0 : i32
      %dma_wait3A_729 = tpu.memref_slice %arg7[%sub3A_718, %dma_wait3A_727, %dma_wait3A_728] : memref<4096x64x128xf32, #tpu.memory_space<hbm>> -> memref<1x64x128xf32, #tpu.memory_space<hbm>>
      %dma_wait3A_730 = tpu.memref_squeeze %dma_wait3A_729 : memref<1x64x128xf32, #tpu.memory_space<hbm>> -> memref<64x128xf32, #tpu.memory_space<hbm>>
      %dma_wait3A_731 = arith.constant 0 : i32
      %dma_wait3A_732 = arith.constant 0 : i32
      %dma_wait3A_733 = tpu.memref_slice %arg7[%sub3A_718, %dma_wait3A_731, %dma_wait3A_732] : memref<4096x64x128xf32, #tpu.memory_space<hbm>> -> memref<1x64x128xf32, #tpu.memory_space<hbm>>
      %dma_wait3A_734 = tpu.memref_squeeze %dma_wait3A_733 : memref<1x64x128xf32, #tpu.memory_space<hbm>> -> memref<64x128xf32, #tpu.memory_space<hbm>>
      tpu.wait_dma2 semaphore(%arg33 : memref<!tpu.dma_semaphore, #tpu.memory_space<semaphore_mem>>) src(%arg17 : memref<64x128xf32, #tpu.memory_space<vmem>>) dst(%dma_wait3A_734 : memref<64x128xf32, #tpu.memory_space<hbm>>)
      %slice3A_735 = vector.extract_strided_slice %get3A_12 {offsets = [7], sizes = [1], strides = [1]} : vector<16xi32> to vector<1xi32>
      %squeeze3A_736 = vector.extract %slice3A_735[0] : i32 from vector<1xi32>
      %jit3A_737 = arith.constant 128 : i32
      %div3A_738 = arith.divsi %squeeze3A_736, %jit3A_737 : i32
      %sign3A_739 = arith.constant 0 : i32
      %sign3A_740 = arith.cmpi sgt, %squeeze3A_736, %sign3A_739 : i32
      %sign3A_741 = arith.extui %sign3A_740 : i1 to i32
      %sign3A_742 = arith.constant 0 : i32
      %sign3A_743 = arith.cmpi slt, %squeeze3A_736, %sign3A_742 : i32
      %sign3A_744 = arith.extui %sign3A_743 : i1 to i32
      %sign3A_745 = arith.subi %sign3A_741, %sign3A_744 : i32
      %sign3A_746 = arith.constant 0 : i32
      %sign3A_747 = arith.cmpi sgt, %jit3A_737, %sign3A_746 : i32
      %sign3A_748 = arith.extui %sign3A_747 : i1 to i32
      %sign3A_749 = arith.constant 0 : i32
      %sign3A_750 = arith.cmpi slt, %jit3A_737, %sign3A_749 : i32
      %sign3A_751 = arith.extui %sign3A_750 : i1 to i32
      %sign3A_752 = arith.subi %sign3A_748, %sign3A_751 : i32
      %ne3A_753 = arith.cmpi ne, %sign3A_745, %sign3A_752 : i32
      %rem3A_754 = arith.remsi %squeeze3A_736, %jit3A_737 : i32
      %ne3A_755 = arith.constant 0 : i32
      %ne3A_756 = arith.cmpi ne, %rem3A_754, %ne3A_755 : i32
      %and3A_757 = arith.andi %ne3A_753, %ne3A_756 : i1
      %sub3A_758 = arith.constant 1 : i32
      %sub3A_759 = arith.subi %div3A_738, %sub3A_758 : i32
      %select_n3A_760 = arith.select %and3A_757, %sub3A_759, %div3A_738 : i32
      %mul3A_761 = arith.constant 128 : i32
      %mul3A_762 = arith.muli %select_n3A_760, %mul3A_761 : i32
      %multiple_of3A_763 = tpu.assume_multiple %mul3A_762, 128 : i32
      %slice3A_764 = vector.extract_strided_slice %get3A_15 {offsets = [7], sizes = [1], strides = [1]} : vector<16xi32> to vector<1xi32>
      %squeeze3A_765 = vector.extract %slice3A_764[0] : i32 from vector<1xi32>
      %jit3A_766 = arith.constant 128 : i32
      %div3A_767 = arith.divsi %squeeze3A_765, %jit3A_766 : i32
      %sign3A_768 = arith.constant 0 : i32
      %sign3A_769 = arith.cmpi sgt, %squeeze3A_765, %sign3A_768 : i32
      %sign3A_770 = arith.extui %sign3A_769 : i1 to i32
      %sign3A_771 = arith.constant 0 : i32
      %sign3A_772 = arith.cmpi slt, %squeeze3A_765, %sign3A_771 : i32
      %sign3A_773 = arith.extui %sign3A_772 : i1 to i32
      %sign3A_774 = arith.subi %sign3A_770, %sign3A_773 : i32
      %sign3A_775 = arith.constant 0 : i32
      %sign3A_776 = arith.cmpi sgt, %jit3A_766, %sign3A_775 : i32
      %sign3A_777 = arith.extui %sign3A_776 : i1 to i32
      %sign3A_778 = arith.constant 0 : i32
      %sign3A_779 = arith.cmpi slt, %jit3A_766, %sign3A_778 : i32
      %sign3A_780 = arith.extui %sign3A_779 : i1 to i32
      %sign3A_781 = arith.subi %sign3A_777, %sign3A_780 : i32
      %ne3A_782 = arith.cmpi ne, %sign3A_774, %sign3A_781 : i32
      %rem3A_783 = arith.remsi %squeeze3A_765, %jit3A_766 : i32
      %ne3A_784 = arith.constant 0 : i32
      %ne3A_785 = arith.cmpi ne, %rem3A_783, %ne3A_784 : i32
      %and3A_786 = arith.andi %ne3A_782, %ne3A_785 : i1
      %sub3A_787 = arith.constant 1 : i32
      %sub3A_788 = arith.subi %div3A_767, %sub3A_787 : i32
      %select_n3A_789 = arith.select %and3A_786, %sub3A_788, %div3A_767 : i32
      %mul3A_790 = arith.constant 128 : i32
      %mul3A_791 = arith.muli %select_n3A_789, %mul3A_790 : i32
      %multiple_of3A_792 = tpu.assume_multiple %mul3A_791, 128 : i32
      %dma_start3A_793 = arith.constant 0 : i32
      %dma_start3A_794 = tpu.memref_slice %arg4[%dma_start3A_793, %multiple_of3A_763] : memref<64x1000000xf32, #tpu.memory_space<hbm>> -> memref<64x128xf32, #tpu.memory_space<hbm>>
      %dma_start3A_795 = arith.constant 0 : i32
      %dma_start3A_796 = tpu.memref_slice %arg4[%dma_start3A_795, %multiple_of3A_763] : memref<64x1000000xf32, #tpu.memory_space<hbm>> -> memref<64x128xf32, #tpu.memory_space<hbm>>
      tpu.enqueue_dma source(%dma_start3A_796 : memref<64x128xf32, #tpu.memory_space<hbm>>) target(%arg13 : memref<64x128xf32, #tpu.memory_space<vmem>>) target_semaphore(%arg21 : memref<!tpu.dma_semaphore, #tpu.memory_space<semaphore_mem>>)
      %dma_start3A_797 = arith.constant 0 : i32
      %dma_start3A_798 = tpu.memref_slice %arg5[%dma_start3A_797, %multiple_of3A_792] : memref<64x1000000xf32, #tpu.memory_space<hbm>> -> memref<64x128xf32, #tpu.memory_space<hbm>>
      %dma_start3A_799 = arith.constant 0 : i32
      %dma_start3A_800 = tpu.memref_slice %arg5[%dma_start3A_799, %multiple_of3A_792] : memref<64x1000000xf32, #tpu.memory_space<hbm>> -> memref<64x128xf32, #tpu.memory_space<hbm>>
      tpu.enqueue_dma source(%dma_start3A_800 : memref<64x128xf32, #tpu.memory_space<hbm>>) target(%arg17 : memref<64x128xf32, #tpu.memory_space<vmem>>) target_semaphore(%arg25 : memref<!tpu.dma_semaphore, #tpu.memory_space<semaphore_mem>>)
      %add3A_801 = arith.addi %mul3A_2, %mul3A_10 : i32
      %add3A_802 = arith.constant 6 : i32
      %add3A_803 = arith.addi %add3A_801, %add3A_802 : i32
      %dma_wait3A_804 = arith.constant 0 : i32
      %dma_wait3A_805 = arith.constant 0 : i32
      %dma_wait3A_806 = tpu.memref_slice %arg4[%dma_wait3A_804, %dma_wait3A_805] : memref<64x1000000xf32, #tpu.memory_space<hbm>> -> memref<64x128xf32, #tpu.memory_space<hbm>>
      %dma_wait3A_807 = arith.constant 0 : i32
      %dma_wait3A_808 = arith.constant 0 : i32
      %dma_wait3A_809 = tpu.memref_slice %arg4[%dma_wait3A_807, %dma_wait3A_808] : memref<64x1000000xf32, #tpu.memory_space<hbm>> -> memref<64x128xf32, #tpu.memory_space<hbm>>
      tpu.wait_dma2 semaphore(%arg20 : memref<!tpu.dma_semaphore, #tpu.memory_space<semaphore_mem>>) src(%dma_wait3A_809 : memref<64x128xf32, #tpu.memory_space<hbm>>) dst(%arg12 : memref<64x128xf32, #tpu.memory_space<vmem>>)
      %dma_wait3A_810 = arith.constant 0 : i32
      %dma_wait3A_811 = arith.constant 0 : i32
      %dma_wait3A_812 = tpu.memref_slice %arg5[%dma_wait3A_810, %dma_wait3A_811] : memref<64x1000000xf32, #tpu.memory_space<hbm>> -> memref<64x128xf32, #tpu.memory_space<hbm>>
      %dma_wait3A_813 = arith.constant 0 : i32
      %dma_wait3A_814 = arith.constant 0 : i32
      %dma_wait3A_815 = tpu.memref_slice %arg5[%dma_wait3A_813, %dma_wait3A_814] : memref<64x1000000xf32, #tpu.memory_space<hbm>> -> memref<64x128xf32, #tpu.memory_space<hbm>>
      tpu.wait_dma2 semaphore(%arg24 : memref<!tpu.dma_semaphore, #tpu.memory_space<semaphore_mem>>) src(%dma_wait3A_815 : memref<64x128xf32, #tpu.memory_space<hbm>>) dst(%arg16 : memref<64x128xf32, #tpu.memory_space<vmem>>)
      %dma_start3A_816 = arith.constant 0 : i32
      %dma_start3A_817 = arith.constant 0 : i32
      %dma_start3A_818 = tpu.memref_slice %arg6[%add3A_803, %dma_start3A_816, %dma_start3A_817] : memref<4096x64x128xf32, #tpu.memory_space<hbm>> -> memref<1x64x128xf32, #tpu.memory_space<hbm>>
      %dma_start3A_819 = tpu.memref_squeeze %dma_start3A_818 : memref<1x64x128xf32, #tpu.memory_space<hbm>> -> memref<64x128xf32, #tpu.memory_space<hbm>>
      %dma_start3A_820 = arith.constant 0 : i32
      %dma_start3A_821 = arith.constant 0 : i32
      %dma_start3A_822 = tpu.memref_slice %arg6[%add3A_803, %dma_start3A_820, %dma_start3A_821] : memref<4096x64x128xf32, #tpu.memory_space<hbm>> -> memref<1x64x128xf32, #tpu.memory_space<hbm>>
      %dma_start3A_823 = tpu.memref_squeeze %dma_start3A_822 : memref<1x64x128xf32, #tpu.memory_space<hbm>> -> memref<64x128xf32, #tpu.memory_space<hbm>>
      tpu.enqueue_dma source(%arg12 : memref<64x128xf32, #tpu.memory_space<vmem>>) target(%dma_start3A_823 : memref<64x128xf32, #tpu.memory_space<hbm>>) target_semaphore(%arg28 : memref<!tpu.dma_semaphore, #tpu.memory_space<semaphore_mem>>)
      %dma_start3A_824 = arith.constant 0 : i32
      %dma_start3A_825 = arith.constant 0 : i32
      %dma_start3A_826 = tpu.memref_slice %arg7[%add3A_803, %dma_start3A_824, %dma_start3A_825] : memref<4096x64x128xf32, #tpu.memory_space<hbm>> -> memref<1x64x128xf32, #tpu.memory_space<hbm>>
      %dma_start3A_827 = tpu.memref_squeeze %dma_start3A_826 : memref<1x64x128xf32, #tpu.memory_space<hbm>> -> memref<64x128xf32, #tpu.memory_space<hbm>>
      %dma_start3A_828 = arith.constant 0 : i32
      %dma_start3A_829 = arith.constant 0 : i32
      %dma_start3A_830 = tpu.memref_slice %arg7[%add3A_803, %dma_start3A_828, %dma_start3A_829] : memref<4096x64x128xf32, #tpu.memory_space<hbm>> -> memref<1x64x128xf32, #tpu.memory_space<hbm>>
      %dma_start3A_831 = tpu.memref_squeeze %dma_start3A_830 : memref<1x64x128xf32, #tpu.memory_space<hbm>> -> memref<64x128xf32, #tpu.memory_space<hbm>>
      tpu.enqueue_dma source(%arg16 : memref<64x128xf32, #tpu.memory_space<vmem>>) target(%dma_start3A_831 : memref<64x128xf32, #tpu.memory_space<hbm>>) target_semaphore(%arg32 : memref<!tpu.dma_semaphore, #tpu.memory_space<semaphore_mem>>)
      %add3A_832 = arith.addi %mul3A_2, %mul3A_10 : i32
      %add3A_833 = arith.constant 8 : i32
      %add3A_834 = arith.addi %add3A_832, %add3A_833 : i32
      %sub3A_835 = arith.constant 4 : i32
      %sub3A_836 = arith.subi %add3A_834, %sub3A_835 : i32
      %dma_wait3A_837 = arith.constant 0 : i32
      %dma_wait3A_838 = arith.constant 0 : i32
      %dma_wait3A_839 = tpu.memref_slice %arg6[%sub3A_836, %dma_wait3A_837, %dma_wait3A_838] : memref<4096x64x128xf32, #tpu.memory_space<hbm>> -> memref<1x64x128xf32, #tpu.memory_space<hbm>>
      %dma_wait3A_840 = tpu.memref_squeeze %dma_wait3A_839 : memref<1x64x128xf32, #tpu.memory_space<hbm>> -> memref<64x128xf32, #tpu.memory_space<hbm>>
      %dma_wait3A_841 = arith.constant 0 : i32
      %dma_wait3A_842 = arith.constant 0 : i32
      %dma_wait3A_843 = tpu.memref_slice %arg6[%sub3A_836, %dma_wait3A_841, %dma_wait3A_842] : memref<4096x64x128xf32, #tpu.memory_space<hbm>> -> memref<1x64x128xf32, #tpu.memory_space<hbm>>
      %dma_wait3A_844 = tpu.memref_squeeze %dma_wait3A_843 : memref<1x64x128xf32, #tpu.memory_space<hbm>> -> memref<64x128xf32, #tpu.memory_space<hbm>>
      tpu.wait_dma2 semaphore(%arg26 : memref<!tpu.dma_semaphore, #tpu.memory_space<semaphore_mem>>) src(%arg10 : memref<64x128xf32, #tpu.memory_space<vmem>>) dst(%dma_wait3A_844 : memref<64x128xf32, #tpu.memory_space<hbm>>)
      %dma_wait3A_845 = arith.constant 0 : i32
      %dma_wait3A_846 = arith.constant 0 : i32
      %dma_wait3A_847 = tpu.memref_slice %arg7[%sub3A_836, %dma_wait3A_845, %dma_wait3A_846] : memref<4096x64x128xf32, #tpu.memory_space<hbm>> -> memref<1x64x128xf32, #tpu.memory_space<hbm>>
      %dma_wait3A_848 = tpu.memref_squeeze %dma_wait3A_847 : memref<1x64x128xf32, #tpu.memory_space<hbm>> -> memref<64x128xf32, #tpu.memory_space<hbm>>
      %dma_wait3A_849 = arith.constant 0 : i32
      %dma_wait3A_850 = arith.constant 0 : i32
      %dma_wait3A_851 = tpu.memref_slice %arg7[%sub3A_836, %dma_wait3A_849, %dma_wait3A_850] : memref<4096x64x128xf32, #tpu.memory_space<hbm>> -> memref<1x64x128xf32, #tpu.memory_space<hbm>>
      %dma_wait3A_852 = tpu.memref_squeeze %dma_wait3A_851 : memref<1x64x128xf32, #tpu.memory_space<hbm>> -> memref<64x128xf32, #tpu.memory_space<hbm>>
      tpu.wait_dma2 semaphore(%arg30 : memref<!tpu.dma_semaphore, #tpu.memory_space<semaphore_mem>>) src(%arg14 : memref<64x128xf32, #tpu.memory_space<vmem>>) dst(%dma_wait3A_852 : memref<64x128xf32, #tpu.memory_space<hbm>>)
      %slice3A_853 = vector.extract_strided_slice %get3A_12 {offsets = [8], sizes = [1], strides = [1]} : vector<16xi32> to vector<1xi32>
      %squeeze3A_854 = vector.extract %slice3A_853[0] : i32 from vector<1xi32>
      %jit3A_855 = arith.constant 128 : i32
      %div3A_856 = arith.divsi %squeeze3A_854, %jit3A_855 : i32
      %sign3A_857 = arith.constant 0 : i32
      %sign3A_858 = arith.cmpi sgt, %squeeze3A_854, %sign3A_857 : i32
      %sign3A_859 = arith.extui %sign3A_858 : i1 to i32
      %sign3A_860 = arith.constant 0 : i32
      %sign3A_861 = arith.cmpi slt, %squeeze3A_854, %sign3A_860 : i32
      %sign3A_862 = arith.extui %sign3A_861 : i1 to i32
      %sign3A_863 = arith.subi %sign3A_859, %sign3A_862 : i32
      %sign3A_864 = arith.constant 0 : i32
      %sign3A_865 = arith.cmpi sgt, %jit3A_855, %sign3A_864 : i32
      %sign3A_866 = arith.extui %sign3A_865 : i1 to i32
      %sign3A_867 = arith.constant 0 : i32
      %sign3A_868 = arith.cmpi slt, %jit3A_855, %sign3A_867 : i32
      %sign3A_869 = arith.extui %sign3A_868 : i1 to i32
      %sign3A_870 = arith.subi %sign3A_866, %sign3A_869 : i32
      %ne3A_871 = arith.cmpi ne, %sign3A_863, %sign3A_870 : i32
      %rem3A_872 = arith.remsi %squeeze3A_854, %jit3A_855 : i32
      %ne3A_873 = arith.constant 0 : i32
      %ne3A_874 = arith.cmpi ne, %rem3A_872, %ne3A_873 : i32
      %and3A_875 = arith.andi %ne3A_871, %ne3A_874 : i1
      %sub3A_876 = arith.constant 1 : i32
      %sub3A_877 = arith.subi %div3A_856, %sub3A_876 : i32
      %select_n3A_878 = arith.select %and3A_875, %sub3A_877, %div3A_856 : i32
      %mul3A_879 = arith.constant 128 : i32
      %mul3A_880 = arith.muli %select_n3A_878, %mul3A_879 : i32
      %multiple_of3A_881 = tpu.assume_multiple %mul3A_880, 128 : i32
      %slice3A_882 = vector.extract_strided_slice %get3A_15 {offsets = [8], sizes = [1], strides = [1]} : vector<16xi32> to vector<1xi32>
      %squeeze3A_883 = vector.extract %slice3A_882[0] : i32 from vector<1xi32>
      %jit3A_884 = arith.constant 128 : i32
      %div3A_885 = arith.divsi %squeeze3A_883, %jit3A_884 : i32
      %sign3A_886 = arith.constant 0 : i32
      %sign3A_887 = arith.cmpi sgt, %squeeze3A_883, %sign3A_886 : i32
      %sign3A_888 = arith.extui %sign3A_887 : i1 to i32
      %sign3A_889 = arith.constant 0 : i32
      %sign3A_890 = arith.cmpi slt, %squeeze3A_883, %sign3A_889 : i32
      %sign3A_891 = arith.extui %sign3A_890 : i1 to i32
      %sign3A_892 = arith.subi %sign3A_888, %sign3A_891 : i32
      %sign3A_893 = arith.constant 0 : i32
      %sign3A_894 = arith.cmpi sgt, %jit3A_884, %sign3A_893 : i32
      %sign3A_895 = arith.extui %sign3A_894 : i1 to i32
      %sign3A_896 = arith.constant 0 : i32
      %sign3A_897 = arith.cmpi slt, %jit3A_884, %sign3A_896 : i32
      %sign3A_898 = arith.extui %sign3A_897 : i1 to i32
      %sign3A_899 = arith.subi %sign3A_895, %sign3A_898 : i32
      %ne3A_900 = arith.cmpi ne, %sign3A_892, %sign3A_899 : i32
      %rem3A_901 = arith.remsi %squeeze3A_883, %jit3A_884 : i32
      %ne3A_902 = arith.constant 0 : i32
      %ne3A_903 = arith.cmpi ne, %rem3A_901, %ne3A_902 : i32
      %and3A_904 = arith.andi %ne3A_900, %ne3A_903 : i1
      %sub3A_905 = arith.constant 1 : i32
      %sub3A_906 = arith.subi %div3A_885, %sub3A_905 : i32
      %select_n3A_907 = arith.select %and3A_904, %sub3A_906, %div3A_885 : i32
      %mul3A_908 = arith.constant 128 : i32
      %mul3A_909 = arith.muli %select_n3A_907, %mul3A_908 : i32
      %multiple_of3A_910 = tpu.assume_multiple %mul3A_909, 128 : i32
      %dma_start3A_911 = arith.constant 0 : i32
      %dma_start3A_912 = tpu.memref_slice %arg4[%dma_start3A_911, %multiple_of3A_881] : memref<64x1000000xf32, #tpu.memory_space<hbm>> -> memref<64x128xf32, #tpu.memory_space<hbm>>
      %dma_start3A_913 = arith.constant 0 : i32
      %dma_start3A_914 = tpu.memref_slice %arg4[%dma_start3A_913, %multiple_of3A_881] : memref<64x1000000xf32, #tpu.memory_space<hbm>> -> memref<64x128xf32, #tpu.memory_space<hbm>>
      tpu.enqueue_dma source(%dma_start3A_914 : memref<64x128xf32, #tpu.memory_space<hbm>>) target(%arg10 : memref<64x128xf32, #tpu.memory_space<vmem>>) target_semaphore(%arg18 : memref<!tpu.dma_semaphore, #tpu.memory_space<semaphore_mem>>)
      %dma_start3A_915 = arith.constant 0 : i32
      %dma_start3A_916 = tpu.memref_slice %arg5[%dma_start3A_915, %multiple_of3A_910] : memref<64x1000000xf32, #tpu.memory_space<hbm>> -> memref<64x128xf32, #tpu.memory_space<hbm>>
      %dma_start3A_917 = arith.constant 0 : i32
      %dma_start3A_918 = tpu.memref_slice %arg5[%dma_start3A_917, %multiple_of3A_910] : memref<64x1000000xf32, #tpu.memory_space<hbm>> -> memref<64x128xf32, #tpu.memory_space<hbm>>
      tpu.enqueue_dma source(%dma_start3A_918 : memref<64x128xf32, #tpu.memory_space<hbm>>) target(%arg14 : memref<64x128xf32, #tpu.memory_space<vmem>>) target_semaphore(%arg22 : memref<!tpu.dma_semaphore, #tpu.memory_space<semaphore_mem>>)
      %add3A_919 = arith.addi %mul3A_2, %mul3A_10 : i32
      %add3A_920 = arith.constant 7 : i32
      %add3A_921 = arith.addi %add3A_919, %add3A_920 : i32
      %dma_wait3A_922 = arith.constant 0 : i32
      %dma_wait3A_923 = arith.constant 0 : i32
      %dma_wait3A_924 = tpu.memref_slice %arg4[%dma_wait3A_922, %dma_wait3A_923] : memref<64x1000000xf32, #tpu.memory_space<hbm>> -> memref<64x128xf32, #tpu.memory_space<hbm>>
      %dma_wait3A_925 = arith.constant 0 : i32
      %dma_wait3A_926 = arith.constant 0 : i32
      %dma_wait3A_927 = tpu.memref_slice %arg4[%dma_wait3A_925, %dma_wait3A_926] : memref<64x1000000xf32, #tpu.memory_space<hbm>> -> memref<64x128xf32, #tpu.memory_space<hbm>>
      tpu.wait_dma2 semaphore(%arg21 : memref<!tpu.dma_semaphore, #tpu.memory_space<semaphore_mem>>) src(%dma_wait3A_927 : memref<64x128xf32, #tpu.memory_space<hbm>>) dst(%arg13 : memref<64x128xf32, #tpu.memory_space<vmem>>)
      %dma_wait3A_928 = arith.constant 0 : i32
      %dma_wait3A_929 = arith.constant 0 : i32
      %dma_wait3A_930 = tpu.memref_slice %arg5[%dma_wait3A_928, %dma_wait3A_929] : memref<64x1000000xf32, #tpu.memory_space<hbm>> -> memref<64x128xf32, #tpu.memory_space<hbm>>
      %dma_wait3A_931 = arith.constant 0 : i32
      %dma_wait3A_932 = arith.constant 0 : i32
      %dma_wait3A_933 = tpu.memref_slice %arg5[%dma_wait3A_931, %dma_wait3A_932] : memref<64x1000000xf32, #tpu.memory_space<hbm>> -> memref<64x128xf32, #tpu.memory_space<hbm>>
      tpu.wait_dma2 semaphore(%arg25 : memref<!tpu.dma_semaphore, #tpu.memory_space<semaphore_mem>>) src(%dma_wait3A_933 : memref<64x128xf32, #tpu.memory_space<hbm>>) dst(%arg17 : memref<64x128xf32, #tpu.memory_space<vmem>>)
      %dma_start3A_934 = arith.constant 0 : i32
      %dma_start3A_935 = arith.constant 0 : i32
      %dma_start3A_936 = tpu.memref_slice %arg6[%add3A_921, %dma_start3A_934, %dma_start3A_935] : memref<4096x64x128xf32, #tpu.memory_space<hbm>> -> memref<1x64x128xf32, #tpu.memory_space<hbm>>
      %dma_start3A_937 = tpu.memref_squeeze %dma_start3A_936 : memref<1x64x128xf32, #tpu.memory_space<hbm>> -> memref<64x128xf32, #tpu.memory_space<hbm>>
      %dma_start3A_938 = arith.constant 0 : i32
      %dma_start3A_939 = arith.constant 0 : i32
      %dma_start3A_940 = tpu.memref_slice %arg6[%add3A_921, %dma_start3A_938, %dma_start3A_939] : memref<4096x64x128xf32, #tpu.memory_space<hbm>> -> memref<1x64x128xf32, #tpu.memory_space<hbm>>
      %dma_start3A_941 = tpu.memref_squeeze %dma_start3A_940 : memref<1x64x128xf32, #tpu.memory_space<hbm>> -> memref<64x128xf32, #tpu.memory_space<hbm>>
      tpu.enqueue_dma source(%arg13 : memref<64x128xf32, #tpu.memory_space<vmem>>) target(%dma_start3A_941 : memref<64x128xf32, #tpu.memory_space<hbm>>) target_semaphore(%arg29 : memref<!tpu.dma_semaphore, #tpu.memory_space<semaphore_mem>>)
      %dma_start3A_942 = arith.constant 0 : i32
      %dma_start3A_943 = arith.constant 0 : i32
      %dma_start3A_944 = tpu.memref_slice %arg7[%add3A_921, %dma_start3A_942, %dma_start3A_943] : memref<4096x64x128xf32, #tpu.memory_space<hbm>> -> memref<1x64x128xf32, #tpu.memory_space<hbm>>
      %dma_start3A_945 = tpu.memref_squeeze %dma_start3A_944 : memref<1x64x128xf32, #tpu.memory_space<hbm>> -> memref<64x128xf32, #tpu.memory_space<hbm>>
      %dma_start3A_946 = arith.constant 0 : i32
      %dma_start3A_947 = arith.constant 0 : i32
      %dma_start3A_948 = tpu.memref_slice %arg7[%add3A_921, %dma_start3A_946, %dma_start3A_947] : memref<4096x64x128xf32, #tpu.memory_space<hbm>> -> memref<1x64x128xf32, #tpu.memory_space<hbm>>
      %dma_start3A_949 = tpu.memref_squeeze %dma_start3A_948 : memref<1x64x128xf32, #tpu.memory_space<hbm>> -> memref<64x128xf32, #tpu.memory_space<hbm>>
      tpu.enqueue_dma source(%arg17 : memref<64x128xf32, #tpu.memory_space<vmem>>) target(%dma_start3A_949 : memref<64x128xf32, #tpu.memory_space<hbm>>) target_semaphore(%arg33 : memref<!tpu.dma_semaphore, #tpu.memory_space<semaphore_mem>>)
      %add3A_950 = arith.addi %mul3A_2, %mul3A_10 : i32
      %add3A_951 = arith.constant 9 : i32
      %add3A_952 = arith.addi %add3A_950, %add3A_951 : i32
      %sub3A_953 = arith.constant 4 : i32
      %sub3A_954 = arith.subi %add3A_952, %sub3A_953 : i32
      %dma_wait3A_955 = arith.constant 0 : i32
      %dma_wait3A_956 = arith.constant 0 : i32
      %dma_wait3A_957 = tpu.memref_slice %arg6[%sub3A_954, %dma_wait3A_955, %dma_wait3A_956] : memref<4096x64x128xf32, #tpu.memory_space<hbm>> -> memref<1x64x128xf32, #tpu.memory_space<hbm>>
      %dma_wait3A_958 = tpu.memref_squeeze %dma_wait3A_957 : memref<1x64x128xf32, #tpu.memory_space<hbm>> -> memref<64x128xf32, #tpu.memory_space<hbm>>
      %dma_wait3A_959 = arith.constant 0 : i32
      %dma_wait3A_960 = arith.constant 0 : i32
      %dma_wait3A_961 = tpu.memref_slice %arg6[%sub3A_954, %dma_wait3A_959, %dma_wait3A_960] : memref<4096x64x128xf32, #tpu.memory_space<hbm>> -> memref<1x64x128xf32, #tpu.memory_space<hbm>>
      %dma_wait3A_962 = tpu.memref_squeeze %dma_wait3A_961 : memref<1x64x128xf32, #tpu.memory_space<hbm>> -> memref<64x128xf32, #tpu.memory_space<hbm>>
      tpu.wait_dma2 semaphore(%arg27 : memref<!tpu.dma_semaphore, #tpu.memory_space<semaphore_mem>>) src(%arg11 : memref<64x128xf32, #tpu.memory_space<vmem>>) dst(%dma_wait3A_962 : memref<64x128xf32, #tpu.memory_space<hbm>>)
      %dma_wait3A_963 = arith.constant 0 : i32
      %dma_wait3A_964 = arith.constant 0 : i32
      %dma_wait3A_965 = tpu.memref_slice %arg7[%sub3A_954, %dma_wait3A_963, %dma_wait3A_964] : memref<4096x64x128xf32, #tpu.memory_space<hbm>> -> memref<1x64x128xf32, #tpu.memory_space<hbm>>
      %dma_wait3A_966 = tpu.memref_squeeze %dma_wait3A_965 : memref<1x64x128xf32, #tpu.memory_space<hbm>> -> memref<64x128xf32, #tpu.memory_space<hbm>>
      %dma_wait3A_967 = arith.constant 0 : i32
      %dma_wait3A_968 = arith.constant 0 : i32
      %dma_wait3A_969 = tpu.memref_slice %arg7[%sub3A_954, %dma_wait3A_967, %dma_wait3A_968] : memref<4096x64x128xf32, #tpu.memory_space<hbm>> -> memref<1x64x128xf32, #tpu.memory_space<hbm>>
      %dma_wait3A_970 = tpu.memref_squeeze %dma_wait3A_969 : memref<1x64x128xf32, #tpu.memory_space<hbm>> -> memref<64x128xf32, #tpu.memory_space<hbm>>
      tpu.wait_dma2 semaphore(%arg31 : memref<!tpu.dma_semaphore, #tpu.memory_space<semaphore_mem>>) src(%arg15 : memref<64x128xf32, #tpu.memory_space<vmem>>) dst(%dma_wait3A_970 : memref<64x128xf32, #tpu.memory_space<hbm>>)
      %slice3A_971 = vector.extract_strided_slice %get3A_12 {offsets = [9], sizes = [1], strides = [1]} : vector<16xi32> to vector<1xi32>
      %squeeze3A_972 = vector.extract %slice3A_971[0] : i32 from vector<1xi32>
      %jit3A_973 = arith.constant 128 : i32
      %div3A_974 = arith.divsi %squeeze3A_972, %jit3A_973 : i32
      %sign3A_975 = arith.constant 0 : i32
      %sign3A_976 = arith.cmpi sgt, %squeeze3A_972, %sign3A_975 : i32
      %sign3A_977 = arith.extui %sign3A_976 : i1 to i32
      %sign3A_978 = arith.constant 0 : i32
      %sign3A_979 = arith.cmpi slt, %squeeze3A_972, %sign3A_978 : i32
      %sign3A_980 = arith.extui %sign3A_979 : i1 to i32
      %sign3A_981 = arith.subi %sign3A_977, %sign3A_980 : i32
      %sign3A_982 = arith.constant 0 : i32
      %sign3A_983 = arith.cmpi sgt, %jit3A_973, %sign3A_982 : i32
      %sign3A_984 = arith.extui %sign3A_983 : i1 to i32
      %sign3A_985 = arith.constant 0 : i32
      %sign3A_986 = arith.cmpi slt, %jit3A_973, %sign3A_985 : i32
      %sign3A_987 = arith.extui %sign3A_986 : i1 to i32
      %sign3A_988 = arith.subi %sign3A_984, %sign3A_987 : i32
      %ne3A_989 = arith.cmpi ne, %sign3A_981, %sign3A_988 : i32
      %rem3A_990 = arith.remsi %squeeze3A_972, %jit3A_973 : i32
      %ne3A_991 = arith.constant 0 : i32
      %ne3A_992 = arith.cmpi ne, %rem3A_990, %ne3A_991 : i32
      %and3A_993 = arith.andi %ne3A_989, %ne3A_992 : i1
      %sub3A_994 = arith.constant 1 : i32
      %sub3A_995 = arith.subi %div3A_974, %sub3A_994 : i32
      %select_n3A_996 = arith.select %and3A_993, %sub3A_995, %div3A_974 : i32
      %mul3A_997 = arith.constant 128 : i32
      %mul3A_998 = arith.muli %select_n3A_996, %mul3A_997 : i32
      %multiple_of3A_999 = tpu.assume_multiple %mul3A_998, 128 : i32
      %slice3A_1000 = vector.extract_strided_slice %get3A_15 {offsets = [9], sizes = [1], strides = [1]} : vector<16xi32> to vector<1xi32>
      %squeeze3A_1001 = vector.extract %slice3A_1000[0] : i32 from vector<1xi32>
      %jit3A_1002 = arith.constant 128 : i32
      %div3A_1003 = arith.divsi %squeeze3A_1001, %jit3A_1002 : i32
      %sign3A_1004 = arith.constant 0 : i32
      %sign3A_1005 = arith.cmpi sgt, %squeeze3A_1001, %sign3A_1004 : i32
      %sign3A_1006 = arith.extui %sign3A_1005 : i1 to i32
      %sign3A_1007 = arith.constant 0 : i32
      %sign3A_1008 = arith.cmpi slt, %squeeze3A_1001, %sign3A_1007 : i32
      %sign3A_1009 = arith.extui %sign3A_1008 : i1 to i32
      %sign3A_1010 = arith.subi %sign3A_1006, %sign3A_1009 : i32
      %sign3A_1011 = arith.constant 0 : i32
      %sign3A_1012 = arith.cmpi sgt, %jit3A_1002, %sign3A_1011 : i32
      %sign3A_1013 = arith.extui %sign3A_1012 : i1 to i32
      %sign3A_1014 = arith.constant 0 : i32
      %sign3A_1015 = arith.cmpi slt, %jit3A_1002, %sign3A_1014 : i32
      %sign3A_1016 = arith.extui %sign3A_1015 : i1 to i32
      %sign3A_1017 = arith.subi %sign3A_1013, %sign3A_1016 : i32
      %ne3A_1018 = arith.cmpi ne, %sign3A_1010, %sign3A_1017 : i32
      %rem3A_1019 = arith.remsi %squeeze3A_1001, %jit3A_1002 : i32
      %ne3A_1020 = arith.constant 0 : i32
      %ne3A_1021 = arith.cmpi ne, %rem3A_1019, %ne3A_1020 : i32
      %and3A_1022 = arith.andi %ne3A_1018, %ne3A_1021 : i1
      %sub3A_1023 = arith.constant 1 : i32
      %sub3A_1024 = arith.subi %div3A_1003, %sub3A_1023 : i32
      %select_n3A_1025 = arith.select %and3A_1022, %sub3A_1024, %div3A_1003 : i32
      %mul3A_1026 = arith.constant 128 : i32
      %mul3A_1027 = arith.muli %select_n3A_1025, %mul3A_1026 : i32
      %multiple_of3A_1028 = tpu.assume_multiple %mul3A_1027, 128 : i32
      %dma_start3A_1029 = arith.constant 0 : i32
      %dma_start3A_1030 = tpu.memref_slice %arg4[%dma_start3A_1029, %multiple_of3A_999] : memref<64x1000000xf32, #tpu.memory_space<hbm>> -> memref<64x128xf32, #tpu.memory_space<hbm>>
      %dma_start3A_1031 = arith.constant 0 : i32
      %dma_start3A_1032 = tpu.memref_slice %arg4[%dma_start3A_1031, %multiple_of3A_999] : memref<64x1000000xf32, #tpu.memory_space<hbm>> -> memref<64x128xf32, #tpu.memory_space<hbm>>
      tpu.enqueue_dma source(%dma_start3A_1032 : memref<64x128xf32, #tpu.memory_space<hbm>>) target(%arg11 : memref<64x128xf32, #tpu.memory_space<vmem>>) target_semaphore(%arg19 : memref<!tpu.dma_semaphore, #tpu.memory_space<semaphore_mem>>)
      %dma_start3A_1033 = arith.constant 0 : i32
      %dma_start3A_1034 = tpu.memref_slice %arg5[%dma_start3A_1033, %multiple_of3A_1028] : memref<64x1000000xf32, #tpu.memory_space<hbm>> -> memref<64x128xf32, #tpu.memory_space<hbm>>
      %dma_start3A_1035 = arith.constant 0 : i32
      %dma_start3A_1036 = tpu.memref_slice %arg5[%dma_start3A_1035, %multiple_of3A_1028] : memref<64x1000000xf32, #tpu.memory_space<hbm>> -> memref<64x128xf32, #tpu.memory_space<hbm>>
      tpu.enqueue_dma source(%dma_start3A_1036 : memref<64x128xf32, #tpu.memory_space<hbm>>) target(%arg15 : memref<64x128xf32, #tpu.memory_space<vmem>>) target_semaphore(%arg23 : memref<!tpu.dma_semaphore, #tpu.memory_space<semaphore_mem>>)
      %add3A_1037 = arith.addi %mul3A_2, %mul3A_10 : i32
      %add3A_1038 = arith.constant 8 : i32
      %add3A_1039 = arith.addi %add3A_1037, %add3A_1038 : i32
      %dma_wait3A_1040 = arith.constant 0 : i32
      %dma_wait3A_1041 = arith.constant 0 : i32
      %dma_wait3A_1042 = tpu.memref_slice %arg4[%dma_wait3A_1040, %dma_wait3A_1041] : memref<64x1000000xf32, #tpu.memory_space<hbm>> -> memref<64x128xf32, #tpu.memory_space<hbm>>
      %dma_wait3A_1043 = arith.constant 0 : i32
      %dma_wait3A_1044 = arith.constant 0 : i32
      %dma_wait3A_1045 = tpu.memref_slice %arg4[%dma_wait3A_1043, %dma_wait3A_1044] : memref<64x1000000xf32, #tpu.memory_space<hbm>> -> memref<64x128xf32, #tpu.memory_space<hbm>>
      tpu.wait_dma2 semaphore(%arg18 : memref<!tpu.dma_semaphore, #tpu.memory_space<semaphore_mem>>) src(%dma_wait3A_1045 : memref<64x128xf32, #tpu.memory_space<hbm>>) dst(%arg10 : memref<64x128xf32, #tpu.memory_space<vmem>>)
      %dma_wait3A_1046 = arith.constant 0 : i32
      %dma_wait3A_1047 = arith.constant 0 : i32
      %dma_wait3A_1048 = tpu.memref_slice %arg5[%dma_wait3A_1046, %dma_wait3A_1047] : memref<64x1000000xf32, #tpu.memory_space<hbm>> -> memref<64x128xf32, #tpu.memory_space<hbm>>
      %dma_wait3A_1049 = arith.constant 0 : i32
      %dma_wait3A_1050 = arith.constant 0 : i32
      %dma_wait3A_1051 = tpu.memref_slice %arg5[%dma_wait3A_1049, %dma_wait3A_1050] : memref<64x1000000xf32, #tpu.memory_space<hbm>> -> memref<64x128xf32, #tpu.memory_space<hbm>>
      tpu.wait_dma2 semaphore(%arg22 : memref<!tpu.dma_semaphore, #tpu.memory_space<semaphore_mem>>) src(%dma_wait3A_1051 : memref<64x128xf32, #tpu.memory_space<hbm>>) dst(%arg14 : memref<64x128xf32, #tpu.memory_space<vmem>>)
      %dma_start3A_1052 = arith.constant 0 : i32
      %dma_start3A_1053 = arith.constant 0 : i32
      %dma_start3A_1054 = tpu.memref_slice %arg6[%add3A_1039, %dma_start3A_1052, %dma_start3A_1053] : memref<4096x64x128xf32, #tpu.memory_space<hbm>> -> memref<1x64x128xf32, #tpu.memory_space<hbm>>
      %dma_start3A_1055 = tpu.memref_squeeze %dma_start3A_1054 : memref<1x64x128xf32, #tpu.memory_space<hbm>> -> memref<64x128xf32, #tpu.memory_space<hbm>>
      %dma_start3A_1056 = arith.constant 0 : i32
      %dma_start3A_1057 = arith.constant 0 : i32
      %dma_start3A_1058 = tpu.memref_slice %arg6[%add3A_1039, %dma_start3A_1056, %dma_start3A_1057] : memref<4096x64x128xf32, #tpu.memory_space<hbm>> -> memref<1x64x128xf32, #tpu.memory_space<hbm>>
      %dma_start3A_1059 = tpu.memref_squeeze %dma_start3A_1058 : memref<1x64x128xf32, #tpu.memory_space<hbm>> -> memref<64x128xf32, #tpu.memory_space<hbm>>
      tpu.enqueue_dma source(%arg10 : memref<64x128xf32, #tpu.memory_space<vmem>>) target(%dma_start3A_1059 : memref<64x128xf32, #tpu.memory_space<hbm>>) target_semaphore(%arg26 : memref<!tpu.dma_semaphore, #tpu.memory_space<semaphore_mem>>)
      %dma_start3A_1060 = arith.constant 0 : i32
      %dma_start3A_1061 = arith.constant 0 : i32
      %dma_start3A_1062 = tpu.memref_slice %arg7[%add3A_1039, %dma_start3A_1060, %dma_start3A_1061] : memref<4096x64x128xf32, #tpu.memory_space<hbm>> -> memref<1x64x128xf32, #tpu.memory_space<hbm>>
      %dma_start3A_1063 = tpu.memref_squeeze %dma_start3A_1062 : memref<1x64x128xf32, #tpu.memory_space<hbm>> -> memref<64x128xf32, #tpu.memory_space<hbm>>
      %dma_start3A_1064 = arith.constant 0 : i32
      %dma_start3A_1065 = arith.constant 0 : i32
      %dma_start3A_1066 = tpu.memref_slice %arg7[%add3A_1039, %dma_start3A_1064, %dma_start3A_1065] : memref<4096x64x128xf32, #tpu.memory_space<hbm>> -> memref<1x64x128xf32, #tpu.memory_space<hbm>>
      %dma_start3A_1067 = tpu.memref_squeeze %dma_start3A_1066 : memref<1x64x128xf32, #tpu.memory_space<hbm>> -> memref<64x128xf32, #tpu.memory_space<hbm>>
      tpu.enqueue_dma source(%arg14 : memref<64x128xf32, #tpu.memory_space<vmem>>) target(%dma_start3A_1067 : memref<64x128xf32, #tpu.memory_space<hbm>>) target_semaphore(%arg30 : memref<!tpu.dma_semaphore, #tpu.memory_space<semaphore_mem>>)
      %add3A_1068 = arith.addi %mul3A_2, %mul3A_10 : i32
      %add3A_1069 = arith.constant 10 : i32
      %add3A_1070 = arith.addi %add3A_1068, %add3A_1069 : i32
      %sub3A_1071 = arith.constant 4 : i32
      %sub3A_1072 = arith.subi %add3A_1070, %sub3A_1071 : i32
      %dma_wait3A_1073 = arith.constant 0 : i32
      %dma_wait3A_1074 = arith.constant 0 : i32
      %dma_wait3A_1075 = tpu.memref_slice %arg6[%sub3A_1072, %dma_wait3A_1073, %dma_wait3A_1074] : memref<4096x64x128xf32, #tpu.memory_space<hbm>> -> memref<1x64x128xf32, #tpu.memory_space<hbm>>
      %dma_wait3A_1076 = tpu.memref_squeeze %dma_wait3A_1075 : memref<1x64x128xf32, #tpu.memory_space<hbm>> -> memref<64x128xf32, #tpu.memory_space<hbm>>
      %dma_wait3A_1077 = arith.constant 0 : i32
      %dma_wait3A_1078 = arith.constant 0 : i32
      %dma_wait3A_1079 = tpu.memref_slice %arg6[%sub3A_1072, %dma_wait3A_1077, %dma_wait3A_1078] : memref<4096x64x128xf32, #tpu.memory_space<hbm>> -> memref<1x64x128xf32, #tpu.memory_space<hbm>>
      %dma_wait3A_1080 = tpu.memref_squeeze %dma_wait3A_1079 : memref<1x64x128xf32, #tpu.memory_space<hbm>> -> memref<64x128xf32, #tpu.memory_space<hbm>>
      tpu.wait_dma2 semaphore(%arg28 : memref<!tpu.dma_semaphore, #tpu.memory_space<semaphore_mem>>) src(%arg12 : memref<64x128xf32, #tpu.memory_space<vmem>>) dst(%dma_wait3A_1080 : memref<64x128xf32, #tpu.memory_space<hbm>>)
      %dma_wait3A_1081 = arith.constant 0 : i32
      %dma_wait3A_1082 = arith.constant 0 : i32
      %dma_wait3A_1083 = tpu.memref_slice %arg7[%sub3A_1072, %dma_wait3A_1081, %dma_wait3A_1082] : memref<4096x64x128xf32, #tpu.memory_space<hbm>> -> memref<1x64x128xf32, #tpu.memory_space<hbm>>
      %dma_wait3A_1084 = tpu.memref_squeeze %dma_wait3A_1083 : memref<1x64x128xf32, #tpu.memory_space<hbm>> -> memref<64x128xf32, #tpu.memory_space<hbm>>
      %dma_wait3A_1085 = arith.constant 0 : i32
      %dma_wait3A_1086 = arith.constant 0 : i32
      %dma_wait3A_1087 = tpu.memref_slice %arg7[%sub3A_1072, %dma_wait3A_1085, %dma_wait3A_1086] : memref<4096x64x128xf32, #tpu.memory_space<hbm>> -> memref<1x64x128xf32, #tpu.memory_space<hbm>>
      %dma_wait3A_1088 = tpu.memref_squeeze %dma_wait3A_1087 : memref<1x64x128xf32, #tpu.memory_space<hbm>> -> memref<64x128xf32, #tpu.memory_space<hbm>>
      tpu.wait_dma2 semaphore(%arg32 : memref<!tpu.dma_semaphore, #tpu.memory_space<semaphore_mem>>) src(%arg16 : memref<64x128xf32, #tpu.memory_space<vmem>>) dst(%dma_wait3A_1088 : memref<64x128xf32, #tpu.memory_space<hbm>>)
      %slice3A_1089 = vector.extract_strided_slice %get3A_12 {offsets = [10], sizes = [1], strides = [1]} : vector<16xi32> to vector<1xi32>
      %squeeze3A_1090 = vector.extract %slice3A_1089[0] : i32 from vector<1xi32>
      %jit3A_1091 = arith.constant 128 : i32
      %div3A_1092 = arith.divsi %squeeze3A_1090, %jit3A_1091 : i32
      %sign3A_1093 = arith.constant 0 : i32
      %sign3A_1094 = arith.cmpi sgt, %squeeze3A_1090, %sign3A_1093 : i32
      %sign3A_1095 = arith.extui %sign3A_1094 : i1 to i32
      %sign3A_1096 = arith.constant 0 : i32
      %sign3A_1097 = arith.cmpi slt, %squeeze3A_1090, %sign3A_1096 : i32
      %sign3A_1098 = arith.extui %sign3A_1097 : i1 to i32
      %sign3A_1099 = arith.subi %sign3A_1095, %sign3A_1098 : i32
      %sign3A_1100 = arith.constant 0 : i32
      %sign3A_1101 = arith.cmpi sgt, %jit3A_1091, %sign3A_1100 : i32
      %sign3A_1102 = arith.extui %sign3A_1101 : i1 to i32
      %sign3A_1103 = arith.constant 0 : i32
      %sign3A_1104 = arith.cmpi slt, %jit3A_1091, %sign3A_1103 : i32
      %sign3A_1105 = arith.extui %sign3A_1104 : i1 to i32
      %sign3A_1106 = arith.subi %sign3A_1102, %sign3A_1105 : i32
      %ne3A_1107 = arith.cmpi ne, %sign3A_1099, %sign3A_1106 : i32
      %rem3A_1108 = arith.remsi %squeeze3A_1090, %jit3A_1091 : i32
      %ne3A_1109 = arith.constant 0 : i32
      %ne3A_1110 = arith.cmpi ne, %rem3A_1108, %ne3A_1109 : i32
      %and3A_1111 = arith.andi %ne3A_1107, %ne3A_1110 : i1
      %sub3A_1112 = arith.constant 1 : i32
      %sub3A_1113 = arith.subi %div3A_1092, %sub3A_1112 : i32
      %select_n3A_1114 = arith.select %and3A_1111, %sub3A_1113, %div3A_1092 : i32
      %mul3A_1115 = arith.constant 128 : i32
      %mul3A_1116 = arith.muli %select_n3A_1114, %mul3A_1115 : i32
      %multiple_of3A_1117 = tpu.assume_multiple %mul3A_1116, 128 : i32
      %slice3A_1118 = vector.extract_strided_slice %get3A_15 {offsets = [10], sizes = [1], strides = [1]} : vector<16xi32> to vector<1xi32>
      %squeeze3A_1119 = vector.extract %slice3A_1118[0] : i32 from vector<1xi32>
      %jit3A_1120 = arith.constant 128 : i32
      %div3A_1121 = arith.divsi %squeeze3A_1119, %jit3A_1120 : i32
      %sign3A_1122 = arith.constant 0 : i32
      %sign3A_1123 = arith.cmpi sgt, %squeeze3A_1119, %sign3A_1122 : i32
      %sign3A_1124 = arith.extui %sign3A_1123 : i1 to i32
      %sign3A_1125 = arith.constant 0 : i32
      %sign3A_1126 = arith.cmpi slt, %squeeze3A_1119, %sign3A_1125 : i32
      %sign3A_1127 = arith.extui %sign3A_1126 : i1 to i32
      %sign3A_1128 = arith.subi %sign3A_1124, %sign3A_1127 : i32
      %sign3A_1129 = arith.constant 0 : i32
      %sign3A_1130 = arith.cmpi sgt, %jit3A_1120, %sign3A_1129 : i32
      %sign3A_1131 = arith.extui %sign3A_1130 : i1 to i32
      %sign3A_1132 = arith.constant 0 : i32
      %sign3A_1133 = arith.cmpi slt, %jit3A_1120, %sign3A_1132 : i32
      %sign3A_1134 = arith.extui %sign3A_1133 : i1 to i32
      %sign3A_1135 = arith.subi %sign3A_1131, %sign3A_1134 : i32
      %ne3A_1136 = arith.cmpi ne, %sign3A_1128, %sign3A_1135 : i32
      %rem3A_1137 = arith.remsi %squeeze3A_1119, %jit3A_1120 : i32
      %ne3A_1138 = arith.constant 0 : i32
      %ne3A_1139 = arith.cmpi ne, %rem3A_1137, %ne3A_1138 : i32
      %and3A_1140 = arith.andi %ne3A_1136, %ne3A_1139 : i1
      %sub3A_1141 = arith.constant 1 : i32
      %sub3A_1142 = arith.subi %div3A_1121, %sub3A_1141 : i32
      %select_n3A_1143 = arith.select %and3A_1140, %sub3A_1142, %div3A_1121 : i32
      %mul3A_1144 = arith.constant 128 : i32
      %mul3A_1145 = arith.muli %select_n3A_1143, %mul3A_1144 : i32
      %multiple_of3A_1146 = tpu.assume_multiple %mul3A_1145, 128 : i32
      %dma_start3A_1147 = arith.constant 0 : i32
      %dma_start3A_1148 = tpu.memref_slice %arg4[%dma_start3A_1147, %multiple_of3A_1117] : memref<64x1000000xf32, #tpu.memory_space<hbm>> -> memref<64x128xf32, #tpu.memory_space<hbm>>
      %dma_start3A_1149 = arith.constant 0 : i32
      %dma_start3A_1150 = tpu.memref_slice %arg4[%dma_start3A_1149, %multiple_of3A_1117] : memref<64x1000000xf32, #tpu.memory_space<hbm>> -> memref<64x128xf32, #tpu.memory_space<hbm>>
      tpu.enqueue_dma source(%dma_start3A_1150 : memref<64x128xf32, #tpu.memory_space<hbm>>) target(%arg12 : memref<64x128xf32, #tpu.memory_space<vmem>>) target_semaphore(%arg20 : memref<!tpu.dma_semaphore, #tpu.memory_space<semaphore_mem>>)
      %dma_start3A_1151 = arith.constant 0 : i32
      %dma_start3A_1152 = tpu.memref_slice %arg5[%dma_start3A_1151, %multiple_of3A_1146] : memref<64x1000000xf32, #tpu.memory_space<hbm>> -> memref<64x128xf32, #tpu.memory_space<hbm>>
      %dma_start3A_1153 = arith.constant 0 : i32
      %dma_start3A_1154 = tpu.memref_slice %arg5[%dma_start3A_1153, %multiple_of3A_1146] : memref<64x1000000xf32, #tpu.memory_space<hbm>> -> memref<64x128xf32, #tpu.memory_space<hbm>>
      tpu.enqueue_dma source(%dma_start3A_1154 : memref<64x128xf32, #tpu.memory_space<hbm>>) target(%arg16 : memref<64x128xf32, #tpu.memory_space<vmem>>) target_semaphore(%arg24 : memref<!tpu.dma_semaphore, #tpu.memory_space<semaphore_mem>>)
      %add3A_1155 = arith.addi %mul3A_2, %mul3A_10 : i32
      %add3A_1156 = arith.constant 9 : i32
      %add3A_1157 = arith.addi %add3A_1155, %add3A_1156 : i32
      %dma_wait3A_1158 = arith.constant 0 : i32
      %dma_wait3A_1159 = arith.constant 0 : i32
      %dma_wait3A_1160 = tpu.memref_slice %arg4[%dma_wait3A_1158, %dma_wait3A_1159] : memref<64x1000000xf32, #tpu.memory_space<hbm>> -> memref<64x128xf32, #tpu.memory_space<hbm>>
      %dma_wait3A_1161 = arith.constant 0 : i32
      %dma_wait3A_1162 = arith.constant 0 : i32
      %dma_wait3A_1163 = tpu.memref_slice %arg4[%dma_wait3A_1161, %dma_wait3A_1162] : memref<64x1000000xf32, #tpu.memory_space<hbm>> -> memref<64x128xf32, #tpu.memory_space<hbm>>
      tpu.wait_dma2 semaphore(%arg19 : memref<!tpu.dma_semaphore, #tpu.memory_space<semaphore_mem>>) src(%dma_wait3A_1163 : memref<64x128xf32, #tpu.memory_space<hbm>>) dst(%arg11 : memref<64x128xf32, #tpu.memory_space<vmem>>)
      %dma_wait3A_1164 = arith.constant 0 : i32
      %dma_wait3A_1165 = arith.constant 0 : i32
      %dma_wait3A_1166 = tpu.memref_slice %arg5[%dma_wait3A_1164, %dma_wait3A_1165] : memref<64x1000000xf32, #tpu.memory_space<hbm>> -> memref<64x128xf32, #tpu.memory_space<hbm>>
      %dma_wait3A_1167 = arith.constant 0 : i32
      %dma_wait3A_1168 = arith.constant 0 : i32
      %dma_wait3A_1169 = tpu.memref_slice %arg5[%dma_wait3A_1167, %dma_wait3A_1168] : memref<64x1000000xf32, #tpu.memory_space<hbm>> -> memref<64x128xf32, #tpu.memory_space<hbm>>
      tpu.wait_dma2 semaphore(%arg23 : memref<!tpu.dma_semaphore, #tpu.memory_space<semaphore_mem>>) src(%dma_wait3A_1169 : memref<64x128xf32, #tpu.memory_space<hbm>>) dst(%arg15 : memref<64x128xf32, #tpu.memory_space<vmem>>)
      %dma_start3A_1170 = arith.constant 0 : i32
      %dma_start3A_1171 = arith.constant 0 : i32
      %dma_start3A_1172 = tpu.memref_slice %arg6[%add3A_1157, %dma_start3A_1170, %dma_start3A_1171] : memref<4096x64x128xf32, #tpu.memory_space<hbm>> -> memref<1x64x128xf32, #tpu.memory_space<hbm>>
      %dma_start3A_1173 = tpu.memref_squeeze %dma_start3A_1172 : memref<1x64x128xf32, #tpu.memory_space<hbm>> -> memref<64x128xf32, #tpu.memory_space<hbm>>
      %dma_start3A_1174 = arith.constant 0 : i32
      %dma_start3A_1175 = arith.constant 0 : i32
      %dma_start3A_1176 = tpu.memref_slice %arg6[%add3A_1157, %dma_start3A_1174, %dma_start3A_1175] : memref<4096x64x128xf32, #tpu.memory_space<hbm>> -> memref<1x64x128xf32, #tpu.memory_space<hbm>>
      %dma_start3A_1177 = tpu.memref_squeeze %dma_start3A_1176 : memref<1x64x128xf32, #tpu.memory_space<hbm>> -> memref<64x128xf32, #tpu.memory_space<hbm>>
      tpu.enqueue_dma source(%arg11 : memref<64x128xf32, #tpu.memory_space<vmem>>) target(%dma_start3A_1177 : memref<64x128xf32, #tpu.memory_space<hbm>>) target_semaphore(%arg27 : memref<!tpu.dma_semaphore, #tpu.memory_space<semaphore_mem>>)
      %dma_start3A_1178 = arith.constant 0 : i32
      %dma_start3A_1179 = arith.constant 0 : i32
      %dma_start3A_1180 = tpu.memref_slice %arg7[%add3A_1157, %dma_start3A_1178, %dma_start3A_1179] : memref<4096x64x128xf32, #tpu.memory_space<hbm>> -> memref<1x64x128xf32, #tpu.memory_space<hbm>>
      %dma_start3A_1181 = tpu.memref_squeeze %dma_start3A_1180 : memref<1x64x128xf32, #tpu.memory_space<hbm>> -> memref<64x128xf32, #tpu.memory_space<hbm>>
      %dma_start3A_1182 = arith.constant 0 : i32
      %dma_start3A_1183 = arith.constant 0 : i32
      %dma_start3A_1184 = tpu.memref_slice %arg7[%add3A_1157, %dma_start3A_1182, %dma_start3A_1183] : memref<4096x64x128xf32, #tpu.memory_space<hbm>> -> memref<1x64x128xf32, #tpu.memory_space<hbm>>
      %dma_start3A_1185 = tpu.memref_squeeze %dma_start3A_1184 : memref<1x64x128xf32, #tpu.memory_space<hbm>> -> memref<64x128xf32, #tpu.memory_space<hbm>>
      tpu.enqueue_dma source(%arg15 : memref<64x128xf32, #tpu.memory_space<vmem>>) target(%dma_start3A_1185 : memref<64x128xf32, #tpu.memory_space<hbm>>) target_semaphore(%arg31 : memref<!tpu.dma_semaphore, #tpu.memory_space<semaphore_mem>>)
      %add3A_1186 = arith.addi %mul3A_2, %mul3A_10 : i32
      %add3A_1187 = arith.constant 11 : i32
      %add3A_1188 = arith.addi %add3A_1186, %add3A_1187 : i32
      %sub3A_1189 = arith.constant 4 : i32
      %sub3A_1190 = arith.subi %add3A_1188, %sub3A_1189 : i32
      %dma_wait3A_1191 = arith.constant 0 : i32
      %dma_wait3A_1192 = arith.constant 0 : i32
      %dma_wait3A_1193 = tpu.memref_slice %arg6[%sub3A_1190, %dma_wait3A_1191, %dma_wait3A_1192] : memref<4096x64x128xf32, #tpu.memory_space<hbm>> -> memref<1x64x128xf32, #tpu.memory_space<hbm>>
      %dma_wait3A_1194 = tpu.memref_squeeze %dma_wait3A_1193 : memref<1x64x128xf32, #tpu.memory_space<hbm>> -> memref<64x128xf32, #tpu.memory_space<hbm>>
      %dma_wait3A_1195 = arith.constant 0 : i32
      %dma_wait3A_1196 = arith.constant 0 : i32
      %dma_wait3A_1197 = tpu.memref_slice %arg6[%sub3A_1190, %dma_wait3A_1195, %dma_wait3A_1196] : memref<4096x64x128xf32, #tpu.memory_space<hbm>> -> memref<1x64x128xf32, #tpu.memory_space<hbm>>
      %dma_wait3A_1198 = tpu.memref_squeeze %dma_wait3A_1197 : memref<1x64x128xf32, #tpu.memory_space<hbm>> -> memref<64x128xf32, #tpu.memory_space<hbm>>
      tpu.wait_dma2 semaphore(%arg29 : memref<!tpu.dma_semaphore, #tpu.memory_space<semaphore_mem>>) src(%arg13 : memref<64x128xf32, #tpu.memory_space<vmem>>) dst(%dma_wait3A_1198 : memref<64x128xf32, #tpu.memory_space<hbm>>)
      %dma_wait3A_1199 = arith.constant 0 : i32
      %dma_wait3A_1200 = arith.constant 0 : i32
      %dma_wait3A_1201 = tpu.memref_slice %arg7[%sub3A_1190, %dma_wait3A_1199, %dma_wait3A_1200] : memref<4096x64x128xf32, #tpu.memory_space<hbm>> -> memref<1x64x128xf32, #tpu.memory_space<hbm>>
      %dma_wait3A_1202 = tpu.memref_squeeze %dma_wait3A_1201 : memref<1x64x128xf32, #tpu.memory_space<hbm>> -> memref<64x128xf32, #tpu.memory_space<hbm>>
      %dma_wait3A_1203 = arith.constant 0 : i32
      %dma_wait3A_1204 = arith.constant 0 : i32
      %dma_wait3A_1205 = tpu.memref_slice %arg7[%sub3A_1190, %dma_wait3A_1203, %dma_wait3A_1204] : memref<4096x64x128xf32, #tpu.memory_space<hbm>> -> memref<1x64x128xf32, #tpu.memory_space<hbm>>
      %dma_wait3A_1206 = tpu.memref_squeeze %dma_wait3A_1205 : memref<1x64x128xf32, #tpu.memory_space<hbm>> -> memref<64x128xf32, #tpu.memory_space<hbm>>
      tpu.wait_dma2 semaphore(%arg33 : memref<!tpu.dma_semaphore, #tpu.memory_space<semaphore_mem>>) src(%arg17 : memref<64x128xf32, #tpu.memory_space<vmem>>) dst(%dma_wait3A_1206 : memref<64x128xf32, #tpu.memory_space<hbm>>)
      %slice3A_1207 = vector.extract_strided_slice %get3A_12 {offsets = [11], sizes = [1], strides = [1]} : vector<16xi32> to vector<1xi32>
      %squeeze3A_1208 = vector.extract %slice3A_1207[0] : i32 from vector<1xi32>
      %jit3A_1209 = arith.constant 128 : i32
      %div3A_1210 = arith.divsi %squeeze3A_1208, %jit3A_1209 : i32
      %sign3A_1211 = arith.constant 0 : i32
      %sign3A_1212 = arith.cmpi sgt, %squeeze3A_1208, %sign3A_1211 : i32
      %sign3A_1213 = arith.extui %sign3A_1212 : i1 to i32
      %sign3A_1214 = arith.constant 0 : i32
      %sign3A_1215 = arith.cmpi slt, %squeeze3A_1208, %sign3A_1214 : i32
      %sign3A_1216 = arith.extui %sign3A_1215 : i1 to i32
      %sign3A_1217 = arith.subi %sign3A_1213, %sign3A_1216 : i32
      %sign3A_1218 = arith.constant 0 : i32
      %sign3A_1219 = arith.cmpi sgt, %jit3A_1209, %sign3A_1218 : i32
      %sign3A_1220 = arith.extui %sign3A_1219 : i1 to i32
      %sign3A_1221 = arith.constant 0 : i32
      %sign3A_1222 = arith.cmpi slt, %jit3A_1209, %sign3A_1221 : i32
      %sign3A_1223 = arith.extui %sign3A_1222 : i1 to i32
      %sign3A_1224 = arith.subi %sign3A_1220, %sign3A_1223 : i32
      %ne3A_1225 = arith.cmpi ne, %sign3A_1217, %sign3A_1224 : i32
      %rem3A_1226 = arith.remsi %squeeze3A_1208, %jit3A_1209 : i32
      %ne3A_1227 = arith.constant 0 : i32
      %ne3A_1228 = arith.cmpi ne, %rem3A_1226, %ne3A_1227 : i32
      %and3A_1229 = arith.andi %ne3A_1225, %ne3A_1228 : i1
      %sub3A_1230 = arith.constant 1 : i32
      %sub3A_1231 = arith.subi %div3A_1210, %sub3A_1230 : i32
      %select_n3A_1232 = arith.select %and3A_1229, %sub3A_1231, %div3A_1210 : i32
      %mul3A_1233 = arith.constant 128 : i32
      %mul3A_1234 = arith.muli %select_n3A_1232, %mul3A_1233 : i32
      %multiple_of3A_1235 = tpu.assume_multiple %mul3A_1234, 128 : i32
      %slice3A_1236 = vector.extract_strided_slice %get3A_15 {offsets = [11], sizes = [1], strides = [1]} : vector<16xi32> to vector<1xi32>
      %squeeze3A_1237 = vector.extract %slice3A_1236[0] : i32 from vector<1xi32>
      %jit3A_1238 = arith.constant 128 : i32
      %div3A_1239 = arith.divsi %squeeze3A_1237, %jit3A_1238 : i32
      %sign3A_1240 = arith.constant 0 : i32
      %sign3A_1241 = arith.cmpi sgt, %squeeze3A_1237, %sign3A_1240 : i32
      %sign3A_1242 = arith.extui %sign3A_1241 : i1 to i32
      %sign3A_1243 = arith.constant 0 : i32
      %sign3A_1244 = arith.cmpi slt, %squeeze3A_1237, %sign3A_1243 : i32
      %sign3A_1245 = arith.extui %sign3A_1244 : i1 to i32
      %sign3A_1246 = arith.subi %sign3A_1242, %sign3A_1245 : i32
      %sign3A_1247 = arith.constant 0 : i32
      %sign3A_1248 = arith.cmpi sgt, %jit3A_1238, %sign3A_1247 : i32
      %sign3A_1249 = arith.extui %sign3A_1248 : i1 to i32
      %sign3A_1250 = arith.constant 0 : i32
      %sign3A_1251 = arith.cmpi slt, %jit3A_1238, %sign3A_1250 : i32
      %sign3A_1252 = arith.extui %sign3A_1251 : i1 to i32
      %sign3A_1253 = arith.subi %sign3A_1249, %sign3A_1252 : i32
      %ne3A_1254 = arith.cmpi ne, %sign3A_1246, %sign3A_1253 : i32
      %rem3A_1255 = arith.remsi %squeeze3A_1237, %jit3A_1238 : i32
      %ne3A_1256 = arith.constant 0 : i32
      %ne3A_1257 = arith.cmpi ne, %rem3A_1255, %ne3A_1256 : i32
      %and3A_1258 = arith.andi %ne3A_1254, %ne3A_1257 : i1
      %sub3A_1259 = arith.constant 1 : i32
      %sub3A_1260 = arith.subi %div3A_1239, %sub3A_1259 : i32
      %select_n3A_1261 = arith.select %and3A_1258, %sub3A_1260, %div3A_1239 : i32
      %mul3A_1262 = arith.constant 128 : i32
      %mul3A_1263 = arith.muli %select_n3A_1261, %mul3A_1262 : i32
      %multiple_of3A_1264 = tpu.assume_multiple %mul3A_1263, 128 : i32
      %dma_start3A_1265 = arith.constant 0 : i32
      %dma_start3A_1266 = tpu.memref_slice %arg4[%dma_start3A_1265, %multiple_of3A_1235] : memref<64x1000000xf32, #tpu.memory_space<hbm>> -> memref<64x128xf32, #tpu.memory_space<hbm>>
      %dma_start3A_1267 = arith.constant 0 : i32
      %dma_start3A_1268 = tpu.memref_slice %arg4[%dma_start3A_1267, %multiple_of3A_1235] : memref<64x1000000xf32, #tpu.memory_space<hbm>> -> memref<64x128xf32, #tpu.memory_space<hbm>>
      tpu.enqueue_dma source(%dma_start3A_1268 : memref<64x128xf32, #tpu.memory_space<hbm>>) target(%arg13 : memref<64x128xf32, #tpu.memory_space<vmem>>) target_semaphore(%arg21 : memref<!tpu.dma_semaphore, #tpu.memory_space<semaphore_mem>>)
      %dma_start3A_1269 = arith.constant 0 : i32
      %dma_start3A_1270 = tpu.memref_slice %arg5[%dma_start3A_1269, %multiple_of3A_1264] : memref<64x1000000xf32, #tpu.memory_space<hbm>> -> memref<64x128xf32, #tpu.memory_space<hbm>>
      %dma_start3A_1271 = arith.constant 0 : i32
      %dma_start3A_1272 = tpu.memref_slice %arg5[%dma_start3A_1271, %multiple_of3A_1264] : memref<64x1000000xf32, #tpu.memory_space<hbm>> -> memref<64x128xf32, #tpu.memory_space<hbm>>
      tpu.enqueue_dma source(%dma_start3A_1272 : memref<64x128xf32, #tpu.memory_space<hbm>>) target(%arg17 : memref<64x128xf32, #tpu.memory_space<vmem>>) target_semaphore(%arg25 : memref<!tpu.dma_semaphore, #tpu.memory_space<semaphore_mem>>)
      %add3A_1273 = arith.addi %mul3A_2, %mul3A_10 : i32
      %add3A_1274 = arith.constant 10 : i32
      %add3A_1275 = arith.addi %add3A_1273, %add3A_1274 : i32
      %dma_wait3A_1276 = arith.constant 0 : i32
      %dma_wait3A_1277 = arith.constant 0 : i32
      %dma_wait3A_1278 = tpu.memref_slice %arg4[%dma_wait3A_1276, %dma_wait3A_1277] : memref<64x1000000xf32, #tpu.memory_space<hbm>> -> memref<64x128xf32, #tpu.memory_space<hbm>>
      %dma_wait3A_1279 = arith.constant 0 : i32
      %dma_wait3A_1280 = arith.constant 0 : i32
      %dma_wait3A_1281 = tpu.memref_slice %arg4[%dma_wait3A_1279, %dma_wait3A_1280] : memref<64x1000000xf32, #tpu.memory_space<hbm>> -> memref<64x128xf32, #tpu.memory_space<hbm>>
      tpu.wait_dma2 semaphore(%arg20 : memref<!tpu.dma_semaphore, #tpu.memory_space<semaphore_mem>>) src(%dma_wait3A_1281 : memref<64x128xf32, #tpu.memory_space<hbm>>) dst(%arg12 : memref<64x128xf32, #tpu.memory_space<vmem>>)
      %dma_wait3A_1282 = arith.constant 0 : i32
      %dma_wait3A_1283 = arith.constant 0 : i32
      %dma_wait3A_1284 = tpu.memref_slice %arg5[%dma_wait3A_1282, %dma_wait3A_1283] : memref<64x1000000xf32, #tpu.memory_space<hbm>> -> memref<64x128xf32, #tpu.memory_space<hbm>>
      %dma_wait3A_1285 = arith.constant 0 : i32
      %dma_wait3A_1286 = arith.constant 0 : i32
      %dma_wait3A_1287 = tpu.memref_slice %arg5[%dma_wait3A_1285, %dma_wait3A_1286] : memref<64x1000000xf32, #tpu.memory_space<hbm>> -> memref<64x128xf32, #tpu.memory_space<hbm>>
      tpu.wait_dma2 semaphore(%arg24 : memref<!tpu.dma_semaphore, #tpu.memory_space<semaphore_mem>>) src(%dma_wait3A_1287 : memref<64x128xf32, #tpu.memory_space<hbm>>) dst(%arg16 : memref<64x128xf32, #tpu.memory_space<vmem>>)
      %dma_start3A_1288 = arith.constant 0 : i32
      %dma_start3A_1289 = arith.constant 0 : i32
      %dma_start3A_1290 = tpu.memref_slice %arg6[%add3A_1275, %dma_start3A_1288, %dma_start3A_1289] : memref<4096x64x128xf32, #tpu.memory_space<hbm>> -> memref<1x64x128xf32, #tpu.memory_space<hbm>>
      %dma_start3A_1291 = tpu.memref_squeeze %dma_start3A_1290 : memref<1x64x128xf32, #tpu.memory_space<hbm>> -> memref<64x128xf32, #tpu.memory_space<hbm>>
      %dma_start3A_1292 = arith.constant 0 : i32
      %dma_start3A_1293 = arith.constant 0 : i32
      %dma_start3A_1294 = tpu.memref_slice %arg6[%add3A_1275, %dma_start3A_1292, %dma_start3A_1293] : memref<4096x64x128xf32, #tpu.memory_space<hbm>> -> memref<1x64x128xf32, #tpu.memory_space<hbm>>
      %dma_start3A_1295 = tpu.memref_squeeze %dma_start3A_1294 : memref<1x64x128xf32, #tpu.memory_space<hbm>> -> memref<64x128xf32, #tpu.memory_space<hbm>>
      tpu.enqueue_dma source(%arg12 : memref<64x128xf32, #tpu.memory_space<vmem>>) target(%dma_start3A_1295 : memref<64x128xf32, #tpu.memory_space<hbm>>) target_semaphore(%arg28 : memref<!tpu.dma_semaphore, #tpu.memory_space<semaphore_mem>>)
      %dma_start3A_1296 = arith.constant 0 : i32
      %dma_start3A_1297 = arith.constant 0 : i32
      %dma_start3A_1298 = tpu.memref_slice %arg7[%add3A_1275, %dma_start3A_1296, %dma_start3A_1297] : memref<4096x64x128xf32, #tpu.memory_space<hbm>> -> memref<1x64x128xf32, #tpu.memory_space<hbm>>
      %dma_start3A_1299 = tpu.memref_squeeze %dma_start3A_1298 : memref<1x64x128xf32, #tpu.memory_space<hbm>> -> memref<64x128xf32, #tpu.memory_space<hbm>>
      %dma_start3A_1300 = arith.constant 0 : i32
      %dma_start3A_1301 = arith.constant 0 : i32
      %dma_start3A_1302 = tpu.memref_slice %arg7[%add3A_1275, %dma_start3A_1300, %dma_start3A_1301] : memref<4096x64x128xf32, #tpu.memory_space<hbm>> -> memref<1x64x128xf32, #tpu.memory_space<hbm>>
      %dma_start3A_1303 = tpu.memref_squeeze %dma_start3A_1302 : memref<1x64x128xf32, #tpu.memory_space<hbm>> -> memref<64x128xf32, #tpu.memory_space<hbm>>
      tpu.enqueue_dma source(%arg16 : memref<64x128xf32, #tpu.memory_space<vmem>>) target(%dma_start3A_1303 : memref<64x128xf32, #tpu.memory_space<hbm>>) target_semaphore(%arg32 : memref<!tpu.dma_semaphore, #tpu.memory_space<semaphore_mem>>)
      %add3A_1304 = arith.addi %mul3A_2, %mul3A_10 : i32
      %add3A_1305 = arith.constant 12 : i32
      %add3A_1306 = arith.addi %add3A_1304, %add3A_1305 : i32
      %sub3A_1307 = arith.constant 4 : i32
      %sub3A_1308 = arith.subi %add3A_1306, %sub3A_1307 : i32
      %dma_wait3A_1309 = arith.constant 0 : i32
      %dma_wait3A_1310 = arith.constant 0 : i32
      %dma_wait3A_1311 = tpu.memref_slice %arg6[%sub3A_1308, %dma_wait3A_1309, %dma_wait3A_1310] : memref<4096x64x128xf32, #tpu.memory_space<hbm>> -> memref<1x64x128xf32, #tpu.memory_space<hbm>>
      %dma_wait3A_1312 = tpu.memref_squeeze %dma_wait3A_1311 : memref<1x64x128xf32, #tpu.memory_space<hbm>> -> memref<64x128xf32, #tpu.memory_space<hbm>>
      %dma_wait3A_1313 = arith.constant 0 : i32
      %dma_wait3A_1314 = arith.constant 0 : i32
      %dma_wait3A_1315 = tpu.memref_slice %arg6[%sub3A_1308, %dma_wait3A_1313, %dma_wait3A_1314] : memref<4096x64x128xf32, #tpu.memory_space<hbm>> -> memref<1x64x128xf32, #tpu.memory_space<hbm>>
      %dma_wait3A_1316 = tpu.memref_squeeze %dma_wait3A_1315 : memref<1x64x128xf32, #tpu.memory_space<hbm>> -> memref<64x128xf32, #tpu.memory_space<hbm>>
      tpu.wait_dma2 semaphore(%arg26 : memref<!tpu.dma_semaphore, #tpu.memory_space<semaphore_mem>>) src(%arg10 : memref<64x128xf32, #tpu.memory_space<vmem>>) dst(%dma_wait3A_1316 : memref<64x128xf32, #tpu.memory_space<hbm>>)
      %dma_wait3A_1317 = arith.constant 0 : i32
      %dma_wait3A_1318 = arith.constant 0 : i32
      %dma_wait3A_1319 = tpu.memref_slice %arg7[%sub3A_1308, %dma_wait3A_1317, %dma_wait3A_1318] : memref<4096x64x128xf32, #tpu.memory_space<hbm>> -> memref<1x64x128xf32, #tpu.memory_space<hbm>>
      %dma_wait3A_1320 = tpu.memref_squeeze %dma_wait3A_1319 : memref<1x64x128xf32, #tpu.memory_space<hbm>> -> memref<64x128xf32, #tpu.memory_space<hbm>>
      %dma_wait3A_1321 = arith.constant 0 : i32
      %dma_wait3A_1322 = arith.constant 0 : i32
      %dma_wait3A_1323 = tpu.memref_slice %arg7[%sub3A_1308, %dma_wait3A_1321, %dma_wait3A_1322] : memref<4096x64x128xf32, #tpu.memory_space<hbm>> -> memref<1x64x128xf32, #tpu.memory_space<hbm>>
      %dma_wait3A_1324 = tpu.memref_squeeze %dma_wait3A_1323 : memref<1x64x128xf32, #tpu.memory_space<hbm>> -> memref<64x128xf32, #tpu.memory_space<hbm>>
      tpu.wait_dma2 semaphore(%arg30 : memref<!tpu.dma_semaphore, #tpu.memory_space<semaphore_mem>>) src(%arg14 : memref<64x128xf32, #tpu.memory_space<vmem>>) dst(%dma_wait3A_1324 : memref<64x128xf32, #tpu.memory_space<hbm>>)
      %slice3A_1325 = vector.extract_strided_slice %get3A_12 {offsets = [12], sizes = [1], strides = [1]} : vector<16xi32> to vector<1xi32>
      %squeeze3A_1326 = vector.extract %slice3A_1325[0] : i32 from vector<1xi32>
      %jit3A_1327 = arith.constant 128 : i32
      %div3A_1328 = arith.divsi %squeeze3A_1326, %jit3A_1327 : i32
      %sign3A_1329 = arith.constant 0 : i32
      %sign3A_1330 = arith.cmpi sgt, %squeeze3A_1326, %sign3A_1329 : i32
      %sign3A_1331 = arith.extui %sign3A_1330 : i1 to i32
      %sign3A_1332 = arith.constant 0 : i32
      %sign3A_1333 = arith.cmpi slt, %squeeze3A_1326, %sign3A_1332 : i32
      %sign3A_1334 = arith.extui %sign3A_1333 : i1 to i32
      %sign3A_1335 = arith.subi %sign3A_1331, %sign3A_1334 : i32
      %sign3A_1336 = arith.constant 0 : i32
      %sign3A_1337 = arith.cmpi sgt, %jit3A_1327, %sign3A_1336 : i32
      %sign3A_1338 = arith.extui %sign3A_1337 : i1 to i32
      %sign3A_1339 = arith.constant 0 : i32
      %sign3A_1340 = arith.cmpi slt, %jit3A_1327, %sign3A_1339 : i32
      %sign3A_1341 = arith.extui %sign3A_1340 : i1 to i32
      %sign3A_1342 = arith.subi %sign3A_1338, %sign3A_1341 : i32
      %ne3A_1343 = arith.cmpi ne, %sign3A_1335, %sign3A_1342 : i32
      %rem3A_1344 = arith.remsi %squeeze3A_1326, %jit3A_1327 : i32
      %ne3A_1345 = arith.constant 0 : i32
      %ne3A_1346 = arith.cmpi ne, %rem3A_1344, %ne3A_1345 : i32
      %and3A_1347 = arith.andi %ne3A_1343, %ne3A_1346 : i1
      %sub3A_1348 = arith.constant 1 : i32
      %sub3A_1349 = arith.subi %div3A_1328, %sub3A_1348 : i32
      %select_n3A_1350 = arith.select %and3A_1347, %sub3A_1349, %div3A_1328 : i32
      %mul3A_1351 = arith.constant 128 : i32
      %mul3A_1352 = arith.muli %select_n3A_1350, %mul3A_1351 : i32
      %multiple_of3A_1353 = tpu.assume_multiple %mul3A_1352, 128 : i32
      %slice3A_1354 = vector.extract_strided_slice %get3A_15 {offsets = [12], sizes = [1], strides = [1]} : vector<16xi32> to vector<1xi32>
      %squeeze3A_1355 = vector.extract %slice3A_1354[0] : i32 from vector<1xi32>
      %jit3A_1356 = arith.constant 128 : i32
      %div3A_1357 = arith.divsi %squeeze3A_1355, %jit3A_1356 : i32
      %sign3A_1358 = arith.constant 0 : i32
      %sign3A_1359 = arith.cmpi sgt, %squeeze3A_1355, %sign3A_1358 : i32
      %sign3A_1360 = arith.extui %sign3A_1359 : i1 to i32
      %sign3A_1361 = arith.constant 0 : i32
      %sign3A_1362 = arith.cmpi slt, %squeeze3A_1355, %sign3A_1361 : i32
      %sign3A_1363 = arith.extui %sign3A_1362 : i1 to i32
      %sign3A_1364 = arith.subi %sign3A_1360, %sign3A_1363 : i32
      %sign3A_1365 = arith.constant 0 : i32
      %sign3A_1366 = arith.cmpi sgt, %jit3A_1356, %sign3A_1365 : i32
      %sign3A_1367 = arith.extui %sign3A_1366 : i1 to i32
      %sign3A_1368 = arith.constant 0 : i32
      %sign3A_1369 = arith.cmpi slt, %jit3A_1356, %sign3A_1368 : i32
      %sign3A_1370 = arith.extui %sign3A_1369 : i1 to i32
      %sign3A_1371 = arith.subi %sign3A_1367, %sign3A_1370 : i32
      %ne3A_1372 = arith.cmpi ne, %sign3A_1364, %sign3A_1371 : i32
      %rem3A_1373 = arith.remsi %squeeze3A_1355, %jit3A_1356 : i32
      %ne3A_1374 = arith.constant 0 : i32
      %ne3A_1375 = arith.cmpi ne, %rem3A_1373, %ne3A_1374 : i32
      %and3A_1376 = arith.andi %ne3A_1372, %ne3A_1375 : i1
      %sub3A_1377 = arith.constant 1 : i32
      %sub3A_1378 = arith.subi %div3A_1357, %sub3A_1377 : i32
      %select_n3A_1379 = arith.select %and3A_1376, %sub3A_1378, %div3A_1357 : i32
      %mul3A_1380 = arith.constant 128 : i32
      %mul3A_1381 = arith.muli %select_n3A_1379, %mul3A_1380 : i32
      %multiple_of3A_1382 = tpu.assume_multiple %mul3A_1381, 128 : i32
      %dma_start3A_1383 = arith.constant 0 : i32
      %dma_start3A_1384 = tpu.memref_slice %arg4[%dma_start3A_1383, %multiple_of3A_1353] : memref<64x1000000xf32, #tpu.memory_space<hbm>> -> memref<64x128xf32, #tpu.memory_space<hbm>>
      %dma_start3A_1385 = arith.constant 0 : i32
      %dma_start3A_1386 = tpu.memref_slice %arg4[%dma_start3A_1385, %multiple_of3A_1353] : memref<64x1000000xf32, #tpu.memory_space<hbm>> -> memref<64x128xf32, #tpu.memory_space<hbm>>
      tpu.enqueue_dma source(%dma_start3A_1386 : memref<64x128xf32, #tpu.memory_space<hbm>>) target(%arg10 : memref<64x128xf32, #tpu.memory_space<vmem>>) target_semaphore(%arg18 : memref<!tpu.dma_semaphore, #tpu.memory_space<semaphore_mem>>)
      %dma_start3A_1387 = arith.constant 0 : i32
      %dma_start3A_1388 = tpu.memref_slice %arg5[%dma_start3A_1387, %multiple_of3A_1382] : memref<64x1000000xf32, #tpu.memory_space<hbm>> -> memref<64x128xf32, #tpu.memory_space<hbm>>
      %dma_start3A_1389 = arith.constant 0 : i32
      %dma_start3A_1390 = tpu.memref_slice %arg5[%dma_start3A_1389, %multiple_of3A_1382] : memref<64x1000000xf32, #tpu.memory_space<hbm>> -> memref<64x128xf32, #tpu.memory_space<hbm>>
      tpu.enqueue_dma source(%dma_start3A_1390 : memref<64x128xf32, #tpu.memory_space<hbm>>) target(%arg14 : memref<64x128xf32, #tpu.memory_space<vmem>>) target_semaphore(%arg22 : memref<!tpu.dma_semaphore, #tpu.memory_space<semaphore_mem>>)
      %add3A_1391 = arith.addi %mul3A_2, %mul3A_10 : i32
      %add3A_1392 = arith.constant 11 : i32
      %add3A_1393 = arith.addi %add3A_1391, %add3A_1392 : i32
      %dma_wait3A_1394 = arith.constant 0 : i32
      %dma_wait3A_1395 = arith.constant 0 : i32
      %dma_wait3A_1396 = tpu.memref_slice %arg4[%dma_wait3A_1394, %dma_wait3A_1395] : memref<64x1000000xf32, #tpu.memory_space<hbm>> -> memref<64x128xf32, #tpu.memory_space<hbm>>
      %dma_wait3A_1397 = arith.constant 0 : i32
      %dma_wait3A_1398 = arith.constant 0 : i32
      %dma_wait3A_1399 = tpu.memref_slice %arg4[%dma_wait3A_1397, %dma_wait3A_1398] : memref<64x1000000xf32, #tpu.memory_space<hbm>> -> memref<64x128xf32, #tpu.memory_space<hbm>>
      tpu.wait_dma2 semaphore(%arg21 : memref<!tpu.dma_semaphore, #tpu.memory_space<semaphore_mem>>) src(%dma_wait3A_1399 : memref<64x128xf32, #tpu.memory_space<hbm>>) dst(%arg13 : memref<64x128xf32, #tpu.memory_space<vmem>>)
      %dma_wait3A_1400 = arith.constant 0 : i32
      %dma_wait3A_1401 = arith.constant 0 : i32
      %dma_wait3A_1402 = tpu.memref_slice %arg5[%dma_wait3A_1400, %dma_wait3A_1401] : memref<64x1000000xf32, #tpu.memory_space<hbm>> -> memref<64x128xf32, #tpu.memory_space<hbm>>
      %dma_wait3A_1403 = arith.constant 0 : i32
      %dma_wait3A_1404 = arith.constant 0 : i32
      %dma_wait3A_1405 = tpu.memref_slice %arg5[%dma_wait3A_1403, %dma_wait3A_1404] : memref<64x1000000xf32, #tpu.memory_space<hbm>> -> memref<64x128xf32, #tpu.memory_space<hbm>>
      tpu.wait_dma2 semaphore(%arg25 : memref<!tpu.dma_semaphore, #tpu.memory_space<semaphore_mem>>) src(%dma_wait3A_1405 : memref<64x128xf32, #tpu.memory_space<hbm>>) dst(%arg17 : memref<64x128xf32, #tpu.memory_space<vmem>>)
      %dma_start3A_1406 = arith.constant 0 : i32
      %dma_start3A_1407 = arith.constant 0 : i32
      %dma_start3A_1408 = tpu.memref_slice %arg6[%add3A_1393, %dma_start3A_1406, %dma_start3A_1407] : memref<4096x64x128xf32, #tpu.memory_space<hbm>> -> memref<1x64x128xf32, #tpu.memory_space<hbm>>
      %dma_start3A_1409 = tpu.memref_squeeze %dma_start3A_1408 : memref<1x64x128xf32, #tpu.memory_space<hbm>> -> memref<64x128xf32, #tpu.memory_space<hbm>>
      %dma_start3A_1410 = arith.constant 0 : i32
      %dma_start3A_1411 = arith.constant 0 : i32
      %dma_start3A_1412 = tpu.memref_slice %arg6[%add3A_1393, %dma_start3A_1410, %dma_start3A_1411] : memref<4096x64x128xf32, #tpu.memory_space<hbm>> -> memref<1x64x128xf32, #tpu.memory_space<hbm>>
      %dma_start3A_1413 = tpu.memref_squeeze %dma_start3A_1412 : memref<1x64x128xf32, #tpu.memory_space<hbm>> -> memref<64x128xf32, #tpu.memory_space<hbm>>
      tpu.enqueue_dma source(%arg13 : memref<64x128xf32, #tpu.memory_space<vmem>>) target(%dma_start3A_1413 : memref<64x128xf32, #tpu.memory_space<hbm>>) target_semaphore(%arg29 : memref<!tpu.dma_semaphore, #tpu.memory_space<semaphore_mem>>)
      %dma_start3A_1414 = arith.constant 0 : i32
      %dma_start3A_1415 = arith.constant 0 : i32
      %dma_start3A_1416 = tpu.memref_slice %arg7[%add3A_1393, %dma_start3A_1414, %dma_start3A_1415] : memref<4096x64x128xf32, #tpu.memory_space<hbm>> -> memref<1x64x128xf32, #tpu.memory_space<hbm>>
      %dma_start3A_1417 = tpu.memref_squeeze %dma_start3A_1416 : memref<1x64x128xf32, #tpu.memory_space<hbm>> -> memref<64x128xf32, #tpu.memory_space<hbm>>
      %dma_start3A_1418 = arith.constant 0 : i32
      %dma_start3A_1419 = arith.constant 0 : i32
      %dma_start3A_1420 = tpu.memref_slice %arg7[%add3A_1393, %dma_start3A_1418, %dma_start3A_1419] : memref<4096x64x128xf32, #tpu.memory_space<hbm>> -> memref<1x64x128xf32, #tpu.memory_space<hbm>>
      %dma_start3A_1421 = tpu.memref_squeeze %dma_start3A_1420 : memref<1x64x128xf32, #tpu.memory_space<hbm>> -> memref<64x128xf32, #tpu.memory_space<hbm>>
      tpu.enqueue_dma source(%arg17 : memref<64x128xf32, #tpu.memory_space<vmem>>) target(%dma_start3A_1421 : memref<64x128xf32, #tpu.memory_space<hbm>>) target_semaphore(%arg33 : memref<!tpu.dma_semaphore, #tpu.memory_space<semaphore_mem>>)
      %add3A_1422 = arith.addi %mul3A_2, %mul3A_10 : i32
      %add3A_1423 = arith.constant 13 : i32
      %add3A_1424 = arith.addi %add3A_1422, %add3A_1423 : i32
      %sub3A_1425 = arith.constant 4 : i32
      %sub3A_1426 = arith.subi %add3A_1424, %sub3A_1425 : i32
      %dma_wait3A_1427 = arith.constant 0 : i32
      %dma_wait3A_1428 = arith.constant 0 : i32
      %dma_wait3A_1429 = tpu.memref_slice %arg6[%sub3A_1426, %dma_wait3A_1427, %dma_wait3A_1428] : memref<4096x64x128xf32, #tpu.memory_space<hbm>> -> memref<1x64x128xf32, #tpu.memory_space<hbm>>
      %dma_wait3A_1430 = tpu.memref_squeeze %dma_wait3A_1429 : memref<1x64x128xf32, #tpu.memory_space<hbm>> -> memref<64x128xf32, #tpu.memory_space<hbm>>
      %dma_wait3A_1431 = arith.constant 0 : i32
      %dma_wait3A_1432 = arith.constant 0 : i32
      %dma_wait3A_1433 = tpu.memref_slice %arg6[%sub3A_1426, %dma_wait3A_1431, %dma_wait3A_1432] : memref<4096x64x128xf32, #tpu.memory_space<hbm>> -> memref<1x64x128xf32, #tpu.memory_space<hbm>>
      %dma_wait3A_1434 = tpu.memref_squeeze %dma_wait3A_1433 : memref<1x64x128xf32, #tpu.memory_space<hbm>> -> memref<64x128xf32, #tpu.memory_space<hbm>>
      tpu.wait_dma2 semaphore(%arg27 : memref<!tpu.dma_semaphore, #tpu.memory_space<semaphore_mem>>) src(%arg11 : memref<64x128xf32, #tpu.memory_space<vmem>>) dst(%dma_wait3A_1434 : memref<64x128xf32, #tpu.memory_space<hbm>>)
      %dma_wait3A_1435 = arith.constant 0 : i32
      %dma_wait3A_1436 = arith.constant 0 : i32
      %dma_wait3A_1437 = tpu.memref_slice %arg7[%sub3A_1426, %dma_wait3A_1435, %dma_wait3A_1436] : memref<4096x64x128xf32, #tpu.memory_space<hbm>> -> memref<1x64x128xf32, #tpu.memory_space<hbm>>
      %dma_wait3A_1438 = tpu.memref_squeeze %dma_wait3A_1437 : memref<1x64x128xf32, #tpu.memory_space<hbm>> -> memref<64x128xf32, #tpu.memory_space<hbm>>
      %dma_wait3A_1439 = arith.constant 0 : i32
      %dma_wait3A_1440 = arith.constant 0 : i32
      %dma_wait3A_1441 = tpu.memref_slice %arg7[%sub3A_1426, %dma_wait3A_1439, %dma_wait3A_1440] : memref<4096x64x128xf32, #tpu.memory_space<hbm>> -> memref<1x64x128xf32, #tpu.memory_space<hbm>>
      %dma_wait3A_1442 = tpu.memref_squeeze %dma_wait3A_1441 : memref<1x64x128xf32, #tpu.memory_space<hbm>> -> memref<64x128xf32, #tpu.memory_space<hbm>>
      tpu.wait_dma2 semaphore(%arg31 : memref<!tpu.dma_semaphore, #tpu.memory_space<semaphore_mem>>) src(%arg15 : memref<64x128xf32, #tpu.memory_space<vmem>>) dst(%dma_wait3A_1442 : memref<64x128xf32, #tpu.memory_space<hbm>>)
      %slice3A_1443 = vector.extract_strided_slice %get3A_12 {offsets = [13], sizes = [1], strides = [1]} : vector<16xi32> to vector<1xi32>
      %squeeze3A_1444 = vector.extract %slice3A_1443[0] : i32 from vector<1xi32>
      %jit3A_1445 = arith.constant 128 : i32
      %div3A_1446 = arith.divsi %squeeze3A_1444, %jit3A_1445 : i32
      %sign3A_1447 = arith.constant 0 : i32
      %sign3A_1448 = arith.cmpi sgt, %squeeze3A_1444, %sign3A_1447 : i32
      %sign3A_1449 = arith.extui %sign3A_1448 : i1 to i32
      %sign3A_1450 = arith.constant 0 : i32
      %sign3A_1451 = arith.cmpi slt, %squeeze3A_1444, %sign3A_1450 : i32
      %sign3A_1452 = arith.extui %sign3A_1451 : i1 to i32
      %sign3A_1453 = arith.subi %sign3A_1449, %sign3A_1452 : i32
      %sign3A_1454 = arith.constant 0 : i32
      %sign3A_1455 = arith.cmpi sgt, %jit3A_1445, %sign3A_1454 : i32
      %sign3A_1456 = arith.extui %sign3A_1455 : i1 to i32
      %sign3A_1457 = arith.constant 0 : i32
      %sign3A_1458 = arith.cmpi slt, %jit3A_1445, %sign3A_1457 : i32
      %sign3A_1459 = arith.extui %sign3A_1458 : i1 to i32
      %sign3A_1460 = arith.subi %sign3A_1456, %sign3A_1459 : i32
      %ne3A_1461 = arith.cmpi ne, %sign3A_1453, %sign3A_1460 : i32
      %rem3A_1462 = arith.remsi %squeeze3A_1444, %jit3A_1445 : i32
      %ne3A_1463 = arith.constant 0 : i32
      %ne3A_1464 = arith.cmpi ne, %rem3A_1462, %ne3A_1463 : i32
      %and3A_1465 = arith.andi %ne3A_1461, %ne3A_1464 : i1
      %sub3A_1466 = arith.constant 1 : i32
      %sub3A_1467 = arith.subi %div3A_1446, %sub3A_1466 : i32
      %select_n3A_1468 = arith.select %and3A_1465, %sub3A_1467, %div3A_1446 : i32
      %mul3A_1469 = arith.constant 128 : i32
      %mul3A_1470 = arith.muli %select_n3A_1468, %mul3A_1469 : i32
      %multiple_of3A_1471 = tpu.assume_multiple %mul3A_1470, 128 : i32
      %slice3A_1472 = vector.extract_strided_slice %get3A_15 {offsets = [13], sizes = [1], strides = [1]} : vector<16xi32> to vector<1xi32>
      %squeeze3A_1473 = vector.extract %slice3A_1472[0] : i32 from vector<1xi32>
      %jit3A_1474 = arith.constant 128 : i32
      %div3A_1475 = arith.divsi %squeeze3A_1473, %jit3A_1474 : i32
      %sign3A_1476 = arith.constant 0 : i32
      %sign3A_1477 = arith.cmpi sgt, %squeeze3A_1473, %sign3A_1476 : i32
      %sign3A_1478 = arith.extui %sign3A_1477 : i1 to i32
      %sign3A_1479 = arith.constant 0 : i32
      %sign3A_1480 = arith.cmpi slt, %squeeze3A_1473, %sign3A_1479 : i32
      %sign3A_1481 = arith.extui %sign3A_1480 : i1 to i32
      %sign3A_1482 = arith.subi %sign3A_1478, %sign3A_1481 : i32
      %sign3A_1483 = arith.constant 0 : i32
      %sign3A_1484 = arith.cmpi sgt, %jit3A_1474, %sign3A_1483 : i32
      %sign3A_1485 = arith.extui %sign3A_1484 : i1 to i32
      %sign3A_1486 = arith.constant 0 : i32
      %sign3A_1487 = arith.cmpi slt, %jit3A_1474, %sign3A_1486 : i32
      %sign3A_1488 = arith.extui %sign3A_1487 : i1 to i32
      %sign3A_1489 = arith.subi %sign3A_1485, %sign3A_1488 : i32
      %ne3A_1490 = arith.cmpi ne, %sign3A_1482, %sign3A_1489 : i32
      %rem3A_1491 = arith.remsi %squeeze3A_1473, %jit3A_1474 : i32
      %ne3A_1492 = arith.constant 0 : i32
      %ne3A_1493 = arith.cmpi ne, %rem3A_1491, %ne3A_1492 : i32
      %and3A_1494 = arith.andi %ne3A_1490, %ne3A_1493 : i1
      %sub3A_1495 = arith.constant 1 : i32
      %sub3A_1496 = arith.subi %div3A_1475, %sub3A_1495 : i32
      %select_n3A_1497 = arith.select %and3A_1494, %sub3A_1496, %div3A_1475 : i32
      %mul3A_1498 = arith.constant 128 : i32
      %mul3A_1499 = arith.muli %select_n3A_1497, %mul3A_1498 : i32
      %multiple_of3A_1500 = tpu.assume_multiple %mul3A_1499, 128 : i32
      %dma_start3A_1501 = arith.constant 0 : i32
      %dma_start3A_1502 = tpu.memref_slice %arg4[%dma_start3A_1501, %multiple_of3A_1471] : memref<64x1000000xf32, #tpu.memory_space<hbm>> -> memref<64x128xf32, #tpu.memory_space<hbm>>
      %dma_start3A_1503 = arith.constant 0 : i32
      %dma_start3A_1504 = tpu.memref_slice %arg4[%dma_start3A_1503, %multiple_of3A_1471] : memref<64x1000000xf32, #tpu.memory_space<hbm>> -> memref<64x128xf32, #tpu.memory_space<hbm>>
      tpu.enqueue_dma source(%dma_start3A_1504 : memref<64x128xf32, #tpu.memory_space<hbm>>) target(%arg11 : memref<64x128xf32, #tpu.memory_space<vmem>>) target_semaphore(%arg19 : memref<!tpu.dma_semaphore, #tpu.memory_space<semaphore_mem>>)
      %dma_start3A_1505 = arith.constant 0 : i32
      %dma_start3A_1506 = tpu.memref_slice %arg5[%dma_start3A_1505, %multiple_of3A_1500] : memref<64x1000000xf32, #tpu.memory_space<hbm>> -> memref<64x128xf32, #tpu.memory_space<hbm>>
      %dma_start3A_1507 = arith.constant 0 : i32
      %dma_start3A_1508 = tpu.memref_slice %arg5[%dma_start3A_1507, %multiple_of3A_1500] : memref<64x1000000xf32, #tpu.memory_space<hbm>> -> memref<64x128xf32, #tpu.memory_space<hbm>>
      tpu.enqueue_dma source(%dma_start3A_1508 : memref<64x128xf32, #tpu.memory_space<hbm>>) target(%arg15 : memref<64x128xf32, #tpu.memory_space<vmem>>) target_semaphore(%arg23 : memref<!tpu.dma_semaphore, #tpu.memory_space<semaphore_mem>>)
      %add3A_1509 = arith.addi %mul3A_2, %mul3A_10 : i32
      %add3A_1510 = arith.constant 12 : i32
      %add3A_1511 = arith.addi %add3A_1509, %add3A_1510 : i32
      %dma_wait3A_1512 = arith.constant 0 : i32
      %dma_wait3A_1513 = arith.constant 0 : i32
      %dma_wait3A_1514 = tpu.memref_slice %arg4[%dma_wait3A_1512, %dma_wait3A_1513] : memref<64x1000000xf32, #tpu.memory_space<hbm>> -> memref<64x128xf32, #tpu.memory_space<hbm>>
      %dma_wait3A_1515 = arith.constant 0 : i32
      %dma_wait3A_1516 = arith.constant 0 : i32
      %dma_wait3A_1517 = tpu.memref_slice %arg4[%dma_wait3A_1515, %dma_wait3A_1516] : memref<64x1000000xf32, #tpu.memory_space<hbm>> -> memref<64x128xf32, #tpu.memory_space<hbm>>
      tpu.wait_dma2 semaphore(%arg18 : memref<!tpu.dma_semaphore, #tpu.memory_space<semaphore_mem>>) src(%dma_wait3A_1517 : memref<64x128xf32, #tpu.memory_space<hbm>>) dst(%arg10 : memref<64x128xf32, #tpu.memory_space<vmem>>)
      %dma_wait3A_1518 = arith.constant 0 : i32
      %dma_wait3A_1519 = arith.constant 0 : i32
      %dma_wait3A_1520 = tpu.memref_slice %arg5[%dma_wait3A_1518, %dma_wait3A_1519] : memref<64x1000000xf32, #tpu.memory_space<hbm>> -> memref<64x128xf32, #tpu.memory_space<hbm>>
      %dma_wait3A_1521 = arith.constant 0 : i32
      %dma_wait3A_1522 = arith.constant 0 : i32
      %dma_wait3A_1523 = tpu.memref_slice %arg5[%dma_wait3A_1521, %dma_wait3A_1522] : memref<64x1000000xf32, #tpu.memory_space<hbm>> -> memref<64x128xf32, #tpu.memory_space<hbm>>
      tpu.wait_dma2 semaphore(%arg22 : memref<!tpu.dma_semaphore, #tpu.memory_space<semaphore_mem>>) src(%dma_wait3A_1523 : memref<64x128xf32, #tpu.memory_space<hbm>>) dst(%arg14 : memref<64x128xf32, #tpu.memory_space<vmem>>)
      %dma_start3A_1524 = arith.constant 0 : i32
      %dma_start3A_1525 = arith.constant 0 : i32
      %dma_start3A_1526 = tpu.memref_slice %arg6[%add3A_1511, %dma_start3A_1524, %dma_start3A_1525] : memref<4096x64x128xf32, #tpu.memory_space<hbm>> -> memref<1x64x128xf32, #tpu.memory_space<hbm>>
      %dma_start3A_1527 = tpu.memref_squeeze %dma_start3A_1526 : memref<1x64x128xf32, #tpu.memory_space<hbm>> -> memref<64x128xf32, #tpu.memory_space<hbm>>
      %dma_start3A_1528 = arith.constant 0 : i32
      %dma_start3A_1529 = arith.constant 0 : i32
      %dma_start3A_1530 = tpu.memref_slice %arg6[%add3A_1511, %dma_start3A_1528, %dma_start3A_1529] : memref<4096x64x128xf32, #tpu.memory_space<hbm>> -> memref<1x64x128xf32, #tpu.memory_space<hbm>>
      %dma_start3A_1531 = tpu.memref_squeeze %dma_start3A_1530 : memref<1x64x128xf32, #tpu.memory_space<hbm>> -> memref<64x128xf32, #tpu.memory_space<hbm>>
      tpu.enqueue_dma source(%arg10 : memref<64x128xf32, #tpu.memory_space<vmem>>) target(%dma_start3A_1531 : memref<64x128xf32, #tpu.memory_space<hbm>>) target_semaphore(%arg26 : memref<!tpu.dma_semaphore, #tpu.memory_space<semaphore_mem>>)
      %dma_start3A_1532 = arith.constant 0 : i32
      %dma_start3A_1533 = arith.constant 0 : i32
      %dma_start3A_1534 = tpu.memref_slice %arg7[%add3A_1511, %dma_start3A_1532, %dma_start3A_1533] : memref<4096x64x128xf32, #tpu.memory_space<hbm>> -> memref<1x64x128xf32, #tpu.memory_space<hbm>>
      %dma_start3A_1535 = tpu.memref_squeeze %dma_start3A_1534 : memref<1x64x128xf32, #tpu.memory_space<hbm>> -> memref<64x128xf32, #tpu.memory_space<hbm>>
      %dma_start3A_1536 = arith.constant 0 : i32
      %dma_start3A_1537 = arith.constant 0 : i32
      %dma_start3A_1538 = tpu.memref_slice %arg7[%add3A_1511, %dma_start3A_1536, %dma_start3A_1537] : memref<4096x64x128xf32, #tpu.memory_space<hbm>> -> memref<1x64x128xf32, #tpu.memory_space<hbm>>
      %dma_start3A_1539 = tpu.memref_squeeze %dma_start3A_1538 : memref<1x64x128xf32, #tpu.memory_space<hbm>> -> memref<64x128xf32, #tpu.memory_space<hbm>>
      tpu.enqueue_dma source(%arg14 : memref<64x128xf32, #tpu.memory_space<vmem>>) target(%dma_start3A_1539 : memref<64x128xf32, #tpu.memory_space<hbm>>) target_semaphore(%arg30 : memref<!tpu.dma_semaphore, #tpu.memory_space<semaphore_mem>>)
      %add3A_1540 = arith.addi %mul3A_2, %mul3A_10 : i32
      %add3A_1541 = arith.constant 14 : i32
      %add3A_1542 = arith.addi %add3A_1540, %add3A_1541 : i32
      %sub3A_1543 = arith.constant 4 : i32
      %sub3A_1544 = arith.subi %add3A_1542, %sub3A_1543 : i32
      %dma_wait3A_1545 = arith.constant 0 : i32
      %dma_wait3A_1546 = arith.constant 0 : i32
      %dma_wait3A_1547 = tpu.memref_slice %arg6[%sub3A_1544, %dma_wait3A_1545, %dma_wait3A_1546] : memref<4096x64x128xf32, #tpu.memory_space<hbm>> -> memref<1x64x128xf32, #tpu.memory_space<hbm>>
      %dma_wait3A_1548 = tpu.memref_squeeze %dma_wait3A_1547 : memref<1x64x128xf32, #tpu.memory_space<hbm>> -> memref<64x128xf32, #tpu.memory_space<hbm>>
      %dma_wait3A_1549 = arith.constant 0 : i32
      %dma_wait3A_1550 = arith.constant 0 : i32
      %dma_wait3A_1551 = tpu.memref_slice %arg6[%sub3A_1544, %dma_wait3A_1549, %dma_wait3A_1550] : memref<4096x64x128xf32, #tpu.memory_space<hbm>> -> memref<1x64x128xf32, #tpu.memory_space<hbm>>
      %dma_wait3A_1552 = tpu.memref_squeeze %dma_wait3A_1551 : memref<1x64x128xf32, #tpu.memory_space<hbm>> -> memref<64x128xf32, #tpu.memory_space<hbm>>
      tpu.wait_dma2 semaphore(%arg28 : memref<!tpu.dma_semaphore, #tpu.memory_space<semaphore_mem>>) src(%arg12 : memref<64x128xf32, #tpu.memory_space<vmem>>) dst(%dma_wait3A_1552 : memref<64x128xf32, #tpu.memory_space<hbm>>)
      %dma_wait3A_1553 = arith.constant 0 : i32
      %dma_wait3A_1554 = arith.constant 0 : i32
      %dma_wait3A_1555 = tpu.memref_slice %arg7[%sub3A_1544, %dma_wait3A_1553, %dma_wait3A_1554] : memref<4096x64x128xf32, #tpu.memory_space<hbm>> -> memref<1x64x128xf32, #tpu.memory_space<hbm>>
      %dma_wait3A_1556 = tpu.memref_squeeze %dma_wait3A_1555 : memref<1x64x128xf32, #tpu.memory_space<hbm>> -> memref<64x128xf32, #tpu.memory_space<hbm>>
      %dma_wait3A_1557 = arith.constant 0 : i32
      %dma_wait3A_1558 = arith.constant 0 : i32
      %dma_wait3A_1559 = tpu.memref_slice %arg7[%sub3A_1544, %dma_wait3A_1557, %dma_wait3A_1558] : memref<4096x64x128xf32, #tpu.memory_space<hbm>> -> memref<1x64x128xf32, #tpu.memory_space<hbm>>
      %dma_wait3A_1560 = tpu.memref_squeeze %dma_wait3A_1559 : memref<1x64x128xf32, #tpu.memory_space<hbm>> -> memref<64x128xf32, #tpu.memory_space<hbm>>
      tpu.wait_dma2 semaphore(%arg32 : memref<!tpu.dma_semaphore, #tpu.memory_space<semaphore_mem>>) src(%arg16 : memref<64x128xf32, #tpu.memory_space<vmem>>) dst(%dma_wait3A_1560 : memref<64x128xf32, #tpu.memory_space<hbm>>)
      %slice3A_1561 = vector.extract_strided_slice %get3A_12 {offsets = [14], sizes = [1], strides = [1]} : vector<16xi32> to vector<1xi32>
      %squeeze3A_1562 = vector.extract %slice3A_1561[0] : i32 from vector<1xi32>
      %jit3A_1563 = arith.constant 128 : i32
      %div3A_1564 = arith.divsi %squeeze3A_1562, %jit3A_1563 : i32
      %sign3A_1565 = arith.constant 0 : i32
      %sign3A_1566 = arith.cmpi sgt, %squeeze3A_1562, %sign3A_1565 : i32
      %sign3A_1567 = arith.extui %sign3A_1566 : i1 to i32
      %sign3A_1568 = arith.constant 0 : i32
      %sign3A_1569 = arith.cmpi slt, %squeeze3A_1562, %sign3A_1568 : i32
      %sign3A_1570 = arith.extui %sign3A_1569 : i1 to i32
      %sign3A_1571 = arith.subi %sign3A_1567, %sign3A_1570 : i32
      %sign3A_1572 = arith.constant 0 : i32
      %sign3A_1573 = arith.cmpi sgt, %jit3A_1563, %sign3A_1572 : i32
      %sign3A_1574 = arith.extui %sign3A_1573 : i1 to i32
      %sign3A_1575 = arith.constant 0 : i32
      %sign3A_1576 = arith.cmpi slt, %jit3A_1563, %sign3A_1575 : i32
      %sign3A_1577 = arith.extui %sign3A_1576 : i1 to i32
      %sign3A_1578 = arith.subi %sign3A_1574, %sign3A_1577 : i32
      %ne3A_1579 = arith.cmpi ne, %sign3A_1571, %sign3A_1578 : i32
      %rem3A_1580 = arith.remsi %squeeze3A_1562, %jit3A_1563 : i32
      %ne3A_1581 = arith.constant 0 : i32
      %ne3A_1582 = arith.cmpi ne, %rem3A_1580, %ne3A_1581 : i32
      %and3A_1583 = arith.andi %ne3A_1579, %ne3A_1582 : i1
      %sub3A_1584 = arith.constant 1 : i32
      %sub3A_1585 = arith.subi %div3A_1564, %sub3A_1584 : i32
      %select_n3A_1586 = arith.select %and3A_1583, %sub3A_1585, %div3A_1564 : i32
      %mul3A_1587 = arith.constant 128 : i32
      %mul3A_1588 = arith.muli %select_n3A_1586, %mul3A_1587 : i32
      %multiple_of3A_1589 = tpu.assume_multiple %mul3A_1588, 128 : i32
      %slice3A_1590 = vector.extract_strided_slice %get3A_15 {offsets = [14], sizes = [1], strides = [1]} : vector<16xi32> to vector<1xi32>
      %squeeze3A_1591 = vector.extract %slice3A_1590[0] : i32 from vector<1xi32>
      %jit3A_1592 = arith.constant 128 : i32
      %div3A_1593 = arith.divsi %squeeze3A_1591, %jit3A_1592 : i32
      %sign3A_1594 = arith.constant 0 : i32
      %sign3A_1595 = arith.cmpi sgt, %squeeze3A_1591, %sign3A_1594 : i32
      %sign3A_1596 = arith.extui %sign3A_1595 : i1 to i32
      %sign3A_1597 = arith.constant 0 : i32
      %sign3A_1598 = arith.cmpi slt, %squeeze3A_1591, %sign3A_1597 : i32
      %sign3A_1599 = arith.extui %sign3A_1598 : i1 to i32
      %sign3A_1600 = arith.subi %sign3A_1596, %sign3A_1599 : i32
      %sign3A_1601 = arith.constant 0 : i32
      %sign3A_1602 = arith.cmpi sgt, %jit3A_1592, %sign3A_1601 : i32
      %sign3A_1603 = arith.extui %sign3A_1602 : i1 to i32
      %sign3A_1604 = arith.constant 0 : i32
      %sign3A_1605 = arith.cmpi slt, %jit3A_1592, %sign3A_1604 : i32
      %sign3A_1606 = arith.extui %sign3A_1605 : i1 to i32
      %sign3A_1607 = arith.subi %sign3A_1603, %sign3A_1606 : i32
      %ne3A_1608 = arith.cmpi ne, %sign3A_1600, %sign3A_1607 : i32
      %rem3A_1609 = arith.remsi %squeeze3A_1591, %jit3A_1592 : i32
      %ne3A_1610 = arith.constant 0 : i32
      %ne3A_1611 = arith.cmpi ne, %rem3A_1609, %ne3A_1610 : i32
      %and3A_1612 = arith.andi %ne3A_1608, %ne3A_1611 : i1
      %sub3A_1613 = arith.constant 1 : i32
      %sub3A_1614 = arith.subi %div3A_1593, %sub3A_1613 : i32
      %select_n3A_1615 = arith.select %and3A_1612, %sub3A_1614, %div3A_1593 : i32
      %mul3A_1616 = arith.constant 128 : i32
      %mul3A_1617 = arith.muli %select_n3A_1615, %mul3A_1616 : i32
      %multiple_of3A_1618 = tpu.assume_multiple %mul3A_1617, 128 : i32
      %dma_start3A_1619 = arith.constant 0 : i32
      %dma_start3A_1620 = tpu.memref_slice %arg4[%dma_start3A_1619, %multiple_of3A_1589] : memref<64x1000000xf32, #tpu.memory_space<hbm>> -> memref<64x128xf32, #tpu.memory_space<hbm>>
      %dma_start3A_1621 = arith.constant 0 : i32
      %dma_start3A_1622 = tpu.memref_slice %arg4[%dma_start3A_1621, %multiple_of3A_1589] : memref<64x1000000xf32, #tpu.memory_space<hbm>> -> memref<64x128xf32, #tpu.memory_space<hbm>>
      tpu.enqueue_dma source(%dma_start3A_1622 : memref<64x128xf32, #tpu.memory_space<hbm>>) target(%arg12 : memref<64x128xf32, #tpu.memory_space<vmem>>) target_semaphore(%arg20 : memref<!tpu.dma_semaphore, #tpu.memory_space<semaphore_mem>>)
      %dma_start3A_1623 = arith.constant 0 : i32
      %dma_start3A_1624 = tpu.memref_slice %arg5[%dma_start3A_1623, %multiple_of3A_1618] : memref<64x1000000xf32, #tpu.memory_space<hbm>> -> memref<64x128xf32, #tpu.memory_space<hbm>>
      %dma_start3A_1625 = arith.constant 0 : i32
      %dma_start3A_1626 = tpu.memref_slice %arg5[%dma_start3A_1625, %multiple_of3A_1618] : memref<64x1000000xf32, #tpu.memory_space<hbm>> -> memref<64x128xf32, #tpu.memory_space<hbm>>
      tpu.enqueue_dma source(%dma_start3A_1626 : memref<64x128xf32, #tpu.memory_space<hbm>>) target(%arg16 : memref<64x128xf32, #tpu.memory_space<vmem>>) target_semaphore(%arg24 : memref<!tpu.dma_semaphore, #tpu.memory_space<semaphore_mem>>)
      %add3A_1627 = arith.addi %mul3A_2, %mul3A_10 : i32
      %add3A_1628 = arith.constant 13 : i32
      %add3A_1629 = arith.addi %add3A_1627, %add3A_1628 : i32
      %dma_wait3A_1630 = arith.constant 0 : i32
      %dma_wait3A_1631 = arith.constant 0 : i32
      %dma_wait3A_1632 = tpu.memref_slice %arg4[%dma_wait3A_1630, %dma_wait3A_1631] : memref<64x1000000xf32, #tpu.memory_space<hbm>> -> memref<64x128xf32, #tpu.memory_space<hbm>>
      %dma_wait3A_1633 = arith.constant 0 : i32
      %dma_wait3A_1634 = arith.constant 0 : i32
      %dma_wait3A_1635 = tpu.memref_slice %arg4[%dma_wait3A_1633, %dma_wait3A_1634] : memref<64x1000000xf32, #tpu.memory_space<hbm>> -> memref<64x128xf32, #tpu.memory_space<hbm>>
      tpu.wait_dma2 semaphore(%arg19 : memref<!tpu.dma_semaphore, #tpu.memory_space<semaphore_mem>>) src(%dma_wait3A_1635 : memref<64x128xf32, #tpu.memory_space<hbm>>) dst(%arg11 : memref<64x128xf32, #tpu.memory_space<vmem>>)
      %dma_wait3A_1636 = arith.constant 0 : i32
      %dma_wait3A_1637 = arith.constant 0 : i32
      %dma_wait3A_1638 = tpu.memref_slice %arg5[%dma_wait3A_1636, %dma_wait3A_1637] : memref<64x1000000xf32, #tpu.memory_space<hbm>> -> memref<64x128xf32, #tpu.memory_space<hbm>>
      %dma_wait3A_1639 = arith.constant 0 : i32
      %dma_wait3A_1640 = arith.constant 0 : i32
      %dma_wait3A_1641 = tpu.memref_slice %arg5[%dma_wait3A_1639, %dma_wait3A_1640] : memref<64x1000000xf32, #tpu.memory_space<hbm>> -> memref<64x128xf32, #tpu.memory_space<hbm>>
      tpu.wait_dma2 semaphore(%arg23 : memref<!tpu.dma_semaphore, #tpu.memory_space<semaphore_mem>>) src(%dma_wait3A_1641 : memref<64x128xf32, #tpu.memory_space<hbm>>) dst(%arg15 : memref<64x128xf32, #tpu.memory_space<vmem>>)
      %dma_start3A_1642 = arith.constant 0 : i32
      %dma_start3A_1643 = arith.constant 0 : i32
      %dma_start3A_1644 = tpu.memref_slice %arg6[%add3A_1629, %dma_start3A_1642, %dma_start3A_1643] : memref<4096x64x128xf32, #tpu.memory_space<hbm>> -> memref<1x64x128xf32, #tpu.memory_space<hbm>>
      %dma_start3A_1645 = tpu.memref_squeeze %dma_start3A_1644 : memref<1x64x128xf32, #tpu.memory_space<hbm>> -> memref<64x128xf32, #tpu.memory_space<hbm>>
      %dma_start3A_1646 = arith.constant 0 : i32
      %dma_start3A_1647 = arith.constant 0 : i32
      %dma_start3A_1648 = tpu.memref_slice %arg6[%add3A_1629, %dma_start3A_1646, %dma_start3A_1647] : memref<4096x64x128xf32, #tpu.memory_space<hbm>> -> memref<1x64x128xf32, #tpu.memory_space<hbm>>
      %dma_start3A_1649 = tpu.memref_squeeze %dma_start3A_1648 : memref<1x64x128xf32, #tpu.memory_space<hbm>> -> memref<64x128xf32, #tpu.memory_space<hbm>>
      tpu.enqueue_dma source(%arg11 : memref<64x128xf32, #tpu.memory_space<vmem>>) target(%dma_start3A_1649 : memref<64x128xf32, #tpu.memory_space<hbm>>) target_semaphore(%arg27 : memref<!tpu.dma_semaphore, #tpu.memory_space<semaphore_mem>>)
      %dma_start3A_1650 = arith.constant 0 : i32
      %dma_start3A_1651 = arith.constant 0 : i32
      %dma_start3A_1652 = tpu.memref_slice %arg7[%add3A_1629, %dma_start3A_1650, %dma_start3A_1651] : memref<4096x64x128xf32, #tpu.memory_space<hbm>> -> memref<1x64x128xf32, #tpu.memory_space<hbm>>
      %dma_start3A_1653 = tpu.memref_squeeze %dma_start3A_1652 : memref<1x64x128xf32, #tpu.memory_space<hbm>> -> memref<64x128xf32, #tpu.memory_space<hbm>>
      %dma_start3A_1654 = arith.constant 0 : i32
      %dma_start3A_1655 = arith.constant 0 : i32
      %dma_start3A_1656 = tpu.memref_slice %arg7[%add3A_1629, %dma_start3A_1654, %dma_start3A_1655] : memref<4096x64x128xf32, #tpu.memory_space<hbm>> -> memref<1x64x128xf32, #tpu.memory_space<hbm>>
      %dma_start3A_1657 = tpu.memref_squeeze %dma_start3A_1656 : memref<1x64x128xf32, #tpu.memory_space<hbm>> -> memref<64x128xf32, #tpu.memory_space<hbm>>
      tpu.enqueue_dma source(%arg15 : memref<64x128xf32, #tpu.memory_space<vmem>>) target(%dma_start3A_1657 : memref<64x128xf32, #tpu.memory_space<hbm>>) target_semaphore(%arg31 : memref<!tpu.dma_semaphore, #tpu.memory_space<semaphore_mem>>)
      %add3A_1658 = arith.addi %mul3A_2, %mul3A_10 : i32
      %add3A_1659 = arith.constant 15 : i32
      %add3A_1660 = arith.addi %add3A_1658, %add3A_1659 : i32
      %sub3A_1661 = arith.constant 4 : i32
      %sub3A_1662 = arith.subi %add3A_1660, %sub3A_1661 : i32
      %dma_wait3A_1663 = arith.constant 0 : i32
      %dma_wait3A_1664 = arith.constant 0 : i32
      %dma_wait3A_1665 = tpu.memref_slice %arg6[%sub3A_1662, %dma_wait3A_1663, %dma_wait3A_1664] : memref<4096x64x128xf32, #tpu.memory_space<hbm>> -> memref<1x64x128xf32, #tpu.memory_space<hbm>>
      %dma_wait3A_1666 = tpu.memref_squeeze %dma_wait3A_1665 : memref<1x64x128xf32, #tpu.memory_space<hbm>> -> memref<64x128xf32, #tpu.memory_space<hbm>>
      %dma_wait3A_1667 = arith.constant 0 : i32
      %dma_wait3A_1668 = arith.constant 0 : i32
      %dma_wait3A_1669 = tpu.memref_slice %arg6[%sub3A_1662, %dma_wait3A_1667, %dma_wait3A_1668] : memref<4096x64x128xf32, #tpu.memory_space<hbm>> -> memref<1x64x128xf32, #tpu.memory_space<hbm>>
      %dma_wait3A_1670 = tpu.memref_squeeze %dma_wait3A_1669 : memref<1x64x128xf32, #tpu.memory_space<hbm>> -> memref<64x128xf32, #tpu.memory_space<hbm>>
      tpu.wait_dma2 semaphore(%arg29 : memref<!tpu.dma_semaphore, #tpu.memory_space<semaphore_mem>>) src(%arg13 : memref<64x128xf32, #tpu.memory_space<vmem>>) dst(%dma_wait3A_1670 : memref<64x128xf32, #tpu.memory_space<hbm>>)
      %dma_wait3A_1671 = arith.constant 0 : i32
      %dma_wait3A_1672 = arith.constant 0 : i32
      %dma_wait3A_1673 = tpu.memref_slice %arg7[%sub3A_1662, %dma_wait3A_1671, %dma_wait3A_1672] : memref<4096x64x128xf32, #tpu.memory_space<hbm>> -> memref<1x64x128xf32, #tpu.memory_space<hbm>>
      %dma_wait3A_1674 = tpu.memref_squeeze %dma_wait3A_1673 : memref<1x64x128xf32, #tpu.memory_space<hbm>> -> memref<64x128xf32, #tpu.memory_space<hbm>>
      %dma_wait3A_1675 = arith.constant 0 : i32
      %dma_wait3A_1676 = arith.constant 0 : i32
      %dma_wait3A_1677 = tpu.memref_slice %arg7[%sub3A_1662, %dma_wait3A_1675, %dma_wait3A_1676] : memref<4096x64x128xf32, #tpu.memory_space<hbm>> -> memref<1x64x128xf32, #tpu.memory_space<hbm>>
      %dma_wait3A_1678 = tpu.memref_squeeze %dma_wait3A_1677 : memref<1x64x128xf32, #tpu.memory_space<hbm>> -> memref<64x128xf32, #tpu.memory_space<hbm>>
      tpu.wait_dma2 semaphore(%arg33 : memref<!tpu.dma_semaphore, #tpu.memory_space<semaphore_mem>>) src(%arg17 : memref<64x128xf32, #tpu.memory_space<vmem>>) dst(%dma_wait3A_1678 : memref<64x128xf32, #tpu.memory_space<hbm>>)
      %slice3A_1679 = vector.extract_strided_slice %get3A_12 {offsets = [15], sizes = [1], strides = [1]} : vector<16xi32> to vector<1xi32>
      %squeeze3A_1680 = vector.extract %slice3A_1679[0] : i32 from vector<1xi32>
      %jit3A_1681 = arith.constant 128 : i32
      %div3A_1682 = arith.divsi %squeeze3A_1680, %jit3A_1681 : i32
      %sign3A_1683 = arith.constant 0 : i32
      %sign3A_1684 = arith.cmpi sgt, %squeeze3A_1680, %sign3A_1683 : i32
      %sign3A_1685 = arith.extui %sign3A_1684 : i1 to i32
      %sign3A_1686 = arith.constant 0 : i32
      %sign3A_1687 = arith.cmpi slt, %squeeze3A_1680, %sign3A_1686 : i32
      %sign3A_1688 = arith.extui %sign3A_1687 : i1 to i32
      %sign3A_1689 = arith.subi %sign3A_1685, %sign3A_1688 : i32
      %sign3A_1690 = arith.constant 0 : i32
      %sign3A_1691 = arith.cmpi sgt, %jit3A_1681, %sign3A_1690 : i32
      %sign3A_1692 = arith.extui %sign3A_1691 : i1 to i32
      %sign3A_1693 = arith.constant 0 : i32
      %sign3A_1694 = arith.cmpi slt, %jit3A_1681, %sign3A_1693 : i32
      %sign3A_1695 = arith.extui %sign3A_1694 : i1 to i32
      %sign3A_1696 = arith.subi %sign3A_1692, %sign3A_1695 : i32
      %ne3A_1697 = arith.cmpi ne, %sign3A_1689, %sign3A_1696 : i32
      %rem3A_1698 = arith.remsi %squeeze3A_1680, %jit3A_1681 : i32
      %ne3A_1699 = arith.constant 0 : i32
      %ne3A_1700 = arith.cmpi ne, %rem3A_1698, %ne3A_1699 : i32
      %and3A_1701 = arith.andi %ne3A_1697, %ne3A_1700 : i1
      %sub3A_1702 = arith.constant 1 : i32
      %sub3A_1703 = arith.subi %div3A_1682, %sub3A_1702 : i32
      %select_n3A_1704 = arith.select %and3A_1701, %sub3A_1703, %div3A_1682 : i32
      %mul3A_1705 = arith.constant 128 : i32
      %mul3A_1706 = arith.muli %select_n3A_1704, %mul3A_1705 : i32
      %multiple_of3A_1707 = tpu.assume_multiple %mul3A_1706, 128 : i32
      %slice3A_1708 = vector.extract_strided_slice %get3A_15 {offsets = [15], sizes = [1], strides = [1]} : vector<16xi32> to vector<1xi32>
      %squeeze3A_1709 = vector.extract %slice3A_1708[0] : i32 from vector<1xi32>
      %jit3A_1710 = arith.constant 128 : i32
      %div3A_1711 = arith.divsi %squeeze3A_1709, %jit3A_1710 : i32
      %sign3A_1712 = arith.constant 0 : i32
      %sign3A_1713 = arith.cmpi sgt, %squeeze3A_1709, %sign3A_1712 : i32
      %sign3A_1714 = arith.extui %sign3A_1713 : i1 to i32
      %sign3A_1715 = arith.constant 0 : i32
      %sign3A_1716 = arith.cmpi slt, %squeeze3A_1709, %sign3A_1715 : i32
      %sign3A_1717 = arith.extui %sign3A_1716 : i1 to i32
      %sign3A_1718 = arith.subi %sign3A_1714, %sign3A_1717 : i32
      %sign3A_1719 = arith.constant 0 : i32
      %sign3A_1720 = arith.cmpi sgt, %jit3A_1710, %sign3A_1719 : i32
      %sign3A_1721 = arith.extui %sign3A_1720 : i1 to i32
      %sign3A_1722 = arith.constant 0 : i32
      %sign3A_1723 = arith.cmpi slt, %jit3A_1710, %sign3A_1722 : i32
      %sign3A_1724 = arith.extui %sign3A_1723 : i1 to i32
      %sign3A_1725 = arith.subi %sign3A_1721, %sign3A_1724 : i32
      %ne3A_1726 = arith.cmpi ne, %sign3A_1718, %sign3A_1725 : i32
      %rem3A_1727 = arith.remsi %squeeze3A_1709, %jit3A_1710 : i32
      %ne3A_1728 = arith.constant 0 : i32
      %ne3A_1729 = arith.cmpi ne, %rem3A_1727, %ne3A_1728 : i32
      %and3A_1730 = arith.andi %ne3A_1726, %ne3A_1729 : i1
      %sub3A_1731 = arith.constant 1 : i32
      %sub3A_1732 = arith.subi %div3A_1711, %sub3A_1731 : i32
      %select_n3A_1733 = arith.select %and3A_1730, %sub3A_1732, %div3A_1711 : i32
      %mul3A_1734 = arith.constant 128 : i32
      %mul3A_1735 = arith.muli %select_n3A_1733, %mul3A_1734 : i32
      %multiple_of3A_1736 = tpu.assume_multiple %mul3A_1735, 128 : i32
      %dma_start3A_1737 = arith.constant 0 : i32
      %dma_start3A_1738 = tpu.memref_slice %arg4[%dma_start3A_1737, %multiple_of3A_1707] : memref<64x1000000xf32, #tpu.memory_space<hbm>> -> memref<64x128xf32, #tpu.memory_space<hbm>>
      %dma_start3A_1739 = arith.constant 0 : i32
      %dma_start3A_1740 = tpu.memref_slice %arg4[%dma_start3A_1739, %multiple_of3A_1707] : memref<64x1000000xf32, #tpu.memory_space<hbm>> -> memref<64x128xf32, #tpu.memory_space<hbm>>
      tpu.enqueue_dma source(%dma_start3A_1740 : memref<64x128xf32, #tpu.memory_space<hbm>>) target(%arg13 : memref<64x128xf32, #tpu.memory_space<vmem>>) target_semaphore(%arg21 : memref<!tpu.dma_semaphore, #tpu.memory_space<semaphore_mem>>)
      %dma_start3A_1741 = arith.constant 0 : i32
      %dma_start3A_1742 = tpu.memref_slice %arg5[%dma_start3A_1741, %multiple_of3A_1736] : memref<64x1000000xf32, #tpu.memory_space<hbm>> -> memref<64x128xf32, #tpu.memory_space<hbm>>
      %dma_start3A_1743 = arith.constant 0 : i32
      %dma_start3A_1744 = tpu.memref_slice %arg5[%dma_start3A_1743, %multiple_of3A_1736] : memref<64x1000000xf32, #tpu.memory_space<hbm>> -> memref<64x128xf32, #tpu.memory_space<hbm>>
      tpu.enqueue_dma source(%dma_start3A_1744 : memref<64x128xf32, #tpu.memory_space<hbm>>) target(%arg17 : memref<64x128xf32, #tpu.memory_space<vmem>>) target_semaphore(%arg25 : memref<!tpu.dma_semaphore, #tpu.memory_space<semaphore_mem>>)
      %add3A_1745 = arith.addi %mul3A_2, %mul3A_10 : i32
      %add3A_1746 = arith.constant 14 : i32
      %add3A_1747 = arith.addi %add3A_1745, %add3A_1746 : i32
      %dma_wait3A_1748 = arith.constant 0 : i32
      %dma_wait3A_1749 = arith.constant 0 : i32
      %dma_wait3A_1750 = tpu.memref_slice %arg4[%dma_wait3A_1748, %dma_wait3A_1749] : memref<64x1000000xf32, #tpu.memory_space<hbm>> -> memref<64x128xf32, #tpu.memory_space<hbm>>
      %dma_wait3A_1751 = arith.constant 0 : i32
      %dma_wait3A_1752 = arith.constant 0 : i32
      %dma_wait3A_1753 = tpu.memref_slice %arg4[%dma_wait3A_1751, %dma_wait3A_1752] : memref<64x1000000xf32, #tpu.memory_space<hbm>> -> memref<64x128xf32, #tpu.memory_space<hbm>>
      tpu.wait_dma2 semaphore(%arg20 : memref<!tpu.dma_semaphore, #tpu.memory_space<semaphore_mem>>) src(%dma_wait3A_1753 : memref<64x128xf32, #tpu.memory_space<hbm>>) dst(%arg12 : memref<64x128xf32, #tpu.memory_space<vmem>>)
      %dma_wait3A_1754 = arith.constant 0 : i32
      %dma_wait3A_1755 = arith.constant 0 : i32
      %dma_wait3A_1756 = tpu.memref_slice %arg5[%dma_wait3A_1754, %dma_wait3A_1755] : memref<64x1000000xf32, #tpu.memory_space<hbm>> -> memref<64x128xf32, #tpu.memory_space<hbm>>
      %dma_wait3A_1757 = arith.constant 0 : i32
      %dma_wait3A_1758 = arith.constant 0 : i32
      %dma_wait3A_1759 = tpu.memref_slice %arg5[%dma_wait3A_1757, %dma_wait3A_1758] : memref<64x1000000xf32, #tpu.memory_space<hbm>> -> memref<64x128xf32, #tpu.memory_space<hbm>>
      tpu.wait_dma2 semaphore(%arg24 : memref<!tpu.dma_semaphore, #tpu.memory_space<semaphore_mem>>) src(%dma_wait3A_1759 : memref<64x128xf32, #tpu.memory_space<hbm>>) dst(%arg16 : memref<64x128xf32, #tpu.memory_space<vmem>>)
      %dma_start3A_1760 = arith.constant 0 : i32
      %dma_start3A_1761 = arith.constant 0 : i32
      %dma_start3A_1762 = tpu.memref_slice %arg6[%add3A_1747, %dma_start3A_1760, %dma_start3A_1761] : memref<4096x64x128xf32, #tpu.memory_space<hbm>> -> memref<1x64x128xf32, #tpu.memory_space<hbm>>
      %dma_start3A_1763 = tpu.memref_squeeze %dma_start3A_1762 : memref<1x64x128xf32, #tpu.memory_space<hbm>> -> memref<64x128xf32, #tpu.memory_space<hbm>>
      %dma_start3A_1764 = arith.constant 0 : i32
      %dma_start3A_1765 = arith.constant 0 : i32
      %dma_start3A_1766 = tpu.memref_slice %arg6[%add3A_1747, %dma_start3A_1764, %dma_start3A_1765] : memref<4096x64x128xf32, #tpu.memory_space<hbm>> -> memref<1x64x128xf32, #tpu.memory_space<hbm>>
      %dma_start3A_1767 = tpu.memref_squeeze %dma_start3A_1766 : memref<1x64x128xf32, #tpu.memory_space<hbm>> -> memref<64x128xf32, #tpu.memory_space<hbm>>
      tpu.enqueue_dma source(%arg12 : memref<64x128xf32, #tpu.memory_space<vmem>>) target(%dma_start3A_1767 : memref<64x128xf32, #tpu.memory_space<hbm>>) target_semaphore(%arg28 : memref<!tpu.dma_semaphore, #tpu.memory_space<semaphore_mem>>)
      %dma_start3A_1768 = arith.constant 0 : i32
      %dma_start3A_1769 = arith.constant 0 : i32
      %dma_start3A_1770 = tpu.memref_slice %arg7[%add3A_1747, %dma_start3A_1768, %dma_start3A_1769] : memref<4096x64x128xf32, #tpu.memory_space<hbm>> -> memref<1x64x128xf32, #tpu.memory_space<hbm>>
      %dma_start3A_1771 = tpu.memref_squeeze %dma_start3A_1770 : memref<1x64x128xf32, #tpu.memory_space<hbm>> -> memref<64x128xf32, #tpu.memory_space<hbm>>
      %dma_start3A_1772 = arith.constant 0 : i32
      %dma_start3A_1773 = arith.constant 0 : i32
      %dma_start3A_1774 = tpu.memref_slice %arg7[%add3A_1747, %dma_start3A_1772, %dma_start3A_1773] : memref<4096x64x128xf32, #tpu.memory_space<hbm>> -> memref<1x64x128xf32, #tpu.memory_space<hbm>>
      %dma_start3A_1775 = tpu.memref_squeeze %dma_start3A_1774 : memref<1x64x128xf32, #tpu.memory_space<hbm>> -> memref<64x128xf32, #tpu.memory_space<hbm>>
      tpu.enqueue_dma source(%arg16 : memref<64x128xf32, #tpu.memory_space<vmem>>) target(%dma_start3A_1775 : memref<64x128xf32, #tpu.memory_space<hbm>>) target_semaphore(%arg32 : memref<!tpu.dma_semaphore, #tpu.memory_space<semaphore_mem>>)
      %add3A_1776 = arith.addi %mul3A_2, %mul3A_10 : i32
      %add3A_1777 = arith.constant 15 : i32
      %add3A_1778 = arith.addi %add3A_1776, %add3A_1777 : i32
      %dma_wait3A_1779 = arith.constant 0 : i32
      %dma_wait3A_1780 = arith.constant 0 : i32
      %dma_wait3A_1781 = tpu.memref_slice %arg4[%dma_wait3A_1779, %dma_wait3A_1780] : memref<64x1000000xf32, #tpu.memory_space<hbm>> -> memref<64x128xf32, #tpu.memory_space<hbm>>
      %dma_wait3A_1782 = arith.constant 0 : i32
      %dma_wait3A_1783 = arith.constant 0 : i32
      %dma_wait3A_1784 = tpu.memref_slice %arg4[%dma_wait3A_1782, %dma_wait3A_1783] : memref<64x1000000xf32, #tpu.memory_space<hbm>> -> memref<64x128xf32, #tpu.memory_space<hbm>>
      tpu.wait_dma2 semaphore(%arg21 : memref<!tpu.dma_semaphore, #tpu.memory_space<semaphore_mem>>) src(%dma_wait3A_1784 : memref<64x128xf32, #tpu.memory_space<hbm>>) dst(%arg13 : memref<64x128xf32, #tpu.memory_space<vmem>>)
      %dma_wait3A_1785 = arith.constant 0 : i32
      %dma_wait3A_1786 = arith.constant 0 : i32
      %dma_wait3A_1787 = tpu.memref_slice %arg5[%dma_wait3A_1785, %dma_wait3A_1786] : memref<64x1000000xf32, #tpu.memory_space<hbm>> -> memref<64x128xf32, #tpu.memory_space<hbm>>
      %dma_wait3A_1788 = arith.constant 0 : i32
      %dma_wait3A_1789 = arith.constant 0 : i32
      %dma_wait3A_1790 = tpu.memref_slice %arg5[%dma_wait3A_1788, %dma_wait3A_1789] : memref<64x1000000xf32, #tpu.memory_space<hbm>> -> memref<64x128xf32, #tpu.memory_space<hbm>>
      tpu.wait_dma2 semaphore(%arg25 : memref<!tpu.dma_semaphore, #tpu.memory_space<semaphore_mem>>) src(%dma_wait3A_1790 : memref<64x128xf32, #tpu.memory_space<hbm>>) dst(%arg17 : memref<64x128xf32, #tpu.memory_space<vmem>>)
      %dma_start3A_1791 = arith.constant 0 : i32
      %dma_start3A_1792 = arith.constant 0 : i32
      %dma_start3A_1793 = tpu.memref_slice %arg6[%add3A_1778, %dma_start3A_1791, %dma_start3A_1792] : memref<4096x64x128xf32, #tpu.memory_space<hbm>> -> memref<1x64x128xf32, #tpu.memory_space<hbm>>
      %dma_start3A_1794 = tpu.memref_squeeze %dma_start3A_1793 : memref<1x64x128xf32, #tpu.memory_space<hbm>> -> memref<64x128xf32, #tpu.memory_space<hbm>>
      %dma_start3A_1795 = arith.constant 0 : i32
      %dma_start3A_1796 = arith.constant 0 : i32
      %dma_start3A_1797 = tpu.memref_slice %arg6[%add3A_1778, %dma_start3A_1795, %dma_start3A_1796] : memref<4096x64x128xf32, #tpu.memory_space<hbm>> -> memref<1x64x128xf32, #tpu.memory_space<hbm>>
      %dma_start3A_1798 = tpu.memref_squeeze %dma_start3A_1797 : memref<1x64x128xf32, #tpu.memory_space<hbm>> -> memref<64x128xf32, #tpu.memory_space<hbm>>
      tpu.enqueue_dma source(%arg13 : memref<64x128xf32, #tpu.memory_space<vmem>>) target(%dma_start3A_1798 : memref<64x128xf32, #tpu.memory_space<hbm>>) target_semaphore(%arg29 : memref<!tpu.dma_semaphore, #tpu.memory_space<semaphore_mem>>)
      %dma_start3A_1799 = arith.constant 0 : i32
      %dma_start3A_1800 = arith.constant 0 : i32
      %dma_start3A_1801 = tpu.memref_slice %arg7[%add3A_1778, %dma_start3A_1799, %dma_start3A_1800] : memref<4096x64x128xf32, #tpu.memory_space<hbm>> -> memref<1x64x128xf32, #tpu.memory_space<hbm>>
      %dma_start3A_1802 = tpu.memref_squeeze %dma_start3A_1801 : memref<1x64x128xf32, #tpu.memory_space<hbm>> -> memref<64x128xf32, #tpu.memory_space<hbm>>
      %dma_start3A_1803 = arith.constant 0 : i32
      %dma_start3A_1804 = arith.constant 0 : i32
      %dma_start3A_1805 = tpu.memref_slice %arg7[%add3A_1778, %dma_start3A_1803, %dma_start3A_1804] : memref<4096x64x128xf32, #tpu.memory_space<hbm>> -> memref<1x64x128xf32, #tpu.memory_space<hbm>>
      %dma_start3A_1806 = tpu.memref_squeeze %dma_start3A_1805 : memref<1x64x128xf32, #tpu.memory_space<hbm>> -> memref<64x128xf32, #tpu.memory_space<hbm>>
      tpu.enqueue_dma source(%arg17 : memref<64x128xf32, #tpu.memory_space<vmem>>) target(%dma_start3A_1806 : memref<64x128xf32, #tpu.memory_space<hbm>>) target_semaphore(%arg33 : memref<!tpu.dma_semaphore, #tpu.memory_space<semaphore_mem>>)
      %add3A_1807 = arith.addi %mul3A_2, %mul3A_10 : i32
      %add3A_1808 = arith.constant 12 : i32
      %add3A_1809 = arith.addi %add3A_1807, %add3A_1808 : i32
      %dma_wait3A_1810 = arith.constant 0 : i32
      %dma_wait3A_1811 = arith.constant 0 : i32
      %dma_wait3A_1812 = tpu.memref_slice %arg6[%add3A_1809, %dma_wait3A_1810, %dma_wait3A_1811] : memref<4096x64x128xf32, #tpu.memory_space<hbm>> -> memref<1x64x128xf32, #tpu.memory_space<hbm>>
      %dma_wait3A_1813 = tpu.memref_squeeze %dma_wait3A_1812 : memref<1x64x128xf32, #tpu.memory_space<hbm>> -> memref<64x128xf32, #tpu.memory_space<hbm>>
      %dma_wait3A_1814 = arith.constant 0 : i32
      %dma_wait3A_1815 = arith.constant 0 : i32
      %dma_wait3A_1816 = tpu.memref_slice %arg6[%add3A_1809, %dma_wait3A_1814, %dma_wait3A_1815] : memref<4096x64x128xf32, #tpu.memory_space<hbm>> -> memref<1x64x128xf32, #tpu.memory_space<hbm>>
      %dma_wait3A_1817 = tpu.memref_squeeze %dma_wait3A_1816 : memref<1x64x128xf32, #tpu.memory_space<hbm>> -> memref<64x128xf32, #tpu.memory_space<hbm>>
      tpu.wait_dma2 semaphore(%arg26 : memref<!tpu.dma_semaphore, #tpu.memory_space<semaphore_mem>>) src(%arg10 : memref<64x128xf32, #tpu.memory_space<vmem>>) dst(%dma_wait3A_1817 : memref<64x128xf32, #tpu.memory_space<hbm>>)
      %dma_wait3A_1818 = arith.constant 0 : i32
      %dma_wait3A_1819 = arith.constant 0 : i32
      %dma_wait3A_1820 = tpu.memref_slice %arg7[%add3A_1809, %dma_wait3A_1818, %dma_wait3A_1819] : memref<4096x64x128xf32, #tpu.memory_space<hbm>> -> memref<1x64x128xf32, #tpu.memory_space<hbm>>
      %dma_wait3A_1821 = tpu.memref_squeeze %dma_wait3A_1820 : memref<1x64x128xf32, #tpu.memory_space<hbm>> -> memref<64x128xf32, #tpu.memory_space<hbm>>
      %dma_wait3A_1822 = arith.constant 0 : i32
      %dma_wait3A_1823 = arith.constant 0 : i32
      %dma_wait3A_1824 = tpu.memref_slice %arg7[%add3A_1809, %dma_wait3A_1822, %dma_wait3A_1823] : memref<4096x64x128xf32, #tpu.memory_space<hbm>> -> memref<1x64x128xf32, #tpu.memory_space<hbm>>
      %dma_wait3A_1825 = tpu.memref_squeeze %dma_wait3A_1824 : memref<1x64x128xf32, #tpu.memory_space<hbm>> -> memref<64x128xf32, #tpu.memory_space<hbm>>
      tpu.wait_dma2 semaphore(%arg30 : memref<!tpu.dma_semaphore, #tpu.memory_space<semaphore_mem>>) src(%arg14 : memref<64x128xf32, #tpu.memory_space<vmem>>) dst(%dma_wait3A_1825 : memref<64x128xf32, #tpu.memory_space<hbm>>)
      %add3A_1826 = arith.addi %mul3A_2, %mul3A_10 : i32
      %add3A_1827 = arith.constant 13 : i32
      %add3A_1828 = arith.addi %add3A_1826, %add3A_1827 : i32
      %dma_wait3A_1829 = arith.constant 0 : i32
      %dma_wait3A_1830 = arith.constant 0 : i32
      %dma_wait3A_1831 = tpu.memref_slice %arg6[%add3A_1828, %dma_wait3A_1829, %dma_wait3A_1830] : memref<4096x64x128xf32, #tpu.memory_space<hbm>> -> memref<1x64x128xf32, #tpu.memory_space<hbm>>
      %dma_wait3A_1832 = tpu.memref_squeeze %dma_wait3A_1831 : memref<1x64x128xf32, #tpu.memory_space<hbm>> -> memref<64x128xf32, #tpu.memory_space<hbm>>
      %dma_wait3A_1833 = arith.constant 0 : i32
      %dma_wait3A_1834 = arith.constant 0 : i32
      %dma_wait3A_1835 = tpu.memref_slice %arg6[%add3A_1828, %dma_wait3A_1833, %dma_wait3A_1834] : memref<4096x64x128xf32, #tpu.memory_space<hbm>> -> memref<1x64x128xf32, #tpu.memory_space<hbm>>
      %dma_wait3A_1836 = tpu.memref_squeeze %dma_wait3A_1835 : memref<1x64x128xf32, #tpu.memory_space<hbm>> -> memref<64x128xf32, #tpu.memory_space<hbm>>
      tpu.wait_dma2 semaphore(%arg27 : memref<!tpu.dma_semaphore, #tpu.memory_space<semaphore_mem>>) src(%arg11 : memref<64x128xf32, #tpu.memory_space<vmem>>) dst(%dma_wait3A_1836 : memref<64x128xf32, #tpu.memory_space<hbm>>)
      %dma_wait3A_1837 = arith.constant 0 : i32
      %dma_wait3A_1838 = arith.constant 0 : i32
      %dma_wait3A_1839 = tpu.memref_slice %arg7[%add3A_1828, %dma_wait3A_1837, %dma_wait3A_1838] : memref<4096x64x128xf32, #tpu.memory_space<hbm>> -> memref<1x64x128xf32, #tpu.memory_space<hbm>>
      %dma_wait3A_1840 = tpu.memref_squeeze %dma_wait3A_1839 : memref<1x64x128xf32, #tpu.memory_space<hbm>> -> memref<64x128xf32, #tpu.memory_space<hbm>>
      %dma_wait3A_1841 = arith.constant 0 : i32
      %dma_wait3A_1842 = arith.constant 0 : i32
      %dma_wait3A_1843 = tpu.memref_slice %arg7[%add3A_1828, %dma_wait3A_1841, %dma_wait3A_1842] : memref<4096x64x128xf32, #tpu.memory_space<hbm>> -> memref<1x64x128xf32, #tpu.memory_space<hbm>>
      %dma_wait3A_1844 = tpu.memref_squeeze %dma_wait3A_1843 : memref<1x64x128xf32, #tpu.memory_space<hbm>> -> memref<64x128xf32, #tpu.memory_space<hbm>>
      tpu.wait_dma2 semaphore(%arg31 : memref<!tpu.dma_semaphore, #tpu.memory_space<semaphore_mem>>) src(%arg15 : memref<64x128xf32, #tpu.memory_space<vmem>>) dst(%dma_wait3A_1844 : memref<64x128xf32, #tpu.memory_space<hbm>>)
      %add3A_1845 = arith.addi %mul3A_2, %mul3A_10 : i32
      %add3A_1846 = arith.constant 14 : i32
      %add3A_1847 = arith.addi %add3A_1845, %add3A_1846 : i32
      %dma_wait3A_1848 = arith.constant 0 : i32
      %dma_wait3A_1849 = arith.constant 0 : i32
      %dma_wait3A_1850 = tpu.memref_slice %arg6[%add3A_1847, %dma_wait3A_1848, %dma_wait3A_1849] : memref<4096x64x128xf32, #tpu.memory_space<hbm>> -> memref<1x64x128xf32, #tpu.memory_space<hbm>>
      %dma_wait3A_1851 = tpu.memref_squeeze %dma_wait3A_1850 : memref<1x64x128xf32, #tpu.memory_space<hbm>> -> memref<64x128xf32, #tpu.memory_space<hbm>>
      %dma_wait3A_1852 = arith.constant 0 : i32
      %dma_wait3A_1853 = arith.constant 0 : i32
      %dma_wait3A_1854 = tpu.memref_slice %arg6[%add3A_1847, %dma_wait3A_1852, %dma_wait3A_1853] : memref<4096x64x128xf32, #tpu.memory_space<hbm>> -> memref<1x64x128xf32, #tpu.memory_space<hbm>>
      %dma_wait3A_1855 = tpu.memref_squeeze %dma_wait3A_1854 : memref<1x64x128xf32, #tpu.memory_space<hbm>> -> memref<64x128xf32, #tpu.memory_space<hbm>>
      tpu.wait_dma2 semaphore(%arg28 : memref<!tpu.dma_semaphore, #tpu.memory_space<semaphore_mem>>) src(%arg12 : memref<64x128xf32, #tpu.memory_space<vmem>>) dst(%dma_wait3A_1855 : memref<64x128xf32, #tpu.memory_space<hbm>>)
      %dma_wait3A_1856 = arith.constant 0 : i32
      %dma_wait3A_1857 = arith.constant 0 : i32
      %dma_wait3A_1858 = tpu.memref_slice %arg7[%add3A_1847, %dma_wait3A_1856, %dma_wait3A_1857] : memref<4096x64x128xf32, #tpu.memory_space<hbm>> -> memref<1x64x128xf32, #tpu.memory_space<hbm>>
      %dma_wait3A_1859 = tpu.memref_squeeze %dma_wait3A_1858 : memref<1x64x128xf32, #tpu.memory_space<hbm>> -> memref<64x128xf32, #tpu.memory_space<hbm>>
      %dma_wait3A_1860 = arith.constant 0 : i32
      %dma_wait3A_1861 = arith.constant 0 : i32
      %dma_wait3A_1862 = tpu.memref_slice %arg7[%add3A_1847, %dma_wait3A_1860, %dma_wait3A_1861] : memref<4096x64x128xf32, #tpu.memory_space<hbm>> -> memref<1x64x128xf32, #tpu.memory_space<hbm>>
      %dma_wait3A_1863 = tpu.memref_squeeze %dma_wait3A_1862 : memref<1x64x128xf32, #tpu.memory_space<hbm>> -> memref<64x128xf32, #tpu.memory_space<hbm>>
      tpu.wait_dma2 semaphore(%arg32 : memref<!tpu.dma_semaphore, #tpu.memory_space<semaphore_mem>>) src(%arg16 : memref<64x128xf32, #tpu.memory_space<vmem>>) dst(%dma_wait3A_1863 : memref<64x128xf32, #tpu.memory_space<hbm>>)
      %add3A_1864 = arith.addi %mul3A_2, %mul3A_10 : i32
      %add3A_1865 = arith.constant 15 : i32
      %add3A_1866 = arith.addi %add3A_1864, %add3A_1865 : i32
      %dma_wait3A_1867 = arith.constant 0 : i32
      %dma_wait3A_1868 = arith.constant 0 : i32
      %dma_wait3A_1869 = tpu.memref_slice %arg6[%add3A_1866, %dma_wait3A_1867, %dma_wait3A_1868] : memref<4096x64x128xf32, #tpu.memory_space<hbm>> -> memref<1x64x128xf32, #tpu.memory_space<hbm>>
      %dma_wait3A_1870 = tpu.memref_squeeze %dma_wait3A_1869 : memref<1x64x128xf32, #tpu.memory_space<hbm>> -> memref<64x128xf32, #tpu.memory_space<hbm>>
      %dma_wait3A_1871 = arith.constant 0 : i32
      %dma_wait3A_1872 = arith.constant 0 : i32
      %dma_wait3A_1873 = tpu.memref_slice %arg6[%add3A_1866, %dma_wait3A_1871, %dma_wait3A_1872] : memref<4096x64x128xf32, #tpu.memory_space<hbm>> -> memref<1x64x128xf32, #tpu.memory_space<hbm>>
      %dma_wait3A_1874 = tpu.memref_squeeze %dma_wait3A_1873 : memref<1x64x128xf32, #tpu.memory_space<hbm>> -> memref<64x128xf32, #tpu.memory_space<hbm>>
      tpu.wait_dma2 semaphore(%arg29 : memref<!tpu.dma_semaphore, #tpu.memory_space<semaphore_mem>>) src(%arg13 : memref<64x128xf32, #tpu.memory_space<vmem>>) dst(%dma_wait3A_1874 : memref<64x128xf32, #tpu.memory_space<hbm>>)
      %dma_wait3A_1875 = arith.constant 0 : i32
      %dma_wait3A_1876 = arith.constant 0 : i32
      %dma_wait3A_1877 = tpu.memref_slice %arg7[%add3A_1866, %dma_wait3A_1875, %dma_wait3A_1876] : memref<4096x64x128xf32, #tpu.memory_space<hbm>> -> memref<1x64x128xf32, #tpu.memory_space<hbm>>
      %dma_wait3A_1878 = tpu.memref_squeeze %dma_wait3A_1877 : memref<1x64x128xf32, #tpu.memory_space<hbm>> -> memref<64x128xf32, #tpu.memory_space<hbm>>
      %dma_wait3A_1879 = arith.constant 0 : i32
      %dma_wait3A_1880 = arith.constant 0 : i32
      %dma_wait3A_1881 = tpu.memref_slice %arg7[%add3A_1866, %dma_wait3A_1879, %dma_wait3A_1880] : memref<4096x64x128xf32, #tpu.memory_space<hbm>> -> memref<1x64x128xf32, #tpu.memory_space<hbm>>
      %dma_wait3A_1882 = tpu.memref_squeeze %dma_wait3A_1881 : memref<1x64x128xf32, #tpu.memory_space<hbm>> -> memref<64x128xf32, #tpu.memory_space<hbm>>
      tpu.wait_dma2 semaphore(%arg33 : memref<!tpu.dma_semaphore, #tpu.memory_space<semaphore_mem>>) src(%arg17 : memref<64x128xf32, #tpu.memory_space<vmem>>) dst(%dma_wait3A_1882 : memref<64x128xf32, #tpu.memory_space<hbm>>)
    }
    %scan3A_7 = arith.constant 8 : i32
    return
  }
}

module attributes {stable_mosaic.version = 14 : i64} {
  func.func @_ex_body(%arg0: i32, %arg1: memref<256x1xi32, #tpu.memory_space<vmem>>, %arg2: memref<256x64x128xf32, #tpu.memory_space<vmem>>, %arg3: memref<256x64xf32, #tpu.memory_space<vmem>>) attributes {dimension_semantics = [#tpu.dimension_semantics<arbitrary>], iteration_bounds = array<i64: 16>, scalar_prefetch = 0 : i64, scratch_operands = 0 : i64, tpu.core_type = #tpu.core_type<tc>, window_params = [{transform_indices = @transform_0, window_bounds = array<i64: 256, 1>}, {transform_indices = @transform_1, window_bounds = array<i64: 256, 64, 128>}, {transform_indices = @transform_2, window_bounds = array<i64: 256, 64>}]} {
    %get3A = arith.constant 0 : index
    %get3A_0 = arith.constant 0 : index
    %get3A_1 = vector.load %arg1[%get3A, %get3A_0] : memref<256x1xi32, #tpu.memory_space<vmem>>, vector<256x1xi32>
    %iota3A = tpu.iota {dimensions = array<i32: 2>} : vector<256x1x128xi32>
    %broadcast_in_dim3A = vector.shape_cast %get3A_1 : vector<256x1xi32> to vector<256x1x1xi32>
    %eq3A = vector.broadcast %broadcast_in_dim3A : vector<256x1x1xi32> to vector<256x1x128xi32>
    %eq3A_2 = arith.cmpi eq, %iota3A, %eq3A : vector<256x1x128xi32>
    %convert_element_type3A = arith.extui %eq3A_2 : vector<256x1x128xi1> to vector<256x1x128xi32>
    %convert_element_type3A_3 = arith.sitofp %convert_element_type3A : vector<256x1x128xi32> to vector<256x1x128xf32>
    %get3A_4 = arith.constant 0 : index
    %get3A_5 = arith.constant 0 : index
    %get3A_6 = arith.constant 0 : index
    %get3A_7 = vector.load %arg2[%get3A_4, %get3A_5, %get3A_6] : memref<256x64x128xf32, #tpu.memory_space<vmem>>, vector<256x64x128xf32>
    %mul3A = vector.broadcast %convert_element_type3A_3 : vector<256x1x128xf32> to vector<256x64x128xf32>
    %mul3A_8 = arith.mulf %get3A_7, %mul3A : vector<256x64x128xf32>
    %reduce_sum3A = arith.constant dense<0.000000e+00> : vector<256x64xf32>
    %reduce_sum3A_9 = vector.multi_reduction <add>, %mul3A_8, %reduce_sum3A [2] : vector<256x64x128xf32> to vector<256x64xf32>
    %swap3A = arith.constant 0 : index
    %swap3A_10 = arith.constant 0 : index
    %swap3A_11 = vector.load %arg3[%swap3A, %swap3A_10] : memref<256x64xf32, #tpu.memory_space<vmem>>, vector<256x64xf32>
    tpu.vector_store %arg3[%swap3A, %swap3A_10], %reduce_sum3A_9 {strides = array<i32>} : memref<256x64xf32, #tpu.memory_space<vmem>>, vector<256x64xf32>,
    return
  }
  func.func @transform_0(%arg0: i32) -> (i32, i32) {
    %c0_i32 = arith.constant 0 : i32
    %c0_i32_0 = arith.constant 0 : i32
    return %arg0, %c0_i32 : i32, i32
  }
  func.func @transform_1(%arg0: i32) -> (i32, i32, i32) {
    %c0_i32 = arith.constant 0 : i32
    %c0_i32_0 = arith.constant 0 : i32
    %c0_i32_1 = arith.constant 0 : i32
    return %arg0, %c0_i32, %c0_i32_0 : i32, i32, i32
  }
  func.func @transform_2(%arg0: i32) -> (i32, i32) {
    %c0_i32 = arith.constant 0 : i32
    %c0_i32_0 = arith.constant 0 : i32
    return %arg0, %c0_i32 : i32, i32
  }
}

module attributes {stable_mosaic.version = 14 : i64} {
  func.func @_mm_body(%arg0: i32, %arg1: memref<512x64xf32, #tpu.memory_space<vmem>>, %arg2: memref<4096x64xf32, #tpu.memory_space<vmem>>, %arg3: memref<512x4096xf32, #tpu.memory_space<vmem>>) attributes {dimension_semantics = [#tpu.dimension_semantics<arbitrary>], iteration_bounds = array<i64: 8>, scalar_prefetch = 0 : i64, scratch_operands = 0 : i64, tpu.core_type = #tpu.core_type<tc>, window_params = [{transform_indices = @transform_0, window_bounds = array<i64: 512, 64>}, {pipeline_mode = #tpu.pipeline_mode<synchronous>, transform_indices = @transform_1, window_bounds = array<i64: 4096, 64>}, {transform_indices = @transform_2, window_bounds = array<i64: 512, 4096>}]} {
    %get3A = arith.constant 0 : index
    %get3A_0 = arith.constant 0 : index
    %get3A_1 = vector.load %arg1[%get3A, %get3A_0] : memref<512x64xf32, #tpu.memory_space<vmem>>, vector<512x64xf32>
    %convert_element_type3A = arith.truncf %get3A_1 : vector<512x64xf32> to vector<512x64xbf16>
    %get3A_2 = arith.constant 0 : index
    %get3A_3 = arith.constant 0 : index
    %get3A_4 = vector.load %arg2[%get3A_2, %get3A_3] : memref<4096x64xf32, #tpu.memory_space<vmem>>, vector<4096x64xf32>
    %convert_element_type3A_5 = arith.truncf %get3A_4 : vector<4096x64xf32> to vector<4096x64xbf16>
    %dot_general3A = arith.constant dense<0.000000e+00> : vector<512x4096xf32>
    %dot_general3A_6 = tpu.matmul %convert_element_type3A, %convert_element_type3A_5, %dot_general3A {dimension_numbers = #tpu.dot_dimension_numbers<[1], [1], [0], [0], [0, 0, 1, 0], [], []>, transpose_lhs_hint = false} : vector<512x64xbf16>, vector<4096x64xbf16>, vector<512x4096xf32> -> vector<512x4096xf32>
    %swap3A = arith.constant 0 : index
    %swap3A_7 = arith.constant 0 : index
    %swap3A_8 = vector.load %arg3[%swap3A, %swap3A_7] : memref<512x4096xf32, #tpu.memory_space<vmem>>, vector<512x4096xf32>
    tpu.vector_store %arg3[%swap3A, %swap3A_7], %dot_general3A_6 {strides = array<i32>} : memref<512x4096xf32, #tpu.memory_space<vmem>>, vector<512x4096xf32>,
    return
  }
  func.func @transform_0(%arg0: i32) -> (i32, i32) {
    %c0_i32 = arith.constant 0 : i32
    %c0_i32_0 = arith.constant 0 : i32
    return %arg0, %c0_i32 : i32, i32
  }
  func.func @transform_1(%arg0: i32) -> (i32, i32) {
    %c0_i32 = arith.constant 0 : i32
    %c0_i32_0 = arith.constant 0 : i32
    %c0_i32_1 = arith.constant 0 : i32
    return %c0_i32, %c0_i32_0 : i32, i32
  }
  func.func @transform_2(%arg0: i32) -> (i32, i32) {
    %c0_i32 = arith.constant 0 : i32
    %c0_i32_0 = arith.constant 0 : i32
    return %arg0, %c0_i32 : i32, i32
  }
}

</mosaic_0001>

<sc_bundles>
// kernel: kernel.6.cloned.1.call-start
scs
__scs_entry_jumppad:
0x0: {  	(pc) =	sbr.rel $0x88, $3  }
0x1: {  	(tag) =	ssettag $0x0;
	lr =	simm.s32 $0x1  }
0x2: {  	[smem:$0x3F9D] =	sst lr;
	_ =	strace $0xD0000000  }
0x3: {  	_ = 	snop  }
0x4: {  	_ = 	snop  }
0x5: {  	_ = 	snop  }
0x6: {  	_ = 	snop  }
0x7: {  	_ = 	snop  }
__scs_overlays_trampoline_lowered:
0x8: {  	[smem:$0x3FAC] =	sst s0  }
0x9: {  	[smem:$0x3FAD] =	sst s1  }
0xa: {  	[smem:$0x3FAE] =	sst s2  }
0xb: {  	[smem:$0x3FAF] =	sst s3  }
0xc: {  	[smem:$0x3FB0] =	sst s4  }
0xd: {  	[smem:$0x3FB1] =	sst s5  }
0xe: {  	[smem:$0x3FB2] =	sst s6  }
0xf: {  	[smem:$0x3FB3] =	sst s7  }
0x10: {  	[smem:$0x3FB4] =	sst s8  }
0x11: {  	[smem:$0x3FB5] =	sst s9;
	s0 =	simm.s32 @!p0 $0x0  }
0x12: {  	s1 =	sld [smem:$0x3F9B];
	s0 =	simm.s32 @p0 $0x1  }
0x13: {  	[smem:$0x3FB6] =	sst s0;
	s0 =	simm.s32 @!p1 $0x0  }
0x14: {  	s2 =	sld [smem:$0x3F9A];
	s0 =	simm.s32 @p1 $0x1  }
0x15: {  	[smem:$0x3FB7] =	sst s0;
	s0 =	simm.s32 @!p2 $0x0  }
0x16: {  	s3 =	sld [smem:$0x3FDB];
	s0 =	simm.s32 @p2 $0x1  }
0x17: {  	s4 =	simm.s32 $0x1BF5;
	[smem:$0x3FB9] =	sst s0  }
0x18: {  	s0 =	sld [smem:$0x3F9C];
	_ =	swait.ge [sflag:s4], $0x0  }
0x19: {  	s7 =	sld [smem:$0x3F9D]  }
0x1a: {  	s8 =	sadd.s32 $0xFFFFE003, lr  }
0x1b: {  	s9 =	sadd.s32 $0xFFFFFEF7, lr;
	s5 =	simm.s32 $0xFFFFFFFF;
	p2 =	slt.u32 s8, $0xFFFFF086  }
0x1c: {  	p1 =	slt.u32 s9, $0xF7A;
	s5 =	simm.s32 @!p2 $0x0  }
0x1d: {  	s5 =	simm.s32 @p1 $0x1;
	p0 =	seq.s32 s7, s2  }
0x1e: {  	s7 =	smul.u32 @!p0 $0xF7A, s2;
	p2 =	seq.s32 @!p0 s5, $0x0  }
0x1f: {  	s9 =	smul.u32 $0xF7A, s1;
	s8 =	simm.s32 @!p0 $0x1BF5;
	p2 =	por !p2, p0  }
0x20: {  	[sflag:s8] =	ssyncset.s32 @!p0 $0xFFFFF086;
	s6 =	sadd.s32 @!p0 s3, s7;
	s7 =	simm.s32 @!p0 $0x108  }
0x21: {  	s3 =	sadd.s32 s3, s9;
	s6 =	sadd.s32 @!p0 $0x88, s6;
	s7 =	simm.s32 @p2 $0x1082  }
0x22: {  	[simem:s7], [sflag:s8] =	dma.local @!p0 [hbm:s6], $0xF7A  }
0x23: {  	s9 =	sor.u32 $0xD0000000, s2;
	s6 =	simm.s32 $0x108;
	_ =	swait.ge @!p0 [sflag:s8], $0x0  }
0x24: {  	s3 =	sadd.s32 $0x88, s3;
	s6 =	simm.s32 @!p1 $0x1082;
	[sflag:s4] =	ssyncset.s32 $0xFFFFF086  }
0x25: {  	[simem:s6], [sflag:s4] =	dma.local [hbm:s3], $0xF7A  }
0x26: {  	[smem:$0x3F9D] =	sst s1;
	(tag) =	ssettag s2;
	_ =	strace s9  }
0x27: {  	s1 =	sld [smem:$0x3FAD]  }
0x28: {  	s2 =	sld [smem:$0x3FAE]  }
0x29: {  	s4 =	sld [smem:$0x3FB0]  }
0x2a: {  	p0 =	seq.s32 s5, $0x0;
	s5 =	sld [smem:$0x3FB1]  }
0x2b: {  	s6 =	sld [smem:$0x3FB2]  }
0x2c: {  	s7 =	sld [smem:$0x3FB3]  }
0x2d: {  	s3 =	simm.s32 $0x108;
	s8 =	sld [smem:$0x3FB4]  }
0x2e: {  	s3 =	simm.s32 @!p0 $0x1082;
	s9 =	sld [smem:$0x3FB5]  }
0x2f: {  	lr =	sadd.s32 s0, s3;
	s0 =	sld [smem:$0x3FAC]  }
0x30: {  	s3 =	sld [smem:$0x3FAF]  }
0x31: {  	[smem:$0x3FB8] =	sst s10  }
0x32: {  	s10 =	sld [smem:$0x3FB6];
	_ =	sdelay $0x3  }
0x33: {  	p0 =	seq.s32 s10, $0x1;
	s10 =	sld [smem:$0x3FB8];
	_ =	sdelay $0x3  }
0x34: {  	[smem:$0x3FB8] =	sst s10  }
0x35: {  	s10 =	sld [smem:$0x3FB7];
	_ =	sdelay $0x3  }
0x36: {  	p1 =	seq.s32 s10, $0x1;
	s10 =	sld [smem:$0x3FB8];
	_ =	sdelay $0x3  }
0x37: {  	[smem:$0x3FB8] =	sst s10  }
0x38: {  	s10 =	sld [smem:$0x3FB9]  }
0x39: {  	_ = 	snop;
	(pc) =	sbr.ind lr, $3  }
0x3a: {  	_ = 	snop  }
0x3b: {  	_ = 	snop  }
0x3c: {  	p2 =	seq.s32 s10, $0x1;
	s10 =	sld [smem:$0x3FB8]  }
0x3d: {  	_ =	shalt  }
0x3e: {  	_ =	shalt  }
0x3f: {  	_ =	shalt  }
0x40: {  	_ =	shalt  }
0x41: {  	_ =	shalt  }
0x42: {  	_ =	shalt  }
0x43: {  	_ =	shalt  }
0x44: {  	_ =	shalt  }
0x45: {  	_ =	shalt  }
0x46: {  	_ =	shalt  }
0x47: {  	_ =	shalt  }
0x48: {  	_ =	shalt  }
0x49: {  	_ =	shalt  }
0x4a: {  	_ =	shalt  }
0x4b: {  	_ =	shalt  }
0x4c: {  	_ =	shalt  }
0x4d: {  	_ =	shalt  }
0x4e: {  	_ =	shalt  }
0x4f: {  	_ =	shalt  }
0x50: {  	_ =	shalt  }
0x51: {  	_ =	shalt  }
0x52: {  	_ =	shalt  }
0x53: {  	_ =	shalt  }
0x54: {  	_ =	shalt  }
0x55: {  	_ =	shalt  }
0x56: {  	_ =	shalt  }
0x57: {  	_ =	shalt  }
0x58: {  	_ =	shalt  }
0x59: {  	_ =	shalt  }
0x5a: {  	_ =	shalt  }
0x5b: {  	_ =	shalt  }
0x5c: {  	_ =	shalt  }
0x5d: {  	_ =	shalt  }
0x5e: {  	_ =	shalt  }
0x5f: {  	_ =	shalt  }
0x60: {  	_ =	shalt  }
0x61: {  	_ =	shalt  }
0x62: {  	_ =	shalt  }
0x63: {  	_ =	shalt  }
0x64: {  	_ =	shalt  }
0x65: {  	_ =	shalt  }
0x66: {  	_ =	shalt  }
0x67: {  	_ =	shalt  }
0x68: {  	_ =	shalt  }
0x69: {  	_ =	shalt  }
0x6a: {  	_ =	shalt  }
0x6b: {  	_ =	shalt  }
0x6c: {  	_ =	shalt  }
0x6d: {  	_ =	shalt  }
0x6e: {  	_ =	shalt  }
0x6f: {  	_ =	shalt  }
0x70: {  	_ =	shalt  }
0x71: {  	_ =	shalt  }
0x72: {  	_ =	shalt  }
0x73: {  	_ =	shalt  }
0x74: {  	_ =	shalt  }
0x75: {  	_ =	shalt  }
0x76: {  	_ =	shalt  }
0x77: {  	_ =	shalt  }
0x78: {  	_ =	shalt  }
0x79: {  	_ =	shalt  }
0x7a: {  	_ =	shalt  }
0x7b: {  	_ =	shalt  }
0x7c: {  	_ =	shalt  }
0x7d: {  	_ =	shalt  }
0x7e: {  	_ =	shalt  }
0x7f: {  	_ =	shalt  }
0x80: {  	_ =	shalt  }
0x81: {  	_ =	shalt  }
0x82: {  	_ =	shalt  }
0x83: {  	_ =	shalt  }
0x84: {  	_ =	shalt  }
0x85: {  	_ =	shalt  }
0x86: {  	_ =	shalt  }
0x87: {  	_ =	shalt  }
.Lfunc_end0:
.L_simem_size_0:
called_computation_lowered:
.L_overlay_start_0:
0x88: {  	s2 =	sld [smem:$0x3FD9]  }
0x89: {  	s3 =	sld [smem:$0x3FFE];
	_ =	sdelay $0x1  }
0x8a: {  	s1 =	srdreg.scid  }
0x8b: {  	s0 =	sand.u32 $0x1, s1  }
0x8c: {  	s17 =	sshll.u32 s0, $0xA;
	s2 =	sadd.s32 s3, s2  }
0x8d: {  	s2 =	sadd.s32 s2, s17  }
0x8e: {  	[smem:$0x3FC4] =	sst s2  }
0x8f: {  	_ = 	snop  }
0x90: {  	s2 =	sld [smem:$0x3FC9]  }
0x91: {  	s18 =	sld [smem:$0x3FC8]  }
0x92: {  	s4 =	sld [smem:$0x3FC7]  }
0x93: {  	s5 =	sld [smem:$0x3FC6];
	(tm) =	ssettm $0x1  }
0x94: {  	s6 =	sld [smem:$0x3FFB];
	_ =	sdelay $0x3  }
0x95: {  	_ =	strace s6  }
0x96: {  	s6 =	sld [smem:$0x3FFC];
	_ =	sdelay $0x3  }
0x97: {  	_ =	strace s6  }
0x98: {  	s6 =	sld [smem:$0x3FFD];
	_ =	sdelay $0x3  }
0x99: {  	_ =	strace s6  }
0x9a: {  	_ =	strace $0x8FFFFFFF  }
0x9b: {  	s19 =	sld [smem:$0x3FDB];
	_ =	sdelay $0x1  }
0x9c: {  	s7 =	simm.s32 $_scs_section_size  }
0x9d: {  	s8 =	simm.s32 $_size__tile_overlayer_lowered;
	s9 =	simm.s32 $_tile_overlayer_lowered  }
0x9e: {  	s22 =	simm.s32 $0x1BFF;
	s21 =	sshll.u32 s9, $0x1;
	s6 =	sadd.s32 s7, s19  }
0x9f: {  	s10 =	simm.s32 $0x0;
	s20 =	sshll.u32 s8, $0x1;
	s8 =	sadd.s32 s21, s6  }
0xa0: {  	[timem:s10], [sflag:s22] =	dma.local [hbm:s8], s20  }
0xa1: {  	_ =	swait.ge [sflag:s22], s20  }
0xa2: {  	s7 =	ssub.s32 $0x0, s20;
	[sflag:s22] =	ssyncset.done $0x0  }
0xa3: {  	[sflag:s22] =	ssyncadd.s32 s7;
	_ =	sdelay $0x1  }
0xa4: {  	s23 =	simm.s32 $0x1B8B  }
0xa5: {  	_ =	swait.ge [sflag:s23], $0x1  }
0xa6: {  	[sflag:s23] =	ssyncset.done $0x0  }
0xa7: {  	s25 =	simm.s32 $0x1B8E;
	s24 =	sld [smem:$0x3FFE];
	[sflag:s23] =	ssyncadd.s32 $0xFFFFFFFF  }
0xa8: {  	s26 =	simm.s32 $execute0_lowered;
	[smem:$0x3FD2] =	sst s25  }
0xa9: {  	s8 =	sshll.u32 s26, $0x1;
	_ =	strace $0x80000046;
	[dreg:$0x1] =	wrdreg $0xFFFFFFFF  }
0xaa: {  	s28 =	simm.s32 $_size_execute0_lowered;
	s6 =	sadd.s32 s6, s8;
	[dreg:$0x0] =	wrdreg $0x0  }
0xab: {  	s8 =	sshll.u32 s28, $0x1;
	[dreg:$0x2] =	wrdreg s6  }
0xac: {  	[dreg:$0x3] =	wrdreg s8  }
0xad: {  	[dreg:$0x4] =	wrdreg $0xC0  }
0xae: {  	_ =	task [dreg:s10], $0x5FFFF  }
0xaf: {  	[dreg:$0x1] =	wrdreg $0xFFFFFFFF  }
0xb0: {  	[dreg:$0x0] =	wrdreg $0x60  }
0xb1: {  	[dreg:$0x2] =	wrdreg s2  }
0xb2: {  	[dreg:$0x3] =	wrdreg s18  }
0xb3: {  	[dreg:$0x4] =	wrdreg s4  }
0xb4: {  	[dreg:$0x5] =	wrdreg s5  }
0xb5: {  	[dreg:$0x6] =	wrdreg s24  }
0xb6: {  	[dreg:$0x7] =	wrdreg $0x9  }
0xb7: {  	_ =	task.clear_ibuf [dreg:s10], $0x8FFFF;
	_ =	strace $0x90000046  }
0xb8: {  	s29 =	simm.s32 $0x9;
	_ =	strace $0x80000048  }
0xb9: {  	_ =	swait.ge [sflag:s29], $0x1  }
0xba: {  	[sflag:s29] =	ssyncadd.s32 $0xFFFFFFFF  }
0xbb: {  	_ =	strace $0x90000048  }
0xbc: {  	_ =	sfence  }
0xbd: {  	s30 =	sld [smem:$0x0];
	_ =	sdelay $0x2  }
0xbe: {  	s31 =	sshll.u32 s1, $0xD;
	s1 =	sshrl.u32 s1, $0x2  }
0xbf: {  	s3 =	sand.u32 $0x4000, s31;
	s1 =	sadd.s32 s1, s30  }
0xc0: {  	s0 =	sor.u32 s3, s0;
	s1 =	sshll.u32 s1, $0x11  }
0xc1: {  	s0 =	sor.u32 s1, s0  }
0xc2: {  	s0 =	sadd.s32 $0x8F2B, s0  }
0xc3: {  	[sflag:s0] =	ssyncadd.remote.s32 $0x1  }
0xc4: {  	_ =	sfence.sel $0xFFFF  }
0xc5: {  	[dreg:$0x0] =	wrdreg $0xFFFFFFFF;
	(pc) =	sbr.abs _section_cstart, $3  }
0xc6: {  	[dreg:$0x1] =	wrdreg $0xFFFFFFFF  }
0xc7: {  	_ =	task.clear_ibuf [dreg:s10], $0x2FFFF;
	_ =	strace $0x9FFFFFFF  }
0xc8: {  	(tm) =	ssettm $0x7FFFFFFF  }
0xc9: {  	_ =	shalt  }
tec
execute0_lowered:
.L_overlay_start_1:
0x0: {  	(tag) =	ssettag $0x1  }
0x1: {  	s0 =	rddreg [dreg:$0x0]  }
0x2: {  	s3 =	rddreg [dreg:$0x1]  }
0x3: {  	s1 =	rddreg [dreg:$0x2]  }
0x4: {  	s2 =	rddreg [dreg:$0x3]  }
0x5: {  	s5 =	rddreg [dreg:$0x4];
	s4 =	simm.s32 $0x0;
	s8 =	stileid.u32  }
0x6: {  	s6 =	srdreg.scid;
	s10 =	simm.s32 $0x400;
	s11 =	simm.s32 $0x7A1400  }
0x7: {  	s28 =	simm.s32 $0x4;
	s29 =	simm.s32 $0x8;
	s30 =	simm.s32 $0xA  }
0x8: {  	s31 =	simm.s32 $0xE;
	[smem:$0x7FF] =	sst s4;
	s7 =	sshll.u32 s8, $0x12  }
0x9: {  	s6 =	sand.u32 $0x1, s6;
	s20 =	sshll.u32 s8, $0x8;
	s8 =	simm.s32 $0x0  }
0xa: {  	_ =	strace $0x80000047;
	s5 =	sadd.s32 s7, s5;
	s21 =	sshll.u32 s6, $0x7  }
0xb: {  	s9 =	ssub.s32 $0x2, s6;
	s6 =	sshll.u32 s6, $0x11;
	s7 =	sor.u32 s21, s20  }
0xc: {  	s22 =	sshrl.u32 s9, $0x1;
	s5 =	sadd.s32 s6, s5;
	s21 =	simm.s32 $0x100  }
0xd: {  	s6 =	simm.s32 $0x10;
	s7 =	sshrl.u32 s7, $0x3;
	s24 =	sadd.s32 $0xC00, s5  }
0xe: {  	s23 =	ssub.s32 s9, s22;
	s25 =	sadd.s32 $0x400C00, s5;
	[dreg:$0x6] =	wrdreg s24  }
0xf: {  	s22 =	simm.s32 $0x8100;
	s0 =	sadd.s32 s0, s7;
	[dreg:$0x7] =	wrdreg s25  }
0x10: {  	s5 =	simm.s32 $0xC;
	s3 =	sadd.s32 s3, s7;
	[dreg:$0x8] =	wrdreg s0  }
0x11: {  	s26 =	smax.u32 s23, $0x1;
	s24 =	simm.s32 $0x7;
	[dreg:$0x9] =	wrdreg s3  }
0x12: {  	s25 =	simm.s32 $0x9;
	s23 =	simm.s32 $0x6;
	[dreg:$0xa] =	wrdreg s26  }
0x13: {  	s26 =	simm.s32 $0xD;
	s0 =	simm.s32 $0xB;
	s3 =	simm.s32 $0xF  }
.LBB2_1:
0x14: {  	[dreg:$0xb] =	wrdreg s8  }
0x15: {  	s7 =	rddreg [dreg:$0x8];
	s12 =	simm.s32 $0x11  }
0x16: {  	[tilespmem:s4], [sflag:$0x11] =	stream.linear.gather [hbm4b:s7+s4], $0x80, $0x38;
	[tilespmem:$0x10100] =	vst v63  }
0x17: {  	_ =	swait.ge [sflag:s12], $0x80  }
0x18: {  	[sflag:s12] =	ssyncset.done $0x0  }
0x19: {  	s8 =	simm.s32 $0x80;
	s20 =	rddreg [dreg:$0x9];
	[sflag:s12] =	ssyncadd.s32 $0xFFFFFF80  }
0x1a: {  	[tilespmem:s8], [sflag:$0x11] =	stream.linear.gather [hbm4b:s20+s4], $0x80, $0x38;
	[tilespmem:$0x10100] =	vst v63  }
0x1b: {  	_ =	swait.ge [sflag:s12], $0x80  }
0x1c: {  	[sflag:s12] =	ssyncset.done $0x0  }
0x1d: {  	s7 =	simm.s32 $0x0;
	[sflag:s12] =	ssyncadd.s32 $0xFFFFFF80;
	s12 =	simm.s32 $0x0  }
.LBB2_2:
0x1e: {  	v1 =	vld [tilespmem:s8+$0x0];
	_ =	sdelay $0x1  }
0x1f: {  	v0 =	vld [tilespmem:s7+$0x0];
	_ =	sdelay $0x2  }
0x20: {  	(v2sf) =	vpush v1, $0x0;
	_ =	sdelay $0x1  }
0x21: {  	(v2sf) =	vpush v0, $0x0;
	_ =	sdelay $0xc  }
0x22: {  	s13 =	spop (v2sf)  }
0x23: {  	(v2sf) =	vpush v1, $0x1;
	s14 =	sshra.s32 s13, $0x1F  }
0x24: {  	s15 =	spop (v2sf);
	p0 =	slt.s32 s13, $0x1;
	s20 =	sand.u32 $0x7F, s13  }
0x25: {  	(v2sf) =	vpush v0, $0x1;
	s14 =	sshrl.u32 s14, $0x19;
	s17 =	sand.u32 $0x7F, s15;
	s18 =	sshra.s32 s15, $0x1F  }
0x26: {  	p1 =	slt.s32 s15, $0x1;
	p6 =	sne.s32 s20, $0x0;
	p2 =	sne.s32 s17, $0x0  }
0x27: {  	s18 =	sshrl.u32 s18, $0x19;
	s13 =	sadd.s32 s14, s13;
	p1 =	por !p1, !p2  }
0x28: {  	s15 =	sadd.s32 s18, s15;
	s18 =	simm.s32 $0x1;
	p1 =	por !p1, !p1  }
0x29: {  	p0 =	por !p0, !p6;
	s15 =	sshrl.u32 s15, $0x7;
	s18 =	simm.s32 @!p1 $0x0  }
0x2a: {  	p0 =	por !p0, !p0;
	s9 =	ssub.s32 s15, s18;
	s15 =	simm.s32 $0x1  }
0x2b: {  	s13 =	sshrl.u32 s13, $0x7;
	s14 =	sshll.u32 s9, $0x7;
	s15 =	simm.s32 @!p0 $0x0  }
0x2c: {  	s14 =	sand.u32 $0x1FFFFF80, s14;
	s13 =	ssub.s32 s13, s15  }
0x2d: {  	s14 =	sadd.s32 s1, s14;
	s13 =	sshll.u32 s13, $0x7  }
0x2e: {  	[tilespmem:s21], [sflag:$0x1] =	stream.strided.gather [hbm4b:s14+s10], $0x2000, s11, s10, $0x38;
	[tilespmem:$0x10100] =	vst v63  }
0x2f: {  	s13 =	sand.u32 $0x1FFFFF80, s13  }
0x30: {  	s13 =	sadd.s32 s2, s13  }
0x31: {  	[tilespmem:s22], [sflag:$0x5] =	stream.strided.gather [hbm4b:s13+s10], $0x2000, s11, s10, $0x38;
	[tilespmem:$0x10100] =	vst v63  }
0x32: {  	s13 =	spop (v2sf)  }
0x33: {  	s15 =	sshra.s32 s13, $0x1F  }
0x34: {  	s16 =	spop (v2sf);
	p3 =	slt.s32 s13, $0x1;
	s9 =	sand.u32 $0x7F, s13  }
0x35: {  	s14 =	sshrl.u32 s15, $0x19;
	s19 =	sand.u32 $0x7F, s16;
	s20 =	sshra.s32 s16, $0x1F  }
0x36: {  	p4 =	slt.s32 s16, $0x1;
	p6 =	sne.s32 s9, $0x0;
	p5 =	sne.s32 s19, $0x0  }
0x37: {  	s18 =	sshrl.u32 s20, $0x19;
	s13 =	sadd.s32 s14, s13;
	p1 =	por !p4, !p5  }
0x38: {  	s15 =	sadd.s32 s18, s16;
	s18 =	simm.s32 $0x1;
	p1 =	por !p1, !p1  }
0x39: {  	p0 =	por !p3, !p6;
	s15 =	sshrl.u32 s15, $0x7;
	s18 =	simm.s32 @!p1 $0x0  }
0x3a: {  	p0 =	por !p0, !p0;
	s16 =	ssub.s32 s15, s18;
	s15 =	simm.s32 $0x1  }
0x3b: {  	s13 =	sshrl.u32 s13, $0x7;
	s14 =	sshll.u32 s16, $0x7;
	s15 =	simm.s32 @!p0 $0x0  }
0x3c: {  	s14 =	sand.u32 $0x1FFFFF80, s14;
	s13 =	ssub.s32 s13, s15  }
0x3d: {  	s17 =	simm.s32 $0x2100;
	s14 =	sadd.s32 s1, s14;
	s13 =	sshll.u32 s13, $0x7  }
0x3e: {  	[tilespmem:s17], [sflag:$0x2] =	stream.strided.gather [hbm4b:s14+s10], $0x2000, s11, s10, $0x38;
	[tilespmem:$0x10100] =	vst v63  }
0x3f: {  	s13 =	sand.u32 $0x1FFFFF80, s13  }
0x40: {  	s18 =	simm.s32 $0x1;
	s16 =	simm.s32 $0xA100;
	s13 =	sadd.s32 s2, s13  }
0x41: {  	[tilespmem:s16], [sflag:$0x6] =	stream.strided.gather [hbm4b:s13+s10], $0x2000, s11, s10, $0x38;
	[tilespmem:$0x10100] =	vst v63  }
0x42: {  	_ =	swait.ge [sflag:s18], $0x2000  }
0x43: {  	[sflag:s18] =	ssyncset.done $0x0  }
0x44: {  	s19 =	simm.s32 $0x5;
	[sflag:s18] =	ssyncadd.s32 $0xFFFFE000  }
0x45: {  	_ =	swait.ge [sflag:s19], $0x2000  }
0x46: {  	(v2sf) =	vpush v1, $0x2;
	_ =	sdelay $0x1  }
0x47: {  	(v2sf) =	vpush v0, $0x2;
	_ =	sdelay $0x7  }
0x48: {  	s17 =	rddreg [dreg:$0x6];
	[sflag:s19] =	ssyncset.done $0x0  }
0x49: {  	s18 =	rddreg [dreg:$0x7];
	[sflag:s19] =	ssyncadd.s32 $0xFFFFE000;
	s13 =	sadd.s32 s12, s17  }
0x4a: {  	[hbm4b:s13+s4] =	stream.linear.scatter [tilespmem:s21], [sflag:$0x9], $0x2000, $0x38;
	[tilespmem:$0x10100] =	vst v63  }
0x4b: {  	s14 =	sadd.s32 s12, s18  }
0x4c: {  	[hbm4b:s14+s4] =	stream.linear.scatter [tilespmem:s22], [sflag:$0xD], $0x2000, $0x38;
	[tilespmem:$0x10100] =	vst v63  }
0x4d: {  	s15 =	spop (v2sf)  }
0x4e: {  	s17 =	sand.u32 $0x7F, s15  }
0x4f: {  	s18 =	spop (v2sf);
	s21 =	sshra.s32 s15, $0x1F;
	p6 =	slt.s32 s15, $0x1  }
0x50: {  	p3 =	sne.s32 s17, $0x0;
	s17 =	sand.u32 $0x7F, s18;
	p5 =	slt.s32 s18, $0x1  }
0x51: {  	s21 =	sshrl.u32 s21, $0x19;
	p4 =	sne.s32 s17, $0x0;
	s17 =	sshra.s32 s18, $0x1F  }
0x52: {  	s15 =	sadd.s32 s21, s15;
	s17 =	sshrl.u32 s17, $0x19;
	p1 =	por !p5, !p4  }
0x53: {  	s17 =	sadd.s32 s17, s18;
	p1 =	por !p1, !p1;
	s18 =	simm.s32 $0x1  }
0x54: {  	p0 =	por !p6, !p3;
	s17 =	sshrl.u32 s17, $0x7;
	s18 =	simm.s32 @!p1 $0x0  }
0x55: {  	p0 =	por !p0, !p0;
	s17 =	ssub.s32 s17, s18;
	s18 =	simm.s32 $0x1  }
0x56: {  	s15 =	sshrl.u32 s15, $0x7;
	s17 =	sshll.u32 s17, $0x7;
	s18 =	simm.s32 @!p0 $0x0  }
0x57: {  	s17 =	sand.u32 $0x1FFFFF80, s17;
	s15 =	ssub.s32 s15, s18  }
0x58: {  	s21 =	simm.s32 $0x4100;
	s17 =	sadd.s32 s1, s17;
	s15 =	sshll.u32 s15, $0x7  }
0x59: {  	[tilespmem:s21], [sflag:$0x3] =	stream.strided.gather [hbm4b:s17+s10], $0x2000, s11, s10, $0x38;
	[tilespmem:$0x10100] =	vst v63  }
0x5a: {  	s15 =	sand.u32 $0x1FFFFF80, s15  }
0x5b: {  	s20 =	simm.s32 $0x2;
	s21 =	simm.s32 $0xC100;
	s15 =	sadd.s32 s2, s15  }
0x5c: {  	[tilespmem:s21], [sflag:$0x7] =	stream.strided.gather [hbm4b:s15+s10], $0x2000, s11, s10, $0x38;
	[tilespmem:$0x10100] =	vst v63  }
0x5d: {  	_ =	swait.ge [sflag:s20], $0x2000  }
0x5e: {  	[sflag:s20] =	ssyncset.done $0x0  }
0x5f: {  	[sflag:s20] =	ssyncadd.s32 $0xFFFFE000  }
0x60: {  	_ =	swait.ge [sflag:s23], $0x2000  }
0x61: {  	(v2sf) =	vpush v1, $0x3;
	_ =	sdelay $0x1  }
0x62: {  	(v2sf) =	vpush v0, $0x3;
	_ =	sdelay $0x7  }
0x63: {  	[sflag:s23] =	ssyncset.done $0x0  }
0x64: {  	s9 =	simm.s32 $0x2100;
	s17 =	sadd.s32 $0x400, s13;
	[sflag:s23] =	ssyncadd.s32 $0xFFFFE000  }
0x65: {  	[hbm4b:s17+s4] =	stream.linear.scatter [tilespmem:s9], [sflag:$0xA], $0x2000, $0x38;
	[tilespmem:$0x10100] =	vst v63  }
0x66: {  	s16 =	simm.s32 $0xA100;
	s18 =	sadd.s32 $0x400, s14  }
0x67: {  	[hbm4b:s18+s4] =	stream.linear.scatter [tilespmem:s16], [sflag:$0xE], $0x2000, $0x38;
	[tilespmem:$0x10100] =	vst v63  }
0x68: {  	s15 =	spop (v2sf)  }
0x69: {  	s17 =	sand.u32 $0x7F, s15  }
0x6a: {  	s18 =	spop (v2sf);
	s21 =	sshra.s32 s15, $0x1F;
	p6 =	slt.s32 s15, $0x1  }
0x6b: {  	p3 =	sne.s32 s17, $0x0;
	s17 =	sand.u32 $0x7F, s18;
	p5 =	slt.s32 s18, $0x1  }
0x6c: {  	s21 =	sshrl.u32 s21, $0x19;
	p4 =	sne.s32 s17, $0x0;
	s17 =	sshra.s32 s18, $0x1F  }
0x6d: {  	s15 =	sadd.s32 s21, s15;
	s17 =	sshrl.u32 s17, $0x19;
	p1 =	por !p5, !p4  }
0x6e: {  	s17 =	sadd.s32 s17, s18;
	p1 =	por !p1, !p1;
	s18 =	simm.s32 $0x1  }
0x6f: {  	p0 =	por !p6, !p3;
	s17 =	sshrl.u32 s17, $0x7;
	s18 =	simm.s32 @!p1 $0x0  }
0x70: {  	p0 =	por !p0, !p0;
	s17 =	ssub.s32 s17, s18;
	s18 =	simm.s32 $0x1  }
0x71: {  	s15 =	sshrl.u32 s15, $0x7;
	s17 =	sshll.u32 s17, $0x7;
	s18 =	simm.s32 @!p0 $0x0  }
0x72: {  	s17 =	sand.u32 $0x1FFFFF80, s17;
	s15 =	ssub.s32 s15, s18  }
0x73: {  	s21 =	simm.s32 $0x6100;
	s17 =	sadd.s32 s1, s17;
	s15 =	sshll.u32 s15, $0x7  }
0x74: {  	[tilespmem:s21], [sflag:$0x4] =	stream.strided.gather [hbm4b:s17+s10], $0x2000, s11, s10, $0x38;
	[tilespmem:$0x10100] =	vst v63  }
0x75: {  	s15 =	sand.u32 $0x1FFFFF80, s15  }
0x76: {  	s16 =	simm.s32 $0x3;
	s18 =	simm.s32 $0xE100;
	s15 =	sadd.s32 s2, s15  }
0x77: {  	[tilespmem:s18], [sflag:$0x8] =	stream.strided.gather [hbm4b:s15+s10], $0x2000, s11, s10, $0x38;
	[tilespmem:$0x10100] =	vst v63  }
0x78: {  	_ =	swait.ge [sflag:s16], $0x2000  }
0x79: {  	[sflag:s16] =	ssyncset.done $0x0  }
0x7a: {  	[sflag:s16] =	ssyncadd.s32 $0xFFFFE000  }
0x7b: {  	_ =	swait.ge [sflag:s24], $0x2000  }
0x7c: {  	[sflag:s24] =	ssyncset.done $0x0  }
0x7d: {  	s21 =	sadd.s32 $0x800, s13;
	[sflag:s24] =	ssyncadd.s32 $0xFFFFE000;
	s24 =	simm.s32 $0x4100  }
0x7e: {  	[hbm4b:s21+s4] =	stream.linear.scatter [tilespmem:s24], [sflag:$0xB], $0x2000, $0x38;
	[tilespmem:$0x10100] =	vst v63  }
0x7f: {  	s18 =	sadd.s32 $0x800, s14;
	s21 =	simm.s32 $0xC100  }
0x80: {  	[hbm4b:s18+s4] =	stream.linear.scatter [tilespmem:s21], [sflag:$0xF], $0x2000, $0x38;
	[tilespmem:$0x10100] =	vst v63  }
0x81: {  	_ =	swait.ge [sflag:s25], $0x2000  }
0x82: {  	[sflag:s25] =	ssyncset.done $0x0  }
0x83: {  	[sflag:s25] =	ssyncadd.s32 $0xFFFFE000  }
0x84: {  	_ =	swait.ge [sflag:s26], $0x2000  }
0x85: {  	(v2sf) =	vpush v1, $0x4;
	_ =	sdelay $0x1  }
0x86: {  	(v2sf) =	vpush v0, $0x4;
	_ =	sdelay $0xc  }
0x87: {  	s15 =	spop (v2sf)  }
0x88: {  	s22 =	simm.s32 $0x100;
	s24 =	sand.u32 $0x7F, s15  }
0x89: {  	s18 =	spop (v2sf);
	s21 =	sshra.s32 s15, $0x1F;
	p6 =	slt.s32 s15, $0x1  }
0x8a: {  	p3 =	sne.s32 s24, $0x0;
	s25 =	sand.u32 $0x7F, s18;
	s24 =	sshra.s32 s18, $0x1F  }
0x8b: {  	p5 =	slt.s32 s18, $0x1;
	s21 =	sshrl.u32 s21, $0x19;
	p4 =	sne.s32 s25, $0x0  }
0x8c: {  	s17 =	sshrl.u32 s24, $0x19;
	s15 =	sadd.s32 s21, s15;
	p1 =	por !p5, !p4  }
0x8d: {  	s17 =	sadd.s32 s17, s18;
	s18 =	simm.s32 $0x1;
	p1 =	por !p1, !p1  }
0x8e: {  	p0 =	por !p6, !p3;
	s17 =	sshrl.u32 s17, $0x7;
	s18 =	simm.s32 @!p1 $0x0  }
0x8f: {  	p0 =	por !p0, !p0;
	s17 =	ssub.s32 s17, s18;
	s18 =	simm.s32 $0x1  }
0x90: {  	s15 =	sshrl.u32 s15, $0x7;
	s17 =	sshll.u32 s17, $0x7;
	s18 =	simm.s32 @!p0 $0x0  }
0x91: {  	[sflag:s26] =	ssyncset.done $0x0;
	s17 =	sand.u32 $0x1FFFFF80, s17;
	s15 =	ssub.s32 s15, s18  }
0x92: {  	[sflag:s26] =	ssyncadd.s32 $0xFFFFE000;
	s17 =	sadd.s32 s1, s17;
	s15 =	sshll.u32 s15, $0x7  }
0x93: {  	[tilespmem:s22], [sflag:$0x1] =	stream.strided.gather [hbm4b:s17+s10], $0x2000, s11, s10, $0x38;
	[tilespmem:$0x10100] =	vst v63  }
0x94: {  	s15 =	sand.u32 $0x1FFFFF80, s15  }
0x95: {  	s25 =	simm.s32 $0x8100;
	s15 =	sadd.s32 s2, s15  }
0x96: {  	[tilespmem:s25], [sflag:$0x5] =	stream.strided.gather [hbm4b:s15+s10], $0x2000, s11, s10, $0x38;
	[tilespmem:$0x10100] =	vst v63  }
0x97: {  	_ =	swait.ge [sflag:s28], $0x2000  }
0x98: {  	[sflag:s28] =	ssyncset.done $0x0  }
0x99: {  	[sflag:s28] =	ssyncadd.s32 $0xFFFFE000  }
0x9a: {  	_ =	swait.ge [sflag:s29], $0x2000  }
0x9b: {  	[sflag:s29] =	ssyncset.done $0x0  }
0x9c: {  	s18 =	simm.s32 $0x6100;
	s17 =	sadd.s32 $0xC00, s13;
	[sflag:s29] =	ssyncadd.s32 $0xFFFFE000  }
0x9d: {  	[hbm4b:s17+s4] =	stream.linear.scatter [tilespmem:s18], [sflag:$0xC], $0x2000, $0x38;
	[tilespmem:$0x10100] =	vst v63  }
0x9e: {  	s21 =	sadd.s32 $0xC00, s14;
	s24 =	simm.s32 $0xE100  }
0x9f: {  	[hbm4b:s21+s4] =	stream.linear.scatter [tilespmem:s24], [sflag:$0x10], $0x2000, $0x38;
	[tilespmem:$0x10100] =	vst v63  }
0xa0: {  	_ =	swait.ge [sflag:s30], $0x2000  }
0xa1: {  	[sflag:s30] =	ssyncset.done $0x0  }
0xa2: {  	[sflag:s30] =	ssyncadd.s32 $0xFFFFE000  }
0xa3: {  	_ =	swait.ge [sflag:s31], $0x2000  }
0xa4: {  	(v2sf) =	vpush v1, $0x5;
	_ =	sdelay $0x1  }
0xa5: {  	(v2sf) =	vpush v0, $0x5;
	_ =	sdelay $0xc  }
0xa6: {  	s15 =	spop (v2sf)  }
0xa7: {  	[sflag:s31] =	ssyncset.done $0x0;
	s25 =	sand.u32 $0x7F, s15  }
0xa8: {  	s18 =	spop (v2sf);
	s21 =	sshra.s32 s15, $0x1F;
	p6 =	slt.s32 s15, $0x1  }
0xa9: {  	p3 =	sne.s32 s25, $0x0;
	s24 =	sand.u32 $0x7F, s18;
	s25 =	sshra.s32 s18, $0x1F  }
0xaa: {  	p5 =	slt.s32 s18, $0x1;
	s21 =	sshrl.u32 s21, $0x19;
	p4 =	sne.s32 s24, $0x0  }
0xab: {  	s17 =	sshrl.u32 s25, $0x19;
	s15 =	sadd.s32 s21, s15;
	p1 =	por !p5, !p4  }
0xac: {  	s17 =	sadd.s32 s17, s18;
	s18 =	simm.s32 $0x1;
	p1 =	por !p1, !p1  }
0xad: {  	p0 =	por !p6, !p3;
	s17 =	sshrl.u32 s17, $0x7;
	s18 =	simm.s32 @!p1 $0x0  }
0xae: {  	p0 =	por !p0, !p0;
	s17 =	ssub.s32 s17, s18;
	s18 =	simm.s32 $0x1  }
0xaf: {  	s15 =	sshrl.u32 s15, $0x7;
	s17 =	sshll.u32 s17, $0x7;
	s18 =	simm.s32 @!p0 $0x0  }
0xb0: {  	[sflag:s31] =	ssyncadd.s32 $0xFFFFE000;
	s17 =	sand.u32 $0x1FFFFF80, s17;
	s15 =	ssub.s32 s15, s18  }
0xb1: {  	s24 =	simm.s32 $0x2100;
	s17 =	sadd.s32 s1, s17;
	s15 =	sshll.u32 s15, $0x7  }
0xb2: {  	[tilespmem:s24], [sflag:$0x2] =	stream.strided.gather [hbm4b:s17+s10], $0x2000, s11, s10, $0x38;
	[tilespmem:$0x10100] =	vst v63  }
0xb3: {  	s15 =	sand.u32 $0x1FFFFF80, s15  }
0xb4: {  	s9 =	simm.s32 $0x1;
	s25 =	simm.s32 $0xA100;
	s15 =	sadd.s32 s2, s15  }
0xb5: {  	[tilespmem:s25], [sflag:$0x6] =	stream.strided.gather [hbm4b:s15+s10], $0x2000, s11, s10, $0x38;
	[tilespmem:$0x10100] =	vst v63  }
0xb6: {  	_ =	swait.ge [sflag:s9], $0x2000  }
0xb7: {  	[sflag:s9] =	ssyncset.done $0x0  }
0xb8: {  	[sflag:s9] =	ssyncadd.s32 $0xFFFFE000  }
0xb9: {  	_ =	swait.ge [sflag:s19], $0x2000  }
0xba: {  	[sflag:s19] =	ssyncset.done $0x0  }
0xbb: {  	s21 =	sadd.s32 $0x1000, s13;
	[sflag:s19] =	ssyncadd.s32 $0xFFFFE000  }
0xbc: {  	[hbm4b:s21+s4] =	stream.linear.scatter [tilespmem:s22], [sflag:$0x9], $0x2000, $0x38;
	[tilespmem:$0x10100] =	vst v63  }
0xbd: {  	s18 =	simm.s32 $0x8100;
	s17 =	sadd.s32 $0x1000, s14  }
0xbe: {  	[hbm4b:s17+s4] =	stream.linear.scatter [tilespmem:s18], [sflag:$0xD], $0x2000, $0x38;
	[tilespmem:$0x10100] =	vst v63  }
0xbf: {  	_ =	swait.ge [sflag:s0], $0x2000  }
0xc0: {  	[sflag:s0] =	ssyncset.done $0x0  }
0xc1: {  	[sflag:s0] =	ssyncadd.s32 $0xFFFFE000  }
0xc2: {  	_ =	swait.ge [sflag:s3], $0x2000  }
0xc3: {  	(v2sf) =	vpush v1, $0x6;
	_ =	sdelay $0x1  }
0xc4: {  	(v2sf) =	vpush v0, $0x6;
	_ =	sdelay $0xc  }
0xc5: {  	s15 =	spop (v2sf)  }
0xc6: {  	[sflag:s3] =	ssyncset.done $0x0;
	s17 =	sand.u32 $0x7F, s15  }
0xc7: {  	s18 =	spop (v2sf);
	s21 =	sshra.s32 s15, $0x1F;
	p6 =	slt.s32 s15, $0x1  }
0xc8: {  	p3 =	sne.s32 s17, $0x0;
	s17 =	sand.u32 $0x7F, s18;
	p5 =	slt.s32 s18, $0x1  }
0xc9: {  	s21 =	sshrl.u32 s21, $0x19;
	p4 =	sne.s32 s17, $0x0;
	s17 =	sshra.s32 s18, $0x1F  }
0xca: {  	s15 =	sadd.s32 s21, s15;
	s17 =	sshrl.u32 s17, $0x19;
	p1 =	por !p5, !p4  }
0xcb: {  	s17 =	sadd.s32 s17, s18;
	p1 =	por !p1, !p1;
	s18 =	simm.s32 $0x1  }
0xcc: {  	p0 =	por !p6, !p3;
	s17 =	sshrl.u32 s17, $0x7;
	s18 =	simm.s32 @!p1 $0x0  }
0xcd: {  	p0 =	por !p0, !p0;
	s17 =	ssub.s32 s17, s18;
	s18 =	simm.s32 $0x1  }
0xce: {  	s15 =	sshrl.u32 s15, $0x7;
	s17 =	sshll.u32 s17, $0x7;
	s18 =	simm.s32 @!p0 $0x0  }
0xcf: {  	[sflag:s3] =	ssyncadd.s32 $0xFFFFE000;
	s17 =	sand.u32 $0x1FFFFF80, s17;
	s15 =	ssub.s32 s15, s18  }
0xd0: {  	s21 =	simm.s32 $0x4100;
	s17 =	sadd.s32 s1, s17;
	s15 =	sshll.u32 s15, $0x7  }
0xd1: {  	[tilespmem:s21], [sflag:$0x3] =	stream.strided.gather [hbm4b:s17+s10], $0x2000, s11, s10, $0x38;
	[tilespmem:$0x10100] =	vst v63  }
0xd2: {  	s15 =	sand.u32 $0x1FFFFF80, s15  }
0xd3: {  	s21 =	simm.s32 $0xC100;
	s15 =	sadd.s32 s2, s15  }
0xd4: {  	[tilespmem:s21], [sflag:$0x7] =	stream.strided.gather [hbm4b:s15+s10], $0x2000, s11, s10, $0x38;
	[tilespmem:$0x10100] =	vst v63  }
0xd5: {  	_ =	swait.ge [sflag:s20], $0x2000  }
0xd6: {  	[sflag:s20] =	ssyncset.done $0x0  }
0xd7: {  	[sflag:s20] =	ssyncadd.s32 $0xFFFFE000  }
0xd8: {  	_ =	swait.ge [sflag:s23], $0x2000  }
0xd9: {  	[sflag:s23] =	ssyncset.done $0x0  }
0xda: {  	s17 =	sadd.s32 $0x1400, s13;
	[sflag:s23] =	ssyncadd.s32 $0xFFFFE000  }
0xdb: {  	[hbm4b:s17+s4] =	stream.linear.scatter [tilespmem:s24], [sflag:$0xA], $0x2000, $0x38;
	[tilespmem:$0x10100] =	vst v63  }
0xdc: {  	s18 =	sadd.s32 $0x1400, s14  }
0xdd: {  	[hbm4b:s18+s4] =	stream.linear.scatter [tilespmem:s25], [sflag:$0xE], $0x2000, $0x38;
	[tilespmem:$0x10100] =	vst v63  }
0xde: {  	_ =	swait.ge [sflag:s5], $0x2000  }
0xdf: {  	[sflag:s5] =	ssyncset.done $0x0  }
0xe0: {  	[sflag:s5] =	ssyncadd.s32 $0xFFFFE000  }
0xe1: {  	_ =	swait.ge [sflag:s6], $0x2000  }
0xe2: {  	(v2sf) =	vpush v1, $0x7;
	_ =	sdelay $0x1  }
0xe3: {  	(v2sf) =	vpush v0, $0x7;
	_ =	sdelay $0xc  }
0xe4: {  	s15 =	spop (v2sf)  }
0xe5: {  	[sflag:s6] =	ssyncset.done $0x0;
	s17 =	sand.u32 $0x7F, s15  }
0xe6: {  	s18 =	spop (v2sf);
	s21 =	sshra.s32 s15, $0x1F;
	p6 =	slt.s32 s15, $0x1  }
0xe7: {  	p3 =	sne.s32 s17, $0x0;
	s17 =	sand.u32 $0x7F, s18;
	p5 =	slt.s32 s18, $0x1  }
0xe8: {  	s21 =	sshrl.u32 s21, $0x19;
	p4 =	sne.s32 s17, $0x0;
	s17 =	sshra.s32 s18, $0x1F  }
0xe9: {  	s15 =	sadd.s32 s21, s15;
	s17 =	sshrl.u32 s17, $0x19;
	p1 =	por !p5, !p4  }
0xea: {  	s17 =	sadd.s32 s17, s18;
	p1 =	por !p1, !p1;
	s18 =	simm.s32 $0x1  }
0xeb: {  	p0 =	por !p6, !p3;
	s17 =	sshrl.u32 s17, $0x7;
	s18 =	simm.s32 @!p1 $0x0  }
0xec: {  	p0 =	por !p0, !p0;
	s17 =	ssub.s32 s17, s18;
	s18 =	simm.s32 $0x1  }
0xed: {  	s15 =	sshrl.u32 s15, $0x7;
	s17 =	sshll.u32 s17, $0x7;
	s18 =	simm.s32 @!p0 $0x0  }
0xee: {  	[sflag:s6] =	ssyncadd.s32 $0xFFFFE000;
	s17 =	sand.u32 $0x1FFFFF80, s17;
	s15 =	ssub.s32 s15, s18  }
0xef: {  	s21 =	simm.s32 $0x6100;
	s17 =	sadd.s32 s1, s17;
	s15 =	sshll.u32 s15, $0x7  }
0xf0: {  	[tilespmem:s21], [sflag:$0x4] =	stream.strided.gather [hbm4b:s17+s10], $0x2000, s11, s10, $0x38;
	[tilespmem:$0x10100] =	vst v63  }
0xf1: {  	s15 =	sand.u32 $0x1FFFFF80, s15  }
0xf2: {  	s21 =	simm.s32 $0xE100;
	s15 =	sadd.s32 s2, s15  }
0xf3: {  	[tilespmem:s21], [sflag:$0x8] =	stream.strided.gather [hbm4b:s15+s10], $0x2000, s11, s10, $0x38;
	[tilespmem:$0x10100] =	vst v63  }
0xf4: {  	_ =	swait.ge [sflag:s16], $0x2000  }
0xf5: {  	[sflag:s16] =	ssyncset.done $0x0  }
0xf6: {  	s24 =	simm.s32 $0x7;
	[sflag:s16] =	ssyncadd.s32 $0xFFFFE000  }
0xf7: {  	_ =	swait.ge [sflag:s24], $0x2000  }
0xf8: {  	[sflag:s24] =	ssyncset.done $0x0  }
0xf9: {  	s18 =	sadd.s32 $0x1800, s13;
	s21 =	simm.s32 $0x4100;
	[sflag:s24] =	ssyncadd.s32 $0xFFFFE000  }
0xfa: {  	[hbm4b:s18+s4] =	stream.linear.scatter [tilespmem:s21], [sflag:$0xB], $0x2000, $0x38;
	[tilespmem:$0x10100] =	vst v63  }
0xfb: {  	s25 =	simm.s32 $0x9;
	s18 =	sadd.s32 $0x1800, s14;
	s21 =	simm.s32 $0xC100  }
0xfc: {  	[hbm4b:s18+s4] =	stream.linear.scatter [tilespmem:s21], [sflag:$0xF], $0x2000, $0x38;
	[tilespmem:$0x10100] =	vst v63  }
0xfd: {  	_ =	swait.ge [sflag:s25], $0x2000  }
0xfe: {  	[sflag:s25] =	ssyncset.done $0x0  }
0xff: {  	[sflag:s25] =	ssyncadd.s32 $0xFFFFE000  }
0x100: {  	_ =	swait.ge [sflag:s26], $0x2000  }
0x101: {  	(v2sf) =	vpush v1, $0x8;
	_ =	sdelay $0x1  }
0x102: {  	(v2sf) =	vpush v0, $0x8;
	_ =	sdelay $0xc  }
0x103: {  	s15 =	spop (v2sf)  }
0x104: {  	s17 =	sand.u32 $0x7F, s15  }
0x105: {  	s18 =	spop (v2sf);
	s21 =	sshra.s32 s15, $0x1F;
	p6 =	slt.s32 s15, $0x1  }
0x106: {  	p3 =	sne.s32 s17, $0x0;
	s17 =	sand.u32 $0x7F, s18;
	p5 =	slt.s32 s18, $0x1  }
0x107: {  	s21 =	sshrl.u32 s21, $0x19;
	p4 =	sne.s32 s17, $0x0;
	s17 =	sshra.s32 s18, $0x1F  }
0x108: {  	s15 =	sadd.s32 s21, s15;
	s17 =	sshrl.u32 s17, $0x19;
	p1 =	por !p5, !p4  }
0x109: {  	s17 =	sadd.s32 s17, s18;
	p1 =	por !p1, !p1;
	s18 =	simm.s32 $0x1  }
0x10a: {  	p0 =	por !p6, !p3;
	s17 =	sshrl.u32 s17, $0x7;
	s18 =	simm.s32 @!p1 $0x0  }
0x10b: {  	p0 =	por !p0, !p0;
	s17 =	ssub.s32 s17, s18;
	s18 =	simm.s32 $0x1  }
0x10c: {  	s15 =	sshrl.u32 s15, $0x7;
	s17 =	sshll.u32 s17, $0x7;
	s18 =	simm.s32 @!p0 $0x0  }
0x10d: {  	[sflag:s26] =	ssyncset.done $0x0;
	s17 =	sand.u32 $0x1FFFFF80, s17;
	s15 =	ssub.s32 s15, s18  }
0x10e: {  	[sflag:s26] =	ssyncadd.s32 $0xFFFFE000;
	s17 =	sadd.s32 s1, s17;
	s15 =	sshll.u32 s15, $0x7  }
0x10f: {  	[tilespmem:s22], [sflag:$0x1] =	stream.strided.gather [hbm4b:s17+s10], $0x2000, s11, s10, $0x38;
	[tilespmem:$0x10100] =	vst v63  }
0x110: {  	s15 =	sand.u32 $0x1FFFFF80, s15  }
0x111: {  	s18 =	simm.s32 $0x8100;
	s15 =	sadd.s32 s2, s15  }
0x112: {  	[tilespmem:s18], [sflag:$0x5] =	stream.strided.gather [hbm4b:s15+s10], $0x2000, s11, s10, $0x38;
	[tilespmem:$0x10100] =	vst v63  }
0x113: {  	_ =	swait.ge [sflag:s28], $0x2000  }
0x114: {  	[sflag:s28] =	ssyncset.done $0x0  }
0x115: {  	[sflag:s28] =	ssyncadd.s32 $0xFFFFE000  }
0x116: {  	_ =	swait.ge [sflag:s29], $0x2000  }
0x117: {  	[sflag:s29] =	ssyncset.done $0x0  }
0x118: {  	s26 =	simm.s32 $0x6100;
	s21 =	sadd.s32 $0x1C00, s13;
	[sflag:s29] =	ssyncadd.s32 $0xFFFFE000  }
0x119: {  	[hbm4b:s21+s4] =	stream.linear.scatter [tilespmem:s26], [sflag:$0xC], $0x2000, $0x38;
	[tilespmem:$0x10100] =	vst v63  }
0x11a: {  	s18 =	sadd.s32 $0x1C00, s14;
	s21 =	simm.s32 $0xE100  }
0x11b: {  	[hbm4b:s18+s4] =	stream.linear.scatter [tilespmem:s21], [sflag:$0x10], $0x2000, $0x38;
	[tilespmem:$0x10100] =	vst v63  }
0x11c: {  	_ =	swait.ge [sflag:s30], $0x2000  }
0x11d: {  	[sflag:s30] =	ssyncset.done $0x0  }
0x11e: {  	[sflag:s30] =	ssyncadd.s32 $0xFFFFE000  }
0x11f: {  	_ =	swait.ge [sflag:s31], $0x2000  }
0x120: {  	(v2sf) =	vpush v1, $0x9;
	_ =	sdelay $0x1  }
0x121: {  	(v2sf) =	vpush v0, $0x9;
	_ =	sdelay $0xc  }
0x122: {  	s15 =	spop (v2sf)  }
0x123: {  	[sflag:s31] =	ssyncset.done $0x0;
	s26 =	sand.u32 $0x7F, s15  }
0x124: {  	s18 =	spop (v2sf);
	s21 =	sshra.s32 s15, $0x1F;
	p6 =	slt.s32 s15, $0x1  }
0x125: {  	p3 =	sne.s32 s26, $0x0;
	s26 =	sand.u32 $0x7F, s18;
	p5 =	slt.s32 s18, $0x1  }
0x126: {  	s21 =	sshrl.u32 s21, $0x19;
	p4 =	sne.s32 s26, $0x0;
	s26 =	sshra.s32 s18, $0x1F  }
0x127: {  	s15 =	sadd.s32 s21, s15;
	s17 =	sshrl.u32 s26, $0x19;
	p1 =	por !p5, !p4  }
0x128: {  	s17 =	sadd.s32 s17, s18;
	p1 =	por !p1, !p1;
	s18 =	simm.s32 $0x1  }
0x129: {  	p0 =	por !p6, !p3;
	s17 =	sshrl.u32 s17, $0x7;
	s18 =	simm.s32 @!p1 $0x0  }
0x12a: {  	p0 =	por !p0, !p0;
	s17 =	ssub.s32 s17, s18;
	s18 =	simm.s32 $0x1  }
0x12b: {  	s15 =	sshrl.u32 s15, $0x7;
	s17 =	sshll.u32 s17, $0x7;
	s18 =	simm.s32 @!p0 $0x0  }
0x12c: {  	[sflag:s31] =	ssyncadd.s32 $0xFFFFE000;
	s17 =	sand.u32 $0x1FFFFF80, s17;
	s15 =	ssub.s32 s15, s18  }
0x12d: {  	s26 =	simm.s32 $0x2100;
	s17 =	sadd.s32 s1, s17;
	s15 =	sshll.u32 s15, $0x7  }
0x12e: {  	[tilespmem:s26], [sflag:$0x2] =	stream.strided.gather [hbm4b:s17+s10], $0x2000, s11, s10, $0x38;
	[tilespmem:$0x10100] =	vst v63  }
0x12f: {  	s15 =	sand.u32 $0x1FFFFF80, s15  }
0x130: {  	s28 =	simm.s32 $0xA100;
	s15 =	sadd.s32 s2, s15  }
0x131: {  	[tilespmem:s28], [sflag:$0x6] =	stream.strided.gather [hbm4b:s15+s10], $0x2000, s11, s10, $0x38;
	[tilespmem:$0x10100] =	vst v63  }
0x132: {  	_ =	swait.ge [sflag:s9], $0x2000  }
0x133: {  	[sflag:s9] =	ssyncset.done $0x0  }
0x134: {  	[sflag:s9] =	ssyncadd.s32 $0xFFFFE000  }
0x135: {  	_ =	swait.ge [sflag:s19], $0x2000  }
0x136: {  	[sflag:s19] =	ssyncset.done $0x0  }
0x137: {  	s21 =	sadd.s32 $0x2000, s13;
	[sflag:s19] =	ssyncadd.s32 $0xFFFFE000  }
0x138: {  	[hbm4b:s21+s4] =	stream.linear.scatter [tilespmem:s22], [sflag:$0x9], $0x2000, $0x38;
	[tilespmem:$0x10100] =	vst v63  }
0x139: {  	s18 =	simm.s32 $0x8100;
	s17 =	sadd.s32 $0x2000, s14  }
0x13a: {  	[hbm4b:s17+s4] =	stream.linear.scatter [tilespmem:s18], [sflag:$0xD], $0x2000, $0x38;
	[tilespmem:$0x10100] =	vst v63  }
0x13b: {  	_ =	swait.ge [sflag:s0], $0x2000  }
0x13c: {  	[sflag:s0] =	ssyncset.done $0x0  }
0x13d: {  	[sflag:s0] =	ssyncadd.s32 $0xFFFFE000  }
0x13e: {  	_ =	swait.ge [sflag:s3], $0x2000  }
0x13f: {  	(v2sf) =	vpush v1, $0xA;
	_ =	sdelay $0x1  }
0x140: {  	(v2sf) =	vpush v0, $0xA;
	_ =	sdelay $0xc  }
0x141: {  	s15 =	spop (v2sf)  }
0x142: {  	[sflag:s3] =	ssyncset.done $0x0;
	s19 =	sand.u32 $0x7F, s15  }
0x143: {  	s18 =	spop (v2sf);
	s21 =	sshra.s32 s15, $0x1F;
	p6 =	slt.s32 s15, $0x1  }
0x144: {  	p3 =	sne.s32 s19, $0x0;
	s19 =	sand.u32 $0x7F, s18;
	p5 =	slt.s32 s18, $0x1  }
0x145: {  	s21 =	sshrl.u32 s21, $0x19;
	p4 =	sne.s32 s19, $0x0;
	s19 =	sshra.s32 s18, $0x1F  }
0x146: {  	s15 =	sadd.s32 s21, s15;
	s17 =	sshrl.u32 s19, $0x19;
	p1 =	por !p5, !p4  }
0x147: {  	s17 =	sadd.s32 s17, s18;
	p1 =	por !p1, !p1;
	s18 =	simm.s32 $0x1  }
0x148: {  	p0 =	por !p6, !p3;
	s17 =	sshrl.u32 s17, $0x7;
	s18 =	simm.s32 @!p1 $0x0  }
0x149: {  	p0 =	por !p0, !p0;
	s17 =	ssub.s32 s17, s18;
	s18 =	simm.s32 $0x1  }
0x14a: {  	s15 =	sshrl.u32 s15, $0x7;
	s17 =	sshll.u32 s17, $0x7;
	s18 =	simm.s32 @!p0 $0x0  }
0x14b: {  	[sflag:s3] =	ssyncadd.s32 $0xFFFFE000;
	s17 =	sand.u32 $0x1FFFFF80, s17;
	s15 =	ssub.s32 s15, s18  }
0x14c: {  	s21 =	simm.s32 $0x4100;
	s17 =	sadd.s32 s1, s17;
	s15 =	sshll.u32 s15, $0x7  }
0x14d: {  	[tilespmem:s21], [sflag:$0x3] =	stream.strided.gather [hbm4b:s17+s10], $0x2000, s11, s10, $0x38;
	[tilespmem:$0x10100] =	vst v63  }
0x14e: {  	s15 =	sand.u32 $0x1FFFFF80, s15  }
0x14f: {  	s18 =	simm.s32 $0xC100;
	s15 =	sadd.s32 s2, s15  }
0x150: {  	[tilespmem:s18], [sflag:$0x7] =	stream.strided.gather [hbm4b:s15+s10], $0x2000, s11, s10, $0x38;
	[tilespmem:$0x10100] =	vst v63  }
0x151: {  	_ =	swait.ge [sflag:s20], $0x2000  }
0x152: {  	[sflag:s20] =	ssyncset.done $0x0  }
0x153: {  	[sflag:s20] =	ssyncadd.s32 $0xFFFFE000  }
0x154: {  	_ =	swait.ge [sflag:s23], $0x2000  }
0x155: {  	[sflag:s23] =	ssyncset.done $0x0  }
0x156: {  	s19 =	sadd.s32 $0x2400, s13;
	[sflag:s23] =	ssyncadd.s32 $0xFFFFE000  }
0x157: {  	[hbm4b:s19+s4] =	stream.linear.scatter [tilespmem:s26], [sflag:$0xA], $0x2000, $0x38;
	[tilespmem:$0x10100] =	vst v63  }
0x158: {  	s20 =	sadd.s32 $0x2400, s14  }
0x159: {  	[hbm4b:s20+s4] =	stream.linear.scatter [tilespmem:s28], [sflag:$0xE], $0x2000, $0x38;
	[tilespmem:$0x10100] =	vst v63  }
0x15a: {  	_ =	swait.ge [sflag:s5], $0x2000  }
0x15b: {  	[sflag:s5] =	ssyncset.done $0x0  }
0x15c: {  	[sflag:s5] =	ssyncadd.s32 $0xFFFFE000  }
0x15d: {  	_ =	swait.ge [sflag:s6], $0x2000  }
0x15e: {  	(v2sf) =	vpush v1, $0xB;
	_ =	sdelay $0x1  }
0x15f: {  	(v2sf) =	vpush v0, $0xB;
	_ =	sdelay $0xc  }
0x160: {  	s15 =	spop (v2sf)  }
0x161: {  	[sflag:s6] =	ssyncset.done $0x0;
	s17 =	sand.u32 $0x7F, s15  }
0x162: {  	s18 =	spop (v2sf);
	s21 =	sshra.s32 s15, $0x1F;
	p6 =	slt.s32 s15, $0x1  }
0x163: {  	p3 =	sne.s32 s17, $0x0;
	s17 =	sand.u32 $0x7F, s18;
	p5 =	slt.s32 s18, $0x1  }
0x164: {  	s21 =	sshrl.u32 s21, $0x19;
	p4 =	sne.s32 s17, $0x0;
	s17 =	sshra.s32 s18, $0x1F  }
0x165: {  	s15 =	sadd.s32 s21, s15;
	s17 =	sshrl.u32 s17, $0x19;
	p1 =	por !p5, !p4  }
0x166: {  	s17 =	sadd.s32 s17, s18;
	p1 =	por !p1, !p1;
	s18 =	simm.s32 $0x1  }
0x167: {  	p0 =	por !p6, !p3;
	s17 =	sshrl.u32 s17, $0x7;
	s18 =	simm.s32 @!p1 $0x0  }
0x168: {  	p0 =	por !p0, !p0;
	s17 =	ssub.s32 s17, s18;
	s18 =	simm.s32 $0x1  }
0x169: {  	s15 =	sshrl.u32 s15, $0x7;
	s17 =	sshll.u32 s17, $0x7;
	s18 =	simm.s32 @!p0 $0x0  }
0x16a: {  	[sflag:s6] =	ssyncadd.s32 $0xFFFFE000;
	s17 =	sand.u32 $0x1FFFFF80, s17;
	s15 =	ssub.s32 s15, s18  }
0x16b: {  	s21 =	simm.s32 $0x6100;
	s17 =	sadd.s32 s1, s17;
	s15 =	sshll.u32 s15, $0x7  }
0x16c: {  	[tilespmem:s21], [sflag:$0x4] =	stream.strided.gather [hbm4b:s17+s10], $0x2000, s11, s10, $0x38;
	[tilespmem:$0x10100] =	vst v63  }
0x16d: {  	s15 =	sand.u32 $0x1FFFFF80, s15  }
0x16e: {  	s21 =	simm.s32 $0xE100;
	s15 =	sadd.s32 s2, s15  }
0x16f: {  	[tilespmem:s21], [sflag:$0x8] =	stream.strided.gather [hbm4b:s15+s10], $0x2000, s11, s10, $0x38;
	[tilespmem:$0x10100] =	vst v63  }
0x170: {  	_ =	swait.ge [sflag:s16], $0x2000  }
0x171: {  	[sflag:s16] =	ssyncset.done $0x0  }
0x172: {  	[sflag:s16] =	ssyncadd.s32 $0xFFFFE000  }
0x173: {  	_ =	swait.ge [sflag:s24], $0x2000  }
0x174: {  	[sflag:s24] =	ssyncset.done $0x0  }
0x175: {  	s18 =	sadd.s32 $0x2800, s13;
	s21 =	simm.s32 $0x4100;
	[sflag:s24] =	ssyncadd.s32 $0xFFFFE000  }
0x176: {  	[hbm4b:s18+s4] =	stream.linear.scatter [tilespmem:s21], [sflag:$0xB], $0x2000, $0x38;
	[tilespmem:$0x10100] =	vst v63  }
0x177: {  	s17 =	sadd.s32 $0x2800, s14;
	s18 =	simm.s32 $0xC100  }
0x178: {  	[hbm4b:s17+s4] =	stream.linear.scatter [tilespmem:s18], [sflag:$0xF], $0x2000, $0x38;
	[tilespmem:$0x10100] =	vst v63  }
0x179: {  	_ =	swait.ge [sflag:s25], $0x2000  }
0x17a: {  	[sflag:s25] =	ssyncset.done $0x0  }
0x17b: {  	s26 =	simm.s32 $0xD;
	[sflag:s25] =	ssyncadd.s32 $0xFFFFE000  }
0x17c: {  	_ =	swait.ge [sflag:s26], $0x2000  }
0x17d: {  	(v2sf) =	vpush v1, $0xC;
	_ =	sdelay $0x1  }
0x17e: {  	(v2sf) =	vpush v0, $0xC;
	_ =	sdelay $0xc  }
0x17f: {  	s15 =	spop (v2sf)  }
0x180: {  	s17 =	sand.u32 $0x7F, s15  }
0x181: {  	s18 =	spop (v2sf);
	s21 =	sshra.s32 s15, $0x1F;
	p6 =	slt.s32 s15, $0x1  }
0x182: {  	p3 =	sne.s32 s17, $0x0;
	s17 =	sand.u32 $0x7F, s18;
	p5 =	slt.s32 s18, $0x1  }
0x183: {  	s21 =	sshrl.u32 s21, $0x19;
	p4 =	sne.s32 s17, $0x0;
	s17 =	sshra.s32 s18, $0x1F  }
0x184: {  	s15 =	sadd.s32 s21, s15;
	s17 =	sshrl.u32 s17, $0x19;
	p1 =	por !p5, !p4  }
0x185: {  	s17 =	sadd.s32 s17, s18;
	p1 =	por !p1, !p1;
	s18 =	simm.s32 $0x1  }
0x186: {  	p0 =	por !p6, !p3;
	s17 =	sshrl.u32 s17, $0x7;
	s18 =	simm.s32 @!p1 $0x0  }
0x187: {  	p0 =	por !p0, !p0;
	s17 =	ssub.s32 s17, s18;
	s18 =	simm.s32 $0x1  }
0x188: {  	s15 =	sshrl.u32 s15, $0x7;
	s17 =	sshll.u32 s17, $0x7;
	s18 =	simm.s32 @!p0 $0x0  }
0x189: {  	[sflag:s26] =	ssyncset.done $0x0;
	s17 =	sand.u32 $0x1FFFFF80, s17;
	s15 =	ssub.s32 s15, s18  }
0x18a: {  	[sflag:s26] =	ssyncadd.s32 $0xFFFFE000;
	s17 =	sadd.s32 s1, s17;
	s15 =	sshll.u32 s15, $0x7  }
0x18b: {  	[tilespmem:s22], [sflag:$0x1] =	stream.strided.gather [hbm4b:s17+s10], $0x2000, s11, s10, $0x38;
	[tilespmem:$0x10100] =	vst v63  }
0x18c: {  	s15 =	sand.u32 $0x1FFFFF80, s15  }
0x18d: {  	s28 =	simm.s32 $0x4;
	s21 =	simm.s32 $0x8100;
	s15 =	sadd.s32 s2, s15  }
0x18e: {  	[tilespmem:s21], [sflag:$0x5] =	stream.strided.gather [hbm4b:s15+s10], $0x2000, s11, s10, $0x38;
	[tilespmem:$0x10100] =	vst v63  }
0x18f: {  	_ =	swait.ge [sflag:s28], $0x2000  }
0x190: {  	[sflag:s28] =	ssyncset.done $0x0  }
0x191: {  	[sflag:s28] =	ssyncadd.s32 $0xFFFFE000  }
0x192: {  	_ =	swait.ge [sflag:s29], $0x2000  }
0x193: {  	[sflag:s29] =	ssyncset.done $0x0  }
0x194: {  	s18 =	sadd.s32 $0x2C00, s13;
	s21 =	simm.s32 $0x6100;
	[sflag:s29] =	ssyncadd.s32 $0xFFFFE000  }
0x195: {  	[hbm4b:s18+s4] =	stream.linear.scatter [tilespmem:s21], [sflag:$0xC], $0x2000, $0x38;
	[tilespmem:$0x10100] =	vst v63  }
0x196: {  	s18 =	sadd.s32 $0x2C00, s14;
	s21 =	simm.s32 $0xE100  }
0x197: {  	[hbm4b:s18+s4] =	stream.linear.scatter [tilespmem:s21], [sflag:$0x10], $0x2000, $0x38;
	[tilespmem:$0x10100] =	vst v63  }
0x198: {  	_ =	swait.ge [sflag:s30], $0x2000  }
0x199: {  	[sflag:s30] =	ssyncset.done $0x0  }
0x19a: {  	[sflag:s30] =	ssyncadd.s32 $0xFFFFE000  }
0x19b: {  	_ =	swait.ge [sflag:s31], $0x2000  }
0x19c: {  	(v2sf) =	vpush v1, $0xD;
	_ =	sdelay $0x1  }
0x19d: {  	(v2sf) =	vpush v0, $0xD;
	_ =	sdelay $0xc  }
0x19e: {  	s15 =	spop (v2sf)  }
0x19f: {  	s19 =	simm.s32 $0x2100;
	s17 =	sand.u32 $0x7F, s15  }
0x1a0: {  	s18 =	spop (v2sf);
	s21 =	sshra.s32 s15, $0x1F;
	p6 =	slt.s32 s15, $0x1  }
0x1a1: {  	p3 =	sne.s32 s17, $0x0;
	s17 =	sand.u32 $0x7F, s18;
	p5 =	slt.s32 s18, $0x1  }
0x1a2: {  	s21 =	sshrl.u32 s21, $0x19;
	p4 =	sne.s32 s17, $0x0;
	s17 =	sshra.s32 s18, $0x1F  }
0x1a3: {  	s15 =	sadd.s32 s21, s15;
	s17 =	sshrl.u32 s17, $0x19;
	p1 =	por !p5, !p4  }
0x1a4: {  	s17 =	sadd.s32 s17, s18;
	p1 =	por !p1, !p1;
	s18 =	simm.s32 $0x1  }
0x1a5: {  	p0 =	por !p6, !p3;
	s17 =	sshrl.u32 s17, $0x7;
	s18 =	simm.s32 @!p1 $0x0  }
0x1a6: {  	p0 =	por !p0, !p0;
	s17 =	ssub.s32 s17, s18;
	s18 =	simm.s32 $0x1  }
0x1a7: {  	s15 =	sshrl.u32 s15, $0x7;
	s17 =	sshll.u32 s17, $0x7;
	s18 =	simm.s32 @!p0 $0x0  }
0x1a8: {  	[sflag:s31] =	ssyncset.done $0x0;
	s17 =	sand.u32 $0x1FFFFF80, s17;
	s15 =	ssub.s32 s15, s18  }
0x1a9: {  	[sflag:s31] =	ssyncadd.s32 $0xFFFFE000;
	s17 =	sadd.s32 s1, s17;
	s15 =	sshll.u32 s15, $0x7  }
0x1aa: {  	[tilespmem:s19], [sflag:$0x2] =	stream.strided.gather [hbm4b:s17+s10], $0x2000, s11, s10, $0x38;
	[tilespmem:$0x10100] =	vst v63  }
0x1ab: {  	s15 =	sand.u32 $0x1FFFFF80, s15  }
0x1ac: {  	s20 =	simm.s32 $0xA100;
	s15 =	sadd.s32 s2, s15  }
0x1ad: {  	[tilespmem:s20], [sflag:$0x6] =	stream.strided.gather [hbm4b:s15+s10], $0x2000, s11, s10, $0x38;
	[tilespmem:$0x10100] =	vst v63  }
0x1ae: {  	_ =	swait.ge [sflag:s9], $0x2000  }
0x1af: {  	[sflag:s9] =	ssyncset.done $0x0  }
0x1b0: {  	s15 =	simm.s32 $0x5;
	[sflag:s9] =	ssyncadd.s32 $0xFFFFE000  }
0x1b1: {  	_ =	swait.ge [sflag:s15], $0x2000  }
0x1b2: {  	[sflag:s15] =	ssyncset.done $0x0  }
0x1b3: {  	s17 =	sadd.s32 $0x3000, s13;
	[sflag:s15] =	ssyncadd.s32 $0xFFFFE000  }
0x1b4: {  	[hbm4b:s17+s4] =	stream.linear.scatter [tilespmem:s22], [sflag:$0x9], $0x2000, $0x38;
	[tilespmem:$0x10100] =	vst v63  }
0x1b5: {  	s18 =	sadd.s32 $0x3000, s14;
	s22 =	simm.s32 $0x8100  }
0x1b6: {  	[hbm4b:s18+s4] =	stream.linear.scatter [tilespmem:s22], [sflag:$0xD], $0x2000, $0x38;
	[tilespmem:$0x10100] =	vst v63  }
0x1b7: {  	_ =	swait.ge [sflag:s0], $0x2000  }
0x1b8: {  	[sflag:s0] =	ssyncset.done $0x0  }
0x1b9: {  	[sflag:s0] =	ssyncadd.s32 $0xFFFFE000  }
0x1ba: {  	_ =	swait.ge [sflag:s3], $0x2000  }
0x1bb: {  	(v2sf) =	vpush v1, $0xE;
	_ =	sdelay $0x1  }
0x1bc: {  	(v2sf) =	vpush v0, $0xE;
	_ =	sdelay $0xc  }
0x1bd: {  	s15 =	spop (v2sf)  }
0x1be: {  	[sflag:s3] =	ssyncset.done $0x0;
	s17 =	sand.u32 $0x7F, s15  }
0x1bf: {  	s18 =	spop (v2sf);
	s21 =	sshra.s32 s15, $0x1F;
	p6 =	slt.s32 s15, $0x1  }
0x1c0: {  	p3 =	sne.s32 s17, $0x0;
	s17 =	sand.u32 $0x7F, s18;
	p5 =	slt.s32 s18, $0x1  }
0x1c1: {  	s21 =	sshrl.u32 s21, $0x19;
	p4 =	sne.s32 s17, $0x0;
	s17 =	sshra.s32 s18, $0x1F  }
0x1c2: {  	s15 =	sadd.s32 s21, s15;
	s17 =	sshrl.u32 s17, $0x19;
	p1 =	por !p5, !p4  }
0x1c3: {  	s17 =	sadd.s32 s17, s18;
	p1 =	por !p1, !p1;
	s18 =	simm.s32 $0x1  }
0x1c4: {  	p0 =	por !p6, !p3;
	s17 =	sshrl.u32 s17, $0x7;
	s18 =	simm.s32 @!p1 $0x0  }
0x1c5: {  	p0 =	por !p0, !p0;
	s17 =	ssub.s32 s17, s18;
	s18 =	simm.s32 $0x1  }
0x1c6: {  	s15 =	sshrl.u32 s15, $0x7;
	s17 =	sshll.u32 s17, $0x7;
	s18 =	simm.s32 @!p0 $0x0  }
0x1c7: {  	[sflag:s3] =	ssyncadd.s32 $0xFFFFE000;
	s17 =	sand.u32 $0x1FFFFF80, s17;
	s15 =	ssub.s32 s15, s18  }
0x1c8: {  	s21 =	simm.s32 $0x4100;
	s17 =	sadd.s32 s1, s17;
	s15 =	sshll.u32 s15, $0x7  }
0x1c9: {  	[tilespmem:s21], [sflag:$0x3] =	stream.strided.gather [hbm4b:s17+s10], $0x2000, s11, s10, $0x38;
	[tilespmem:$0x10100] =	vst v63  }
0x1ca: {  	s15 =	sand.u32 $0x1FFFFF80, s15  }
0x1cb: {  	s9 =	simm.s32 $0x2;
	s18 =	simm.s32 $0xC100;
	s15 =	sadd.s32 s2, s15  }
0x1cc: {  	[tilespmem:s18], [sflag:$0x7] =	stream.strided.gather [hbm4b:s15+s10], $0x2000, s11, s10, $0x38;
	[tilespmem:$0x10100] =	vst v63  }
0x1cd: {  	_ =	swait.ge [sflag:s9], $0x2000  }
0x1ce: {  	[sflag:s9] =	ssyncset.done $0x0  }
0x1cf: {  	s21 =	simm.s32 $0x6;
	[sflag:s9] =	ssyncadd.s32 $0xFFFFE000  }
0x1d0: {  	_ =	swait.ge [sflag:s21], $0x2000  }
0x1d1: {  	[sflag:s21] =	ssyncset.done $0x0  }
0x1d2: {  	s9 =	sadd.s32 $0x3400, s13;
	[sflag:s21] =	ssyncadd.s32 $0xFFFFE000  }
0x1d3: {  	[hbm4b:s9+s4] =	stream.linear.scatter [tilespmem:s19], [sflag:$0xA], $0x2000, $0x38;
	[tilespmem:$0x10100] =	vst v63  }
0x1d4: {  	s17 =	sadd.s32 $0x3400, s14  }
0x1d5: {  	[hbm4b:s17+s4] =	stream.linear.scatter [tilespmem:s20], [sflag:$0xE], $0x2000, $0x38;
	[tilespmem:$0x10100] =	vst v63  }
0x1d6: {  	_ =	swait.ge [sflag:s5], $0x2000  }
0x1d7: {  	[sflag:s5] =	ssyncset.done $0x0  }
0x1d8: {  	[sflag:s5] =	ssyncadd.s32 $0xFFFFE000  }
0x1d9: {  	_ =	swait.ge [sflag:s6], $0x2000  }
0x1da: {  	(v2sf) =	vpush v1, $0xF;
	_ =	sdelay $0x1  }
0x1db: {  	(v2sf) =	vpush v0, $0xF;
	_ =	sdelay $0xc  }
0x1dc: {  	s15 =	spop (v2sf)  }
0x1dd: {  	[sflag:s6] =	ssyncset.done $0x0;
	s18 =	sshra.s32 s15, $0x1F  }
0x1de: {  	s19 =	spop (v2sf);
	p3 =	slt.s32 s15, $0x1;
	s17 =	sshrl.u32 s18, $0x19  }
0x1df: {  	s20 =	sand.u32 $0x7F, s19;
	s9 =	sshra.s32 s19, $0x1F;
	p5 =	slt.s32 s19, $0x1  }
0x1e0: {  	s17 =	sadd.s32 s17, s15;
	p4 =	sne.s32 s20, $0x0;
	s21 =	sshrl.u32 s9, $0x19  }
0x1e1: {  	s15 =	sand.u32 $0x7F, s15;
	p1 =	por !p5, !p4;
	s18 =	sadd.s32 s21, s19  }
0x1e2: {  	s21 =	simm.s32 $0x1;
	p6 =	sne.s32 s15, $0x0;
	p1 =	por !p1, !p1  }
0x1e3: {  	s18 =	sshrl.u32 s18, $0x7;
	p0 =	por !p3, !p6;
	s21 =	simm.s32 @!p1 $0x0  }
0x1e4: {  	p0 =	por !p0, !p0;
	s15 =	ssub.s32 s18, s21;
	s18 =	simm.s32 $0x1  }
0x1e5: {  	s17 =	sshrl.u32 s17, $0x7;
	s15 =	sshll.u32 s15, $0x7;
	s18 =	simm.s32 @!p0 $0x0  }
0x1e6: {  	[sflag:s6] =	ssyncadd.s32 $0xFFFFE000;
	s15 =	sand.u32 $0x1FFFFF80, s15;
	s17 =	ssub.s32 s17, s18  }
0x1e7: {  	s19 =	simm.s32 $0x6100;
	s15 =	sadd.s32 s1, s15;
	s20 =	sshll.u32 s17, $0x7  }
0x1e8: {  	[tilespmem:s19], [sflag:$0x4] =	stream.strided.gather [hbm4b:s15+s10], $0x2000, s11, s10, $0x38;
	[tilespmem:$0x10100] =	vst v63  }
0x1e9: {  	s15 =	sand.u32 $0x1FFFFF80, s20  }
0x1ea: {  	s19 =	simm.s32 $0xE100;
	s15 =	sadd.s32 s2, s15  }
0x1eb: {  	[tilespmem:s19], [sflag:$0x8] =	stream.strided.gather [hbm4b:s15+s10], $0x2000, s11, s10, $0x38;
	[tilespmem:$0x10100] =	vst v63  }
0x1ec: {  	_ =	swait.ge [sflag:s16], $0x2000  }
0x1ed: {  	[sflag:s16] =	ssyncset.done $0x0  }
0x1ee: {  	[sflag:s16] =	ssyncadd.s32 $0xFFFFE000  }
0x1ef: {  	_ =	swait.ge [sflag:s24], $0x2000  }
0x1f0: {  	[sflag:s24] =	ssyncset.done $0x0  }
0x1f1: {  	s9 =	simm.s32 $0x4100;
	s20 =	sadd.s32 $0x3800, s13;
	[sflag:s24] =	ssyncadd.s32 $0xFFFFE000  }
0x1f2: {  	[hbm4b:s20+s4] =	stream.linear.scatter [tilespmem:s9], [sflag:$0xB], $0x2000, $0x38;
	[tilespmem:$0x10100] =	vst v63  }
0x1f3: {  	s16 =	simm.s32 $0xC100;
	s9 =	sadd.s32 $0x3800, s14  }
0x1f4: {  	[hbm4b:s9+s4] =	stream.linear.scatter [tilespmem:s16], [sflag:$0xF], $0x2000, $0x38;
	[tilespmem:$0x10100] =	vst v63  }
0x1f5: {  	_ =	swait.ge [sflag:s28], $0x2000  }
0x1f6: {  	[sflag:s28] =	ssyncset.done $0x0  }
0x1f7: {  	[sflag:s28] =	ssyncadd.s32 $0xFFFFE000  }
0x1f8: {  	_ =	swait.ge [sflag:s29], $0x2000  }
0x1f9: {  	[sflag:s29] =	ssyncset.done $0x0  }
0x1fa: {  	s18 =	simm.s32 $0x6100;
	s13 =	sadd.s32 $0x3C00, s13;
	[sflag:s29] =	ssyncadd.s32 $0xFFFFE000  }
0x1fb: {  	[hbm4b:s13+s4] =	stream.linear.scatter [tilespmem:s18], [sflag:$0xC], $0x2000, $0x38;
	[tilespmem:$0x10100] =	vst v63  }
0x1fc: {  	s19 =	sadd.s32 $0x3C00, s14;
	s20 =	simm.s32 $0xE100  }
0x1fd: {  	[hbm4b:s19+s4] =	stream.linear.scatter [tilespmem:s20], [sflag:$0x10], $0x2000, $0x38;
	[tilespmem:$0x10100] =	vst v63  }
0x1fe: {  	_ =	swait.ge [sflag:s25], $0x2000  }
0x1ff: {  	[sflag:s25] =	ssyncset.done $0x0  }
0x200: {  	[sflag:s25] =	ssyncadd.s32 $0xFFFFE000  }
0x201: {  	_ =	swait.ge [sflag:s26], $0x2000  }
0x202: {  	[sflag:s26] =	ssyncset.done $0x0  }
0x203: {  	[sflag:s26] =	ssyncadd.s32 $0xFFFFE000  }
0x204: {  	_ =	swait.ge [sflag:s30], $0x2000  }
0x205: {  	[sflag:s30] =	ssyncset.done $0x0  }
0x206: {  	[sflag:s30] =	ssyncadd.s32 $0xFFFFE000  }
0x207: {  	_ =	swait.ge [sflag:s31], $0x2000  }
0x208: {  	[sflag:s31] =	ssyncset.done $0x0  }
0x209: {  	[sflag:s31] =	ssyncadd.s32 $0xFFFFE000  }
0x20a: {  	_ =	swait.ge [sflag:s0], $0x2000  }
0x20b: {  	[sflag:s0] =	ssyncset.done $0x0  }
0x20c: {  	[sflag:s0] =	ssyncadd.s32 $0xFFFFE000  }
0x20d: {  	_ =	swait.ge [sflag:s3], $0x2000  }
0x20e: {  	[sflag:s3] =	ssyncset.done $0x0  }
0x20f: {  	[sflag:s3] =	ssyncadd.s32 $0xFFFFE000  }
0x210: {  	p0 =	sne.s32 s12, $0x1C000;
	_ =	swait.ge [sflag:s5], $0x2000  }
.Ltmp0:
0x211: {  	[sflag:s5] =	ssyncset.done $0x0;
	(pc) =	sbr.rel @p0 .LBB2_2-.Ltmp0, $4  }
0x212: {  	[sflag:s5] =	ssyncadd.s32 $0xFFFFE000  }
0x213: {  	_ =	swait.ge [sflag:s6], $0x2000  }
0x214: {  	s7 =	sadd.s32 $0x10, s7;
	s8 =	sadd.s32 $0x10, s8;
	[sflag:s6] =	ssyncset.done $0x0  }
0x215: {  	s21 =	simm.s32 $0x100;
	s12 =	sadd.s32 $0x4000, s12;
	[sflag:s6] =	ssyncadd.s32 $0xFFFFE000  }
0x216: {  	s8 =	rddreg [dreg:$0xb]  }
0x217: {  	s7 =	rddreg [dreg:$0xa];
	s8 =	sadd.s32 $0x1, s8  }
0x218: {  	p0 =	sne.s32 s8, s7  }
.Ltmp1:
0x219: {  	_ = 	snop;
	(pc) =	sbr.rel @p0 .LBB2_1-.Ltmp1, $1  }
0x21a: {  	_ =	sdelay $0x3  }
0x21b: {  	_ =	sfence.sel $0x180000  }
0x21c: {  	[bflag:$0x0] =	sbarrier.arrive $0xFFFF  }
0x21d: {  	_ =	strace $0x90000047  }
0x21e: {  	s0 =	stileid.u32;
	[bflag:$0x2] =	sbarrier.arrive $0xFFFF  }
0x21f: {  	p0 =	sne.s32 s0, $0x0;
	s0 =	rddreg [dreg:$0x5]  }
0x220: {  	s0 =	sadd.s32 @!p0 $0x100000, s0  }
0x221: {  	[sflag:s0] =	ssyncadd.tile.s32 @!p0 $0x1;
	_ =	shalt  }
.Lfunc_end2:
_tile_overlayer_lowered:
.L_overlay_start_2:
0x222: {  	(tag) =	ssettag $0x2  }
0x223: {  	s0 =	rddreg [dreg:$0x0];
	s2 =	stileid.u32  }
0x224: {  	s1 =	rddreg [dreg:$0x1];
	p0 =	sne.s32 s2, $0x0  }
0x225: {  	s3 =	rddreg [dreg:$0x2];
	[bflag:$0x3] =	sbarrier.arrive $0xFFFF;
	s2 =	simm.s32 @!p0 $0x1C11  }
0x226: {  	[timem:s3], [sflag:s2] =	dma.local @!p0 [hbm:s0], s1  }
0x227: {  	s0 =	simm.s32 @!p0 $0x11  }
0x228: {  	_ =	swait.ge @!p0 [sflag:s0], s1  }
0x229: {  	s1 =	ssub.s32 @!p0 $0x0, s1;
	[sflag:s0] =	ssyncset.done @!p0 $0x0  }
0x22a: {  	[sflag:s0] =	ssyncadd.s32 @!p0 s1  }
0x22b: {  	[bflag:$0x3] =	sbarrier.arrive $0xFFFF  }
0x22c: {  	_ =	shalt  }

</sc_bundles>
